<compile_context>
chip_gen: v7x
topology: tpu7x:2x2x1
jax: 0.10.2.dev20260603
libtpu: 0.0.44.dev20260713+nightly
codegen_flags: <defaults>
</compile_context>

<pallas_src>
import functools

import jax
import jax.numpy as jnp
from jax import lax
from jax.experimental import pallas as pl
from jax.experimental.pallas import tpu as pltpu
from jax.experimental.pallas import tpu_sc as plsc

N = 10000
NP = 10240
E = 320000
D = 64
NT = 16
EPT = E // NT
G = 128
NG = 160
EPT_PAD = NG * G
R2D = NT * NG
NSLC = NP // NT

f32 = jnp.float32
i32 = jnp.int32

_MESH = plsc.VectorSubcoreMesh(core_axis_name="c", subcore_axis_name="s")
_PARAMS = pltpu.CompilerParams(needs_layout_passes=False,
                               use_tc_tiling_on_sc=False)


def _zero_buf(buf, width):
    zero16 = jnp.zeros((16,), f32)

    def body(i, c):
        for q in range(width // 16):
            buf[i, pl.ds(q * 16, 16)] = zero16
        return c

    lax.fori_loop(0, G, body, 0)


def _zero_acc(acc, buf, ns, width):
    _zero_buf(buf, width)

    def body(kk, c):
        pltpu.sync_copy(buf, acc.at[pl.ds(ns + kk * G, G)])
        return c

    lax.fori_loop(0, NSLC // G, body, 0)
    rem = NSLC % G
    if rem:
        pltpu.sync_copy(buf.at[pl.ds(0, rem)],
                        acc.at[pl.ds(ns + (NSLC // G) * G, rem)])


def _scale(gbuf, sbuf, nwbuf, j, width):

    def ebody(e, c):
        bc = plsc.load_gather(
            nwbuf, [jnp.full((16,), j, i32), jnp.full((16,), e, i32)])
        for q in range(width // 16):
            sl = pl.ds(q * 16, 16)
            sbuf[e, sl] = gbuf[e, sl] * bc
        return c

    lax.fori_loop(0, G, ebody, 0)


def _hop2(table_ref, acc, rowbuf, colbuf, nwbuf, bufs, gsem, width):
    g0, g1 = bufs
    gb = (g0, g1)

    pltpu.async_copy(table_ref.at[rowbuf.at[0]], g0, gsem)
    pltpu.async_copy(table_ref.at[rowbuf.at[1]], g1, gsem)

    def ibody(i, c):
        for p in range(2):
            j = i * 2 + p
            pltpu.make_async_copy(
                table_ref.at[rowbuf.at[j]], gb[p], gsem).wait()
            _scale(gb[p], gb[p], nwbuf, j, width)
            pltpu.sync_copy(gb[p], acc.at[colbuf.at[j]], add=True)

            @pl.when(j + 2 < NG)
            def _():
                pltpu.async_copy(table_ref.at[rowbuf.at[j + 2]], gb[p], gsem)
        return c

    lax.fori_loop(0, NG // 2, ibody, 0)


def _hop(table_ref, acc, rowbuf, colbuf, nwbuf, bufs, gsem, ssem, width):
    gb = bufs

    pltpu.async_copy(table_ref.at[rowbuf.at[0]], gb[0], gsem)
    pltpu.async_copy(table_ref.at[rowbuf.at[1]], gb[1], gsem)

    def ibody(i, c):
        for p in range(4):
            j = i * 4 + p
            pltpu.make_async_copy(
                table_ref.at[rowbuf.at[j]], gb[p], gsem).wait()
            _scale(gb[p], gb[p], nwbuf, j, width)
            pltpu.async_copy(gb[p], acc.at[colbuf.at[j]], ssem, add=True)

            @pl.when(j + 2 < NG)
            def _():
                jm2 = jnp.maximum(j - 2, 0)

                @pl.when(j >= 2)
                def _():
                    pltpu.make_async_copy(
                        gb[(p + 2) % 4], acc.at[colbuf.at[jm2]], ssem).wait()

                pltpu.async_copy(
                    table_ref.at[rowbuf.at[j + 2]], gb[(p + 2) % 4], gsem)
        return c

    lax.fori_loop(0, NG // 4, ibody, 0)
    for t in range(4):
        j = NG - 4 + t
        pltpu.make_async_copy(gb[j % 4], acc.at[colbuf.at[j]], ssem).wait()


def _sc_rz(xh2, row2, col2, ew2):

    @functools.partial(
        pl.kernel,
        out_type=[jax.ShapeDtypeStruct((2 * NP, D), f32)] * 2
        + [jax.ShapeDtypeStruct((R2D, G), f32)],
        mesh=_MESH,
        scratch_types=[
            pltpu.VMEM((NG, G), i32),
            pltpu.VMEM((NG, G), i32),
            pltpu.VMEM((NG, G), f32),
            pltpu.VMEM((NP,), f32),
            pltpu.VMEM((G, D), f32),
            pltpu.VMEM((G, D), f32),
            pltpu.VMEM((G,), f32),
            pltpu.VMEM_SHARED((NP,), f32),
            pltpu.VMEM_SHARED((NP, D), f32),
            pltpu.SemaphoreType.DMA,
        ],
        compiler_params=_PARAMS,
    )
    def k(xh_ref, row_ref, col_ref, ew_ref,
          y1, y2, nw_out,
          rowbuf, colbuf, nwbuf, degbuf, g0, g1, onesbuf,
          deg_acc, acc1, gsem):
        bufs = (g0, g1)
        core = lax.axis_index("c")
        tile = lax.axis_index("s")
        tb = tile * NG
        ns = tile * NSLC
        zero16 = jnp.zeros((16,), f32)

        pltpu.sync_copy(row_ref.at[pl.ds(tb, NG)], rowbuf)
        pltpu.sync_copy(col_ref.at[pl.ds(tb, NG)], colbuf)
        pltpu.sync_copy(ew_ref.at[pl.ds(tb, NG)], nwbuf)

        _zero_acc(acc1, g0, ns, D)

        def zdeg(i, c):
            degbuf[pl.ds(ns + i * 16, 16)] = zero16
            return c

        lax.fori_loop(0, NSLC // 16, zdeg, 0)
        pltpu.sync_copy(degbuf.at[pl.ds(ns, NSLC)], deg_acc.at[pl.ds(ns, NSLC)])

        def ones_(i, c):
            onesbuf[pl.ds(i * 16, 16)] = jnp.ones((16,), f32)
            return c

        lax.fori_loop(0, G // 16, ones_, 0)
        plsc.subcore_barrier()

        def dbody(j, c):
            pltpu.sync_copy(onesbuf, deg_acc.at[rowbuf.at[j]], add=True)
            return c

        lax.fori_loop(0, NG, dbody, 0)
        plsc.subcore_barrier()

        pltpu.sync_copy(deg_acc, degbuf)
        roff = core * NP

        def nbody(i, c):
            j = i // 8
            q = i % 8
            sl = pl.ds(q * 16, 16)
            idx = rowbuf[j, sl]
            dg = jnp.maximum(plsc.load_gather(degbuf, [idx]), 1.0)
            nwbuf[j, sl] = nwbuf[j, sl] / dg
            rowbuf[j, sl] = idx + roff
            return c

        lax.fori_loop(0, NG * 8, nbody, 0)

        @pl.when(core == 0)
        def _():
            pltpu.sync_copy(nwbuf, nw_out.at[pl.ds(tb, NG)])

        _hop2(xh_ref, acc1, rowbuf, colbuf, nwbuf, bufs, gsem, D)
        plsc.subcore_barrier()
        pltpu.sync_copy(acc1.at[pl.ds(ns, NSLC)],
                        y1.at[pl.ds(roff + ns, NSLC)])
        _zero_acc(acc1, g0, ns, D)
        plsc.subcore_barrier()

        _hop2(y1, acc1, rowbuf, colbuf, nwbuf, bufs, gsem, D)
        plsc.subcore_barrier()
        pltpu.sync_copy(acc1.at[pl.ds(ns, NSLC)],
                        y2.at[pl.ds(roff + ns, NSLC)])

    return k(xh2, row2, col2, ew2)


def _sc_c(rh2, row2, col2, nw2):
    W = 32

    @functools.partial(
        pl.kernel,
        out_type=[jax.ShapeDtypeStruct((2 * NP, W), f32)] * 2,
        mesh=_MESH,
        scratch_types=[
            pltpu.VMEM((NG, G), i32),
            pltpu.VMEM((NG, G), i32),
            pltpu.VMEM((NG, G), f32),
            pltpu.VMEM((G, W), f32),
            pltpu.VMEM((G, W), f32),
            pltpu.VMEM((G, W), f32),
            pltpu.VMEM((G, W), f32),
            pltpu.VMEM_SHARED((NP, W), f32),
            pltpu.SemaphoreType.DMA,
            pltpu.SemaphoreType.DMA,
        ],
        compiler_params=_PARAMS,
    )
    def k(rh_ref, row_ref, col_ref, nw_ref,
          c1, c2,
          rowbuf, colbuf, nwbuf, g0, g1, g2, g3, acc1, gsem, ssem):
        bufs = (g0, g1, g2, g3)
        core = lax.axis_index("c")
        tile = lax.axis_index("s")
        tb = tile * NG
        ns = tile * NSLC
        roff = core * NP

        pltpu.sync_copy(row_ref.at[pl.ds(tb, NG)], rowbuf)
        pltpu.sync_copy(col_ref.at[pl.ds(tb, NG)], colbuf)
        pltpu.sync_copy(nw_ref.at[pl.ds(tb, NG)], nwbuf)

        def obody(i, c):
            j = i // 8
            q = i % 8
            sl = pl.ds(q * 16, 16)
            rowbuf[j, sl] = rowbuf[j, sl] + roff
            return c

        lax.fori_loop(0, NG * 8, obody, 0)

        _zero_acc(acc1, g0, ns, W)
        plsc.subcore_barrier()

        _hop(rh_ref, acc1, rowbuf, colbuf, nwbuf, bufs, gsem, ssem, W)
        plsc.subcore_barrier()
        pltpu.sync_copy(acc1.at[pl.ds(ns, NSLC)],
                        c1.at[pl.ds(roff + ns, NSLC)])
        _zero_acc(acc1, g0, ns, W)
        plsc.subcore_barrier()

        _hop(c1, acc1, rowbuf, colbuf, nwbuf, bufs, gsem, ssem, W)
        plsc.subcore_barrier()
        pltpu.sync_copy(acc1.at[pl.ds(ns, NSLC)],
                        c2.at[pl.ds(roff + ns, NSLC)])

    return k(rh2, row2, col2, nw2)


BLK1 = 1280
BLK2 = 1000


def _tc1(feats, ws, b):

    def body(x_r, h_r, a2, a3, a4, a5, w0, w1, w2, w3, w4, w5, b_r,
             rha_r, rhb_r, z_r):
        ins = (x_r, h_r, a2, a3, a4, a5)
        wrefs = (w0, w1, w2, w3, w4, w5)
        acc = b_r[:]
        for a, w in zip(ins, wrefs):
            acc = acc + jnp.dot(a[:], w[:], preferred_element_type=f32)
        r = jax.nn.sigmoid(acc[:, :D])
        z = jax.nn.sigmoid(acc[:, D:])
        rh = r * h_r[:]
        rha_r[:] = rh[:, :32]
        rhb_r[:] = rh[:, 32:]
        z_r[:] = z

    grid = (NP // BLK1,)
    fspec = pl.BlockSpec((BLK1, D), lambda i: (i, 0))
    wspec = pl.BlockSpec((D, 2 * D), lambda i: (0, 0))
    bspec = pl.BlockSpec((1, 2 * D), lambda i: (0, 0))
    return pl.pallas_call(
        body,
        grid=grid,
        in_specs=[fspec] * 6 + [wspec] * 6 + [bspec],
        out_specs=[
            pl.BlockSpec((BLK1, 32), lambda i: (i, 0)),
            pl.BlockSpec((BLK1, 32), lambda i: (i, 0)),
            pl.BlockSpec((BLK1, D), lambda i: (i, 0)),
        ],
        out_shape=[
            jax.ShapeDtypeStruct((NP, 32), f32),
            jax.ShapeDtypeStruct((NP, 32), f32),
            jax.ShapeDtypeStruct((NP, D), f32),
        ],
    )(*feats, *ws, b)


def _tc2(feats, widths, ws, b, h, z):

    def body(*refs):
        in_rs = refs[:9]
        h_r, z_r = refs[9], refs[10]
        w_rs = refs[11:20]
        b_r = refs[20]
        out_r = refs[21]
        acc = b_r[:]
        for a, w in zip(in_rs, w_rs):
            acc = acc + jnp.dot(a[:], w[:], preferred_element_type=f32)
        c = jnp.tanh(acc)
        zz = z_r[:]
        out_r[:] = zz * h_r[:] + (1.0 - zz) * c

    grid = (N // BLK2,)
    in_specs = (
        [pl.BlockSpec((BLK2, w), lambda i: (i, 0)) for w in widths]
        + [pl.BlockSpec((BLK2, D), lambda i: (i, 0))] * 2
        + [pl.BlockSpec((w, D), lambda i: (0, 0)) for w in widths]
        + [pl.BlockSpec((1, D), lambda i: (0, 0))]
    )
    return pl.pallas_call(
        body,
        grid=grid,
        in_specs=in_specs,
        out_specs=pl.BlockSpec((BLK2, D), lambda i: (i, 0)),
        out_shape=jax.ShapeDtypeStruct((N, D), f32),
    )(*feats, h, z, *ws, b)


def kernel(x, h, edge_index, edge_weight,
           Wr0, Wr1, Wr2, br, Wz0, Wz1, Wz2, bz, Wc0, Wc1, Wc2, bc):
    row = edge_index[0]
    col = edge_index[1]

    def prep(a, pad_val):
        a2 = a.reshape(NT, EPT)
        pad = jnp.full((NT, EPT_PAD - EPT), pad_val, a.dtype)
        return jnp.concatenate([a2, pad], axis=1).reshape(R2D, G)

    row2 = prep(row, NP - 1)
    col2 = prep(col, NP - 1)
    ew2 = prep(edge_weight, 0.0)
    xp = jnp.pad(x, ((0, NP - N), (0, 0)))
    hp = jnp.pad(h, ((0, NP - N), (0, 0)))
    xh2 = jnp.concatenate([xp, hp], axis=0)

    y1, y2, nw2 = _sc_rz(xh2, row2, col2, ew2)
    y1x, y1h = y1[:NP], y1[NP:]
    y2x, y2h = y2[:NP], y2[NP:]

    sl0, sl1 = slice(0, D), slice(D, 2 * D)
    wrz = [jnp.concatenate([wr[:, sl].T, wz[:, sl].T], axis=1)
           for (wr, wz, sl) in [(Wr0, Wz0, sl0), (Wr0, Wz0, sl1),
                                (Wr1, Wz1, sl0), (Wr1, Wz1, sl1),
                                (Wr2, Wz2, sl0), (Wr2, Wz2, sl1)]]
    brz = jnp.concatenate([br, bz]).reshape(1, 2 * D)
    rha, rhb, z = _tc1((xp, hp, y1x, y1h, y2x, y2h), wrz, brz)

    rh2 = jnp.concatenate([rha, rhb], axis=0)
    c1, c2 = _sc_c(rh2, row2, col2, nw2)
    c1a, c1b = c1[:NP], c1[NP:]
    c2a, c2b = c2[:NP], c2[NP:]

    cfeats = (x, rha, rhb, y1x, c1a, c1b, y2x, c2a, c2b)
    cwidths = [D, 32, 32, D, 32, 32, D, 32, 32]
    cws = [Wc0[:, :64].T, Wc0[:, 64:96].T, Wc0[:, 96:].T,
           Wc1[:, :64].T, Wc1[:, 64:96].T, Wc1[:, 96:].T,
           Wc2[:, :64].T, Wc2[:, 64:96].T, Wc2[:, 96:].T]
    return _tc2(cfeats, cwidths, cws, bc.reshape(1, D), h, z)

# --- scband reference (transcript-rebuilt; emitter-appended) ---
"""Pipeline reference for scband-dcgrucell-10471130268006 (READ-ONLY COPY).

The authoritative reference and input builder live on the scoring server;
editing this copy changes nothing except your own understanding.
"""

import jax, jax.numpy as jnp
import numpy as np

N = 10000
E = 320000
D_IN = 64
D_H = 64
K = 2
XH = D_IN + D_H


def _xavier(key, out_c, in_c):
    a = np.sqrt(6.0 / (in_c + out_c))
    return jax.random.uniform(key, (out_c, in_c), jnp.float32, -a, a)


def setup_inputs(seed: int = 0) -> dict:
    key = jax.random.key(seed)
    ks = jax.random.split(key, 16)
    inp = {}
    inp['x'] = jax.random.normal(ks[0], (N, D_IN), jnp.float32)
    inp['h'] = jax.random.normal(ks[1], (N, D_H), jnp.float32)
    inp['edge_index'] = jax.random.randint(ks[2], (2, E), 0, N, jnp.int32)
    inp['edge_weight'] = jax.random.uniform(ks[3], (E,), jnp.float32)
    # DiffConv weights: 3 gates x (K+1) linear layers (out=D_H, in=XH), plus bias per gate
    names = ['r', 'z', 'c']
    ki = 4
    for g in names:
        for k in range(K + 1):
            inp['W%s%d' % (g, k)] = _xavier(ks[ki], D_H, XH)
            ki += 1
        inp['b%s' % g] = jnp.zeros((D_H,), jnp.float32)
    return inp


def _diffconv(xh, Ws, b, row, col, norm_w):
    out = xh @ Ws[0].T
    xk = xh
    for k in range(1, K + 1):
        msg = norm_w[:, None] * xk[row]
        xk = jnp.zeros((N, xh.shape[1]), xh.dtype).at[col].add(msg)
        out = out + xk @ Ws[k].T
    return out + b


def reference(x, h, edge_index, edge_weight,
              Wr0, Wr1, Wr2, br,
              Wz0, Wz1, Wz2, bz,
              Wc0, Wc1, Wc2, bc):
    row = edge_index[0]
    col = edge_index[1]
    deg = jnp.zeros((N,), x.dtype).at[row].add(1.0)
    deg = jnp.maximum(deg, 1.0)
    norm_w = edge_weight / deg[row]
    xh = jnp.concatenate([x, h], axis=-1)
    r = jax.nn.sigmoid(_diffconv(xh, [Wr0, Wr1, Wr2], br, row, col, norm_w))
    z = jax.nn.sigmoid(_diffconv(xh, [Wz0, Wz1, Wz2], bz, row, col, norm_w))
    xrh = jnp.concatenate([x, r * h], axis=-1)
    c = jnp.tanh(_diffconv(xrh, [Wc0, Wc1, Wc2], bc, row, col, norm_w))
    h_new = z * h + (1.0 - z) * c
    return h_new

if __name__ == "__main__":
    import jax
    _d = setup_inputs()
    print(jax.jit(kernel)(*tuple(_d.values())))

</pallas_src>

<mosaic_0001>
#map = affine_map<(d0, d1) -> (0, 0)>
module attributes {stable_mosaic.version = 14 : i64} {
  func.func @k(%arg0: i32, %arg1: i32, %arg2: memref<20480x64xf32, #tpu.memory_space<hbm>>, %arg3: memref<2560x128xi32, #tpu.memory_space<hbm>>, %arg4: memref<2560x128xi32, #tpu.memory_space<hbm>>, %arg5: memref<2560x128xf32, #tpu.memory_space<hbm>>, %arg6: memref<20480x64xf32, #tpu.memory_space<hbm>>, %arg7: memref<20480x64xf32, #tpu.memory_space<hbm>>, %arg8: memref<2560x128xf32, #tpu.memory_space<hbm>>, %arg9: memref<160x128xi32, #tpu.memory_space<vmem>>, %arg10: memref<160x128xi32, #tpu.memory_space<vmem>>, %arg11: memref<160x128xf32, #tpu.memory_space<vmem>>, %arg12: memref<10240xf32, #tpu.memory_space<vmem>>, %arg13: memref<128x64xf32, #tpu.memory_space<vmem>>, %arg14: memref<128x64xf32, #tpu.memory_space<vmem>>, %arg15: memref<128xf32, #tpu.memory_space<vmem>>, %arg16: memref<10240xf32, #tpu.memory_space<vmem_shared>>, %arg17: memref<10240x64xf32, #tpu.memory_space<vmem_shared>>, %arg18: memref<!tpu.dma_semaphore, #tpu.memory_space<semaphore_mem>>) attributes {dimension_semantics = [#tpu.dimension_semantics<core_parallel>, #tpu.dimension_semantics<subcore_parallel>], iteration_bounds = array<i64: 2, 16>, scalar_prefetch = 0 : i64, scratch_operands = 10 : i64, tpu.core_type = #tpu.core_type<sc_vector_subcore>, window_params = [{transform_indices = #map}, {transform_indices = #map}, {transform_indices = #map}, {transform_indices = #map}, {transform_indices = #map}, {transform_indices = #map}, {transform_indices = #map}]} {
    %mul3A = arith.constant 160 : i32
    %mul3A_0 = arith.muli %arg1, %mul3A : i32
    %mul3A_1 = arith.constant 640 : i32
    %mul3A_2 = arith.muli %arg1, %mul3A_1 : i32
    %broadcast_in_dim3A = arith.constant 0.000000e+00 : f32
    %broadcast_in_dim3A_3 = vector.broadcast %broadcast_in_dim3A : f32 to vector<16xf32>
    "tpu.region"() ({
      %run_scoped3A = tpu.sem_alloc : memref<!tpu.dma_semaphore, #tpu.memory_space<semaphore_mem>>
      %dma_start3A_103 = arith.constant 0 : i32
      %dma_start3A_104 = tpu.memref_slice %arg3[%mul3A_0, %dma_start3A_103] : memref<2560x128xi32, #tpu.memory_space<hbm>> -> memref<160x128xi32, #tpu.memory_space<hbm>>
      %dma_start3A_105 = arith.constant 0 : i32
      %dma_start3A_106 = tpu.memref_slice %arg3[%mul3A_0, %dma_start3A_105] : memref<2560x128xi32, #tpu.memory_space<hbm>> -> memref<160x128xi32, #tpu.memory_space<hbm>>
      tpu.enqueue_dma source(%dma_start3A_106 : memref<160x128xi32, #tpu.memory_space<hbm>>) target(%arg9 : memref<160x128xi32, #tpu.memory_space<vmem>>) target_semaphore(%run_scoped3A : memref<!tpu.dma_semaphore, #tpu.memory_space<semaphore_mem>>)
      %dma_wait3A = arith.constant 0 : i32
      %dma_wait3A_107 = tpu.memref_slice %arg3[%mul3A_0, %dma_wait3A] : memref<2560x128xi32, #tpu.memory_space<hbm>> -> memref<160x128xi32, #tpu.memory_space<hbm>>
      %dma_wait3A_108 = arith.constant 0 : i32
      %dma_wait3A_109 = tpu.memref_slice %arg3[%mul3A_0, %dma_wait3A_108] : memref<2560x128xi32, #tpu.memory_space<hbm>> -> memref<160x128xi32, #tpu.memory_space<hbm>>
      tpu.wait_dma2 semaphore(%run_scoped3A : memref<!tpu.dma_semaphore, #tpu.memory_space<semaphore_mem>>) src(%dma_wait3A_109 : memref<160x128xi32, #tpu.memory_space<hbm>>) dst(%arg9 : memref<160x128xi32, #tpu.memory_space<vmem>>)
      tpu.yield
    }) : () -> ()
    "tpu.region"() ({
      %run_scoped3A = tpu.sem_alloc : memref<!tpu.dma_semaphore, #tpu.memory_space<semaphore_mem>>
      %dma_start3A_103 = arith.constant 0 : i32
      %dma_start3A_104 = tpu.memref_slice %arg4[%mul3A_0, %dma_start3A_103] : memref<2560x128xi32, #tpu.memory_space<hbm>> -> memref<160x128xi32, #tpu.memory_space<hbm>>
      %dma_start3A_105 = arith.constant 0 : i32
      %dma_start3A_106 = tpu.memref_slice %arg4[%mul3A_0, %dma_start3A_105] : memref<2560x128xi32, #tpu.memory_space<hbm>> -> memref<160x128xi32, #tpu.memory_space<hbm>>
      tpu.enqueue_dma source(%dma_start3A_106 : memref<160x128xi32, #tpu.memory_space<hbm>>) target(%arg10 : memref<160x128xi32, #tpu.memory_space<vmem>>) target_semaphore(%run_scoped3A : memref<!tpu.dma_semaphore, #tpu.memory_space<semaphore_mem>>)
      %dma_wait3A = arith.constant 0 : i32
      %dma_wait3A_107 = tpu.memref_slice %arg4[%mul3A_0, %dma_wait3A] : memref<2560x128xi32, #tpu.memory_space<hbm>> -> memref<160x128xi32, #tpu.memory_space<hbm>>
      %dma_wait3A_108 = arith.constant 0 : i32
      %dma_wait3A_109 = tpu.memref_slice %arg4[%mul3A_0, %dma_wait3A_108] : memref<2560x128xi32, #tpu.memory_space<hbm>> -> memref<160x128xi32, #tpu.memory_space<hbm>>
      tpu.wait_dma2 semaphore(%run_scoped3A : memref<!tpu.dma_semaphore, #tpu.memory_space<semaphore_mem>>) src(%dma_wait3A_109 : memref<160x128xi32, #tpu.memory_space<hbm>>) dst(%arg10 : memref<160x128xi32, #tpu.memory_space<vmem>>)
      tpu.yield
    }) : () -> ()
    "tpu.region"() ({
      %run_scoped3A = tpu.sem_alloc : memref<!tpu.dma_semaphore, #tpu.memory_space<semaphore_mem>>
      %dma_start3A_103 = arith.constant 0 : i32
      %dma_start3A_104 = tpu.memref_slice %arg5[%mul3A_0, %dma_start3A_103] : memref<2560x128xf32, #tpu.memory_space<hbm>> -> memref<160x128xf32, #tpu.memory_space<hbm>>
      %dma_start3A_105 = arith.constant 0 : i32
      %dma_start3A_106 = tpu.memref_slice %arg5[%mul3A_0, %dma_start3A_105] : memref<2560x128xf32, #tpu.memory_space<hbm>> -> memref<160x128xf32, #tpu.memory_space<hbm>>
      tpu.enqueue_dma source(%dma_start3A_106 : memref<160x128xf32, #tpu.memory_space<hbm>>) target(%arg11 : memref<160x128xf32, #tpu.memory_space<vmem>>) target_semaphore(%run_scoped3A : memref<!tpu.dma_semaphore, #tpu.memory_space<semaphore_mem>>)
      %dma_wait3A = arith.constant 0 : i32
      %dma_wait3A_107 = tpu.memref_slice %arg5[%mul3A_0, %dma_wait3A] : memref<2560x128xf32, #tpu.memory_space<hbm>> -> memref<160x128xf32, #tpu.memory_space<hbm>>
      %dma_wait3A_108 = arith.constant 0 : i32
      %dma_wait3A_109 = tpu.memref_slice %arg5[%mul3A_0, %dma_wait3A_108] : memref<2560x128xf32, #tpu.memory_space<hbm>> -> memref<160x128xf32, #tpu.memory_space<hbm>>
      tpu.wait_dma2 semaphore(%run_scoped3A : memref<!tpu.dma_semaphore, #tpu.memory_space<semaphore_mem>>) src(%dma_wait3A_109 : memref<160x128xf32, #tpu.memory_space<hbm>>) dst(%arg11 : memref<160x128xf32, #tpu.memory_space<vmem>>)
      tpu.yield
    }) : () -> ()
    %broadcast_in_dim3A_4 = arith.constant 0.000000e+00 : f32
    %broadcast_in_dim3A_5 = vector.broadcast %broadcast_in_dim3A_4 : f32 to vector<16xf32>
    %scan3A = arith.constant 0 : i32
    %scan3A_6 = arith.constant 0 : i32
    %scan3A_7 = arith.constant 128 : i32
    %scan3A_8 = arith.addi %scan3A_6, %scan3A_7 : i32
    %scan3A_9 = arith.constant 1 : i32
    scf.for %scan3A_103 = %scan3A_6 to %scan3A_8 step %scan3A_9  : i32 {
      %swap3A = arith.index_cast %scan3A_103 : i32 to index
      %swap3A_104 = arith.constant 0 : index
      %swap3A_105 = tpu.vector_load %arg13[%swap3A, %swap3A_104] {strides = array<i32>} : memref<128x64xf32, #tpu.memory_space<vmem>>, vector<16xf32>,
      tpu.vector_store %arg13[%swap3A, %swap3A_104], %broadcast_in_dim3A_5 {strides = array<i32>} : memref<128x64xf32, #tpu.memory_space<vmem>>, vector<16xf32>,
      %swap3A_106 = arith.index_cast %scan3A_103 : i32 to index
      %swap3A_107 = arith.constant 16 : index
      %swap3A_108 = tpu.vector_load %arg13[%swap3A_106, %swap3A_107] {strides = array<i32>} : memref<128x64xf32, #tpu.memory_space<vmem>>, vector<16xf32>,
      tpu.vector_store %arg13[%swap3A_106, %swap3A_107], %broadcast_in_dim3A_5 {strides = array<i32>} : memref<128x64xf32, #tpu.memory_space<vmem>>, vector<16xf32>,
      %swap3A_109 = arith.index_cast %scan3A_103 : i32 to index
      %swap3A_110 = arith.constant 32 : index
      %swap3A_111 = tpu.vector_load %arg13[%swap3A_109, %swap3A_110] {strides = array<i32>} : memref<128x64xf32, #tpu.memory_space<vmem>>, vector<16xf32>,
      tpu.vector_store %arg13[%swap3A_109, %swap3A_110], %broadcast_in_dim3A_5 {strides = array<i32>} : memref<128x64xf32, #tpu.memory_space<vmem>>, vector<16xf32>,
      %swap3A_112 = arith.index_cast %scan3A_103 : i32 to index
      %swap3A_113 = arith.constant 48 : index
      %swap3A_114 = tpu.vector_load %arg13[%swap3A_112, %swap3A_113] {strides = array<i32>} : memref<128x64xf32, #tpu.memory_space<vmem>>, vector<16xf32>,
      tpu.vector_store %arg13[%swap3A_112, %swap3A_113], %broadcast_in_dim3A_5 {strides = array<i32>} : memref<128x64xf32, #tpu.memory_space<vmem>>, vector<16xf32>,
    }
    %scan3A_10 = arith.constant 128 : i32
    %scan3A_11 = arith.constant 0 : i32
    %scan3A_12 = arith.constant 0 : i32
    %scan3A_13 = arith.constant 5 : i32
    %scan3A_14 = arith.addi %scan3A_12, %scan3A_13 : i32
    %scan3A_15 = arith.constant 1 : i32
    scf.for %scan3A_103 = %scan3A_12 to %scan3A_14 step %scan3A_15  : i32 {
      %mul3A_104 = arith.constant 128 : i32
      %mul3A_105 = arith.muli %scan3A_103, %mul3A_104 : i32
      %add3A_106 = arith.addi %mul3A_2, %mul3A_105 : i32
      "tpu.region"() ({
        %run_scoped3A = tpu.sem_alloc : memref<!tpu.dma_semaphore, #tpu.memory_space<semaphore_mem>>
        %dma_start3A_107 = arith.constant 0 : i32
        %dma_start3A_108 = tpu.memref_slice %arg17[%add3A_106, %dma_start3A_107] : memref<10240x64xf32, #tpu.memory_space<vmem_shared>> -> memref<128x64xf32, #tpu.memory_space<vmem_shared>>
        %dma_start3A_109 = arith.constant 0 : i32
        %dma_start3A_110 = tpu.memref_slice %arg17[%add3A_106, %dma_start3A_109] : memref<10240x64xf32, #tpu.memory_space<vmem_shared>> -> memref<128x64xf32, #tpu.memory_space<vmem_shared>>
        tpu.enqueue_dma source(%arg13 : memref<128x64xf32, #tpu.memory_space<vmem>>) target(%dma_start3A_110 : memref<128x64xf32, #tpu.memory_space<vmem_shared>>) target_semaphore(%run_scoped3A : memref<!tpu.dma_semaphore, #tpu.memory_space<semaphore_mem>>)
        %dma_wait3A = arith.constant 0 : i32
        %dma_wait3A_111 = tpu.memref_slice %arg17[%add3A_106, %dma_wait3A] : memref<10240x64xf32, #tpu.memory_space<vmem_shared>> -> memref<128x64xf32, #tpu.memory_space<vmem_shared>>
        %dma_wait3A_112 = arith.constant 0 : i32
        %dma_wait3A_113 = tpu.memref_slice %arg17[%add3A_106, %dma_wait3A_112] : memref<10240x64xf32, #tpu.memory_space<vmem_shared>> -> memref<128x64xf32, #tpu.memory_space<vmem_shared>>
        tpu.wait_dma2 semaphore(%run_scoped3A : memref<!tpu.dma_semaphore, #tpu.memory_space<semaphore_mem>>) src(%arg13 : memref<128x64xf32, #tpu.memory_space<vmem>>) dst(%dma_wait3A_113 : memref<128x64xf32, #tpu.memory_space<vmem_shared>>)
        tpu.yield
      }) : () -> ()
    }
    %scan3A_16 = arith.constant 5 : i32
    %scan3A_17 = arith.constant 0 : i32
    %scan3A_18 = arith.constant 0 : i32
    %scan3A_19 = arith.constant 40 : i32
    %scan3A_20 = arith.addi %scan3A_18, %scan3A_19 : i32
    %scan3A_21 = arith.constant 1 : i32
    scf.for %scan3A_103 = %scan3A_18 to %scan3A_20 step %scan3A_21  : i32 {
      %mul3A_104 = arith.constant 16 : i32
      %mul3A_105 = arith.muli %scan3A_103, %mul3A_104 : i32
      %add3A_106 = arith.addi %mul3A_2, %mul3A_105 : i32
      %swap3A = arith.index_cast %add3A_106 : i32 to index
      %swap3A_107 = tpu.vector_load %arg12[%swap3A] {strides = array<i32>} : memref<10240xf32, #tpu.memory_space<vmem>>, vector<16xf32>,
      tpu.vector_store %arg12[%swap3A], %broadcast_in_dim3A_3 {strides = array<i32>} : memref<10240xf32, #tpu.memory_space<vmem>>, vector<16xf32>,
    }
    %scan3A_22 = arith.constant 40 : i32
    "tpu.region"() ({
      %run_scoped3A = tpu.sem_alloc : memref<!tpu.dma_semaphore, #tpu.memory_space<semaphore_mem>>
      %dma_start3A_103 = tpu.memref_slice %arg12[%mul3A_2] : memref<10240xf32, #tpu.memory_space<vmem>> -> memref<640xf32, #tpu.memory_space<vmem>>
      %dma_start3A_104 = tpu.memref_slice %arg16[%mul3A_2] : memref<10240xf32, #tpu.memory_space<vmem_shared>> -> memref<640xf32, #tpu.memory_space<vmem_shared>>
      %dma_start3A_105 = tpu.memref_slice %arg16[%mul3A_2] : memref<10240xf32, #tpu.memory_space<vmem_shared>> -> memref<640xf32, #tpu.memory_space<vmem_shared>>
      %dma_start3A_106 = tpu.memref_slice %arg12[%mul3A_2] : memref<10240xf32, #tpu.memory_space<vmem>> -> memref<640xf32, #tpu.memory_space<vmem>>
      tpu.enqueue_dma source(%dma_start3A_106 : memref<640xf32, #tpu.memory_space<vmem>>) target(%dma_start3A_105 : memref<640xf32, #tpu.memory_space<vmem_shared>>) target_semaphore(%run_scoped3A : memref<!tpu.dma_semaphore, #tpu.memory_space<semaphore_mem>>)
      %dma_wait3A = tpu.memref_slice %arg12[%mul3A_2] : memref<10240xf32, #tpu.memory_space<vmem>> -> memref<640xf32, #tpu.memory_space<vmem>>
      %dma_wait3A_107 = tpu.memref_slice %arg16[%mul3A_2] : memref<10240xf32, #tpu.memory_space<vmem_shared>> -> memref<640xf32, #tpu.memory_space<vmem_shared>>
      %dma_wait3A_108 = tpu.memref_slice %arg16[%mul3A_2] : memref<10240xf32, #tpu.memory_space<vmem_shared>> -> memref<640xf32, #tpu.memory_space<vmem_shared>>
      %dma_wait3A_109 = tpu.memref_slice %arg12[%mul3A_2] : memref<10240xf32, #tpu.memory_space<vmem>> -> memref<640xf32, #tpu.memory_space<vmem>>
      tpu.wait_dma2 semaphore(%run_scoped3A : memref<!tpu.dma_semaphore, #tpu.memory_space<semaphore_mem>>) src(%dma_wait3A_109 : memref<640xf32, #tpu.memory_space<vmem>>) dst(%dma_wait3A_108 : memref<640xf32, #tpu.memory_space<vmem_shared>>)
      tpu.yield
    }) : () -> ()
    %scan3A_23 = arith.constant 0 : i32
    %scan3A_24 = arith.constant 0 : i32
    %scan3A_25 = arith.constant 8 : i32
    %scan3A_26 = arith.addi %scan3A_24, %scan3A_25 : i32
    %scan3A_27 = arith.constant 1 : i32
    scf.for %scan3A_103 = %scan3A_24 to %scan3A_26 step %scan3A_27  : i32 {
      %broadcast_in_dim3A_104 = arith.constant 1.000000e+00 : f32
      %broadcast_in_dim3A_105 = vector.broadcast %broadcast_in_dim3A_104 : f32 to vector<16xf32>
      %mul3A_106 = arith.constant 16 : i32
      %mul3A_107 = arith.muli %scan3A_103, %mul3A_106 : i32
      %swap3A = arith.index_cast %mul3A_107 : i32 to index
      %swap3A_108 = tpu.vector_load %arg15[%swap3A] {strides = array<i32>} : memref<128xf32, #tpu.memory_space<vmem>>, vector<16xf32>,
      tpu.vector_store %arg15[%swap3A], %broadcast_in_dim3A_105 {strides = array<i32>} : memref<128xf32, #tpu.memory_space<vmem>>, vector<16xf32>,
    }
    %scan3A_28 = arith.constant 8 : i32
    %barrier3A = arith.constant 0 : index
    tpu.barrier barrier_id(%barrier3A)
    %scan3A_29 = arith.constant 0 : i32
    %scan3A_30 = arith.constant 0 : i32
    %scan3A_31 = arith.constant 160 : i32
    %scan3A_32 = arith.addi %scan3A_30, %scan3A_31 : i32
    %scan3A_33 = arith.constant 1 : i32
    scf.for %scan3A_103 = %scan3A_30 to %scan3A_32 step %scan3A_33  : i32 {
      "tpu.region"() ({
        %run_scoped3A = tpu.sem_alloc : memref<!tpu.dma_semaphore, #tpu.memory_space<semaphore_mem>>
        %dma_start3A_104 = arith.constant 0 : i32
        %dma_start3A_105 = tpu.memref_slice %arg9[%scan3A_103, %dma_start3A_104] : memref<160x128xi32, #tpu.memory_space<vmem>> -> memref<1x128xi32, #tpu.memory_space<vmem>>
        %dma_start3A_106 = tpu.memref_squeeze %dma_start3A_105 : memref<1x128xi32, #tpu.memory_space<vmem>> -> memref<128xi32, #tpu.memory_space<vmem>>
        %dma_start3A_107 = arith.constant 0 : i32
        %dma_start3A_108 = tpu.memref_slice %arg16[%dma_start3A_107] : memref<10240xf32, #tpu.memory_space<vmem_shared>> -> memref<10240xf32, #tpu.memory_space<vmem_shared>>
        tpu.enqueue_indirect_dma source(%arg15 : memref<128xf32, #tpu.memory_space<vmem>>) target(%dma_start3A_108 : memref<10240xf32, #tpu.memory_space<vmem_shared>>) offsets(%dma_start3A_106 : memref<128xi32, #tpu.memory_space<vmem>>) semaphore(%run_scoped3A : memref<!tpu.dma_semaphore, #tpu.memory_space<semaphore_mem>>) {add = true}
        %dma_wait3A = arith.constant 0 : i32
        %dma_wait3A_109 = tpu.memref_slice %arg9[%scan3A_103, %dma_wait3A] : memref<160x128xi32, #tpu.memory_space<vmem>> -> memref<1x128xi32, #tpu.memory_space<vmem>>
        %dma_wait3A_110 = tpu.memref_squeeze %dma_wait3A_109 : memref<1x128xi32, #tpu.memory_space<vmem>> -> memref<128xi32, #tpu.memory_space<vmem>>
        %dma_wait3A_111 = arith.constant 0 : i32
        %dma_wait3A_112 = tpu.memref_slice %arg16[%dma_wait3A_111] : memref<10240xf32, #tpu.memory_space<vmem_shared>> -> memref<10240xf32, #tpu.memory_space<vmem_shared>>
        tpu.wait_indirect_dma semaphore(%run_scoped3A : memref<!tpu.dma_semaphore, #tpu.memory_space<semaphore_mem>>) src(%arg15 : memref<128xf32, #tpu.memory_space<vmem>>) dst(%dma_wait3A_112 : memref<10240xf32, #tpu.memory_space<vmem_shared>>)
        tpu.yield
      }) : () -> ()
    }
    %scan3A_34 = arith.constant 160 : i32
    %barrier3A_35 = arith.constant 0 : index
    tpu.barrier barrier_id(%barrier3A_35)
    "tpu.region"() ({
      %run_scoped3A = tpu.sem_alloc : memref<!tpu.dma_semaphore, #tpu.memory_space<semaphore_mem>>
      tpu.enqueue_dma source(%arg16 : memref<10240xf32, #tpu.memory_space<vmem_shared>>) target(%arg12 : memref<10240xf32, #tpu.memory_space<vmem>>) target_semaphore(%run_scoped3A : memref<!tpu.dma_semaphore, #tpu.memory_space<semaphore_mem>>)
      tpu.wait_dma2 semaphore(%run_scoped3A : memref<!tpu.dma_semaphore, #tpu.memory_space<semaphore_mem>>) src(%arg16 : memref<10240xf32, #tpu.memory_space<vmem_shared>>) dst(%arg12 : memref<10240xf32, #tpu.memory_space<vmem>>)
      tpu.yield
    }) : () -> ()
    %mul3A_36 = arith.constant 10240 : i32
    %mul3A_37 = arith.muli %arg0, %mul3A_36 : i32
    %scan3A_38 = arith.constant 0 : i32
    %scan3A_39 = arith.constant 0 : i32
    %scan3A_40 = arith.constant 1280 : i32
    %scan3A_41 = arith.addi %scan3A_39, %scan3A_40 : i32
    %scan3A_42 = arith.constant 1 : i32
    scf.for %scan3A_103 = %scan3A_39 to %scan3A_41 step %scan3A_42  : i32 {
      %jit3A = arith.constant 8 : i32
      %div3A = arith.divsi %scan3A_103, %jit3A : i32
      %sign3A = arith.constant 0 : i32
      %sign3A_104 = arith.cmpi sgt, %scan3A_103, %sign3A : i32
      %sign3A_105 = arith.extui %sign3A_104 : i1 to i32
      %sign3A_106 = arith.constant 0 : i32
      %sign3A_107 = arith.cmpi slt, %scan3A_103, %sign3A_106 : i32
      %sign3A_108 = arith.extui %sign3A_107 : i1 to i32
      %sign3A_109 = arith.subi %sign3A_105, %sign3A_108 : i32
      %sign3A_110 = arith.constant 0 : i32
      %sign3A_111 = arith.cmpi sgt, %jit3A, %sign3A_110 : i32
      %sign3A_112 = arith.extui %sign3A_111 : i1 to i32
      %sign3A_113 = arith.constant 0 : i32
      %sign3A_114 = arith.cmpi slt, %jit3A, %sign3A_113 : i32
      %sign3A_115 = arith.extui %sign3A_114 : i1 to i32
      %sign3A_116 = arith.subi %sign3A_112, %sign3A_115 : i32
      %ne3A = arith.cmpi ne, %sign3A_109, %sign3A_116 : i32
      %rem3A = arith.remsi %scan3A_103, %jit3A : i32
      %ne3A_117 = arith.constant 0 : i32
      %ne3A_118 = arith.cmpi ne, %rem3A, %ne3A_117 : i32
      %and3A = arith.andi %ne3A, %ne3A_118 : i1
      %sub3A = arith.constant 1 : i32
      %sub3A_119 = arith.subi %div3A, %sub3A : i32
      %select_n3A = arith.select %and3A, %sub3A_119, %div3A : i32
      %jit3A_120 = arith.constant 8 : i32
      %eq3A_121 = arith.constant 0 : i32
      %eq3A_122 = arith.cmpi eq, %jit3A_120, %eq3A_121 : i32
      %jit3A_123 = arith.constant 1 : i32
      %select_n3A_124 = arith.select %eq3A_122, %jit3A_123, %jit3A_120 : i32
      %rem3A_125 = arith.remsi %scan3A_103, %select_n3A_124 : i32
      %ne3A_126 = arith.constant 0 : i32
      %ne3A_127 = arith.cmpi ne, %rem3A_125, %ne3A_126 : i32
      %lt3A = arith.constant 0 : i32
      %lt3A_128 = arith.cmpi slt, %rem3A_125, %lt3A : i32
      %lt3A_129 = arith.constant 0 : i32
      %lt3A_130 = arith.cmpi slt, %select_n3A_124, %lt3A_129 : i32
      %ne3A_131 = arith.xori %lt3A_128, %lt3A_130 : i1
      %and3A_132 = arith.andi %ne3A_131, %ne3A_127 : i1
      %add3A_133 = arith.addi %rem3A_125, %select_n3A_124 : i32
      %select_n3A_134 = arith.select %and3A_132, %add3A_133, %rem3A_125 : i32
      %mul3A_135 = arith.constant 16 : i32
      %mul3A_136 = arith.muli %select_n3A_134, %mul3A_135 : i32
      %get3A = arith.index_cast %select_n3A : i32 to index
      %get3A_137 = arith.index_cast %mul3A_136 : i32 to index
      %get3A_138 = tpu.vector_load %arg9[%get3A, %get3A_137] {strides = array<i32>} : memref<160x128xi32, #tpu.memory_space<vmem>>, vector<16xi32>,
      %gather3A = tpu.vector_load_idx %arg12[%get3A_138] : memref<10240xf32, #tpu.memory_space<vmem>>[vector<16xi32>], vector<16xf32>,
      %max3A = arith.constant 1.000000e+00 : f32
      %max3A_139 = vector.broadcast %max3A : f32 to vector<16xf32>
      %max3A_140 = arith.maximumf %gather3A, %max3A_139 : vector<16xf32>
      %get3A_141 = arith.index_cast %select_n3A : i32 to index
      %get3A_142 = arith.index_cast %mul3A_136 : i32 to index
      %get3A_143 = tpu.vector_load %arg11[%get3A_141, %get3A_142] {strides = array<i32>} : memref<160x128xf32, #tpu.memory_space<vmem>>, vector<16xf32>,
      %div3A_144 = arith.divf %get3A_143, %max3A_140 : vector<16xf32>
      %swap3A = arith.index_cast %select_n3A : i32 to index
      %swap3A_145 = arith.index_cast %mul3A_136 : i32 to index
      %swap3A_146 = tpu.vector_load %arg11[%swap3A, %swap3A_145] {strides = array<i32>} : memref<160x128xf32, #tpu.memory_space<vmem>>, vector<16xf32>,
      tpu.vector_store %arg11[%swap3A, %swap3A_145], %div3A_144 {strides = array<i32>} : memref<160x128xf32, #tpu.memory_space<vmem>>, vector<16xf32>,
      %add3A_147 = vector.broadcast %mul3A_37 : i32 to vector<16xi32>
      %add3A_148 = arith.addi %get3A_138, %add3A_147 : vector<16xi32>
      %swap3A_149 = arith.index_cast %select_n3A : i32 to index
      %swap3A_150 = arith.index_cast %mul3A_136 : i32 to index
      %swap3A_151 = tpu.vector_load %arg9[%swap3A_149, %swap3A_150] {strides = array<i32>} : memref<160x128xi32, #tpu.memory_space<vmem>>, vector<16xi32>,
      tpu.vector_store %arg9[%swap3A_149, %swap3A_150], %add3A_148 {strides = array<i32>} : memref<160x128xi32, #tpu.memory_space<vmem>>, vector<16xi32>,
    }
    %scan3A_43 = arith.constant 1280 : i32
    %eq3A = arith.constant 0 : i32
    %eq3A_44 = arith.cmpi eq, %arg0, %eq3A : i32
    %convert_element_type3A = arith.extui %eq3A_44 : i1 to i32
    %cond3A = arith.constant 0 : i32
    %cond3A_45 = arith.cmpi ne, %convert_element_type3A, %cond3A : i32
    scf.if %cond3A_45 {
      "tpu.region"() ({
        %run_scoped3A = tpu.sem_alloc : memref<!tpu.dma_semaphore, #tpu.memory_space<semaphore_mem>>
        %dma_start3A_103 = arith.constant 0 : i32
        %dma_start3A_104 = tpu.memref_slice %arg8[%mul3A_0, %dma_start3A_103] : memref<2560x128xf32, #tpu.memory_space<hbm>> -> memref<160x128xf32, #tpu.memory_space<hbm>>
        %dma_start3A_105 = arith.constant 0 : i32
        %dma_start3A_106 = tpu.memref_slice %arg8[%mul3A_0, %dma_start3A_105] : memref<2560x128xf32, #tpu.memory_space<hbm>> -> memref<160x128xf32, #tpu.memory_space<hbm>>
        tpu.enqueue_dma source(%arg11 : memref<160x128xf32, #tpu.memory_space<vmem>>) target(%dma_start3A_106 : memref<160x128xf32, #tpu.memory_space<hbm>>) target_semaphore(%run_scoped3A : memref<!tpu.dma_semaphore, #tpu.memory_space<semaphore_mem>>)
        %dma_wait3A = arith.constant 0 : i32
        %dma_wait3A_107 = tpu.memref_slice %arg8[%mul3A_0, %dma_wait3A] : memref<2560x128xf32, #tpu.memory_space<hbm>> -> memref<160x128xf32, #tpu.memory_space<hbm>>
        %dma_wait3A_108 = arith.constant 0 : i32
        %dma_wait3A_109 = tpu.memref_slice %arg8[%mul3A_0, %dma_wait3A_108] : memref<2560x128xf32, #tpu.memory_space<hbm>> -> memref<160x128xf32, #tpu.memory_space<hbm>>
        tpu.wait_dma2 semaphore(%run_scoped3A : memref<!tpu.dma_semaphore, #tpu.memory_space<semaphore_mem>>) src(%arg11 : memref<160x128xf32, #tpu.memory_space<vmem>>) dst(%dma_wait3A_109 : memref<160x128xf32, #tpu.memory_space<hbm>>)
        tpu.yield
      }) : () -> ()
    } else {
    }
    %dma_start3A = arith.constant 0 : i32
    %dma_start3A_46 = arith.constant 0 : i32
    %dma_start3A_47 = tpu.memref_slice %arg9[%dma_start3A, %dma_start3A_46] : memref<160x128xi32, #tpu.memory_space<vmem>> -> memref<1x128xi32, #tpu.memory_space<vmem>>
    %dma_start3A_48 = tpu.memref_squeeze %dma_start3A_47 : memref<1x128xi32, #tpu.memory_space<vmem>> -> memref<128xi32, #tpu.memory_space<vmem>>
    %dma_start3A_49 = arith.constant 0 : i32
    %dma_start3A_50 = arith.constant 0 : i32
    %dma_start3A_51 = tpu.memref_slice %arg2[%dma_start3A_49, %dma_start3A_50] : memref<20480x64xf32, #tpu.memory_space<hbm>> -> memref<20480x64xf32, #tpu.memory_space<hbm>>
    tpu.enqueue_indirect_dma source(%dma_start3A_51 : memref<20480x64xf32, #tpu.memory_space<hbm>>) target(%arg13 : memref<128x64xf32, #tpu.memory_space<vmem>>) offsets(%dma_start3A_48 : memref<128xi32, #tpu.memory_space<vmem>>) semaphore(%arg18 : memref<!tpu.dma_semaphore, #tpu.memory_space<semaphore_mem>>)
    %dma_start3A_52 = arith.constant 1 : i32
    %dma_start3A_53 = arith.constant 0 : i32
    %dma_start3A_54 = tpu.memref_slice %arg9[%dma_start3A_52, %dma_start3A_53] : memref<160x128xi32, #tpu.memory_space<vmem>> -> memref<1x128xi32, #tpu.memory_space<vmem>>
    %dma_start3A_55 = tpu.memref_squeeze %dma_start3A_54 : memref<1x128xi32, #tpu.memory_space<vmem>> -> memref<128xi32, #tpu.memory_space<vmem>>
    %dma_start3A_56 = arith.constant 0 : i32
    %dma_start3A_57 = arith.constant 0 : i32
    %dma_start3A_58 = tpu.memref_slice %arg2[%dma_start3A_56, %dma_start3A_57] : memref<20480x64xf32, #tpu.memory_space<hbm>> -> memref<20480x64xf32, #tpu.memory_space<hbm>>
    tpu.enqueue_indirect_dma source(%dma_start3A_58 : memref<20480x64xf32, #tpu.memory_space<hbm>>) target(%arg14 : memref<128x64xf32, #tpu.memory_space<vmem>>) offsets(%dma_start3A_55 : memref<128xi32, #tpu.memory_space<vmem>>) semaphore(%arg18 : memref<!tpu.dma_semaphore, #tpu.memory_space<semaphore_mem>>)
    %scan3A_59 = arith.constant 0 : i32
    %scan3A_60 = arith.constant 0 : i32
    %scan3A_61 = arith.constant 80 : i32
    %scan3A_62 = arith.addi %scan3A_60, %scan3A_61 : i32
    %scan3A_63 = arith.constant 1 : i32
    scf.for %scan3A_103 = %scan3A_60 to %scan3A_62 step %scan3A_63  : i32 {
      %mul3A_104 = arith.constant 2 : i32
      %mul3A_105 = arith.muli %scan3A_103, %mul3A_104 : i32
      %add3A_106 = arith.constant 0 : i32
      %add3A_107 = arith.addi %mul3A_105, %add3A_106 : i32
      %dma_wait3A = arith.constant 0 : i32
      %dma_wait3A_108 = tpu.memref_slice %arg9[%add3A_107, %dma_wait3A] : memref<160x128xi32, #tpu.memory_space<vmem>> -> memref<1x128xi32, #tpu.memory_space<vmem>>
      %dma_wait3A_109 = tpu.memref_squeeze %dma_wait3A_108 : memref<1x128xi32, #tpu.memory_space<vmem>> -> memref<128xi32, #tpu.memory_space<vmem>>
      %dma_wait3A_110 = arith.constant 0 : i32
      %dma_wait3A_111 = arith.constant 0 : i32
      %dma_wait3A_112 = tpu.memref_slice %arg2[%dma_wait3A_110, %dma_wait3A_111] : memref<20480x64xf32, #tpu.memory_space<hbm>> -> memref<20480x64xf32, #tpu.memory_space<hbm>>
      tpu.wait_indirect_dma semaphore(%arg18 : memref<!tpu.dma_semaphore, #tpu.memory_space<semaphore_mem>>) src(%dma_wait3A_112 : memref<20480x64xf32, #tpu.memory_space<hbm>>) dst(%arg13 : memref<128x64xf32, #tpu.memory_space<vmem>>)
      %scan3A_113 = arith.constant 0 : i32
      %scan3A_114 = arith.constant 0 : i32
      %scan3A_115 = arith.constant 128 : i32
      %scan3A_116 = arith.addi %scan3A_114, %scan3A_115 : i32
      %scan3A_117 = arith.constant 1 : i32
      scf.for %scan3A_148 = %scan3A_114 to %scan3A_116 step %scan3A_117  : i32 {
        %broadcast_in_dim3A_149 = vector.broadcast %add3A_107 : i32 to vector<16xi32>
        %broadcast_in_dim3A_150 = vector.broadcast %scan3A_148 : i32 to vector<16xi32>
        %gather3A = tpu.vector_load_idx %arg11[%broadcast_in_dim3A_149, %broadcast_in_dim3A_150] : memref<160x128xf32, #tpu.memory_space<vmem>>[vector<16xi32>, vector<16xi32>], vector<16xf32>,
        %get3A = arith.index_cast %scan3A_148 : i32 to index
        %get3A_151 = arith.constant 0 : index
        %get3A_152 = tpu.vector_load %arg13[%get3A, %get3A_151] {strides = array<i32>} : memref<128x64xf32, #tpu.memory_space<vmem>>, vector<16xf32>,
        %mul3A_153 = arith.mulf %get3A_152, %gather3A : vector<16xf32>
        %swap3A = arith.index_cast %scan3A_148 : i32 to index
        %swap3A_154 = arith.constant 0 : index
        %swap3A_155 = tpu.vector_load %arg13[%swap3A, %swap3A_154] {strides = array<i32>} : memref<128x64xf32, #tpu.memory_space<vmem>>, vector<16xf32>,
        tpu.vector_store %arg13[%swap3A, %swap3A_154], %mul3A_153 {strides = array<i32>} : memref<128x64xf32, #tpu.memory_space<vmem>>, vector<16xf32>,
        %get3A_156 = arith.index_cast %scan3A_148 : i32 to index
        %get3A_157 = arith.constant 16 : index
        %get3A_158 = tpu.vector_load %arg13[%get3A_156, %get3A_157] {strides = array<i32>} : memref<128x64xf32, #tpu.memory_space<vmem>>, vector<16xf32>,
        %mul3A_159 = arith.mulf %get3A_158, %gather3A : vector<16xf32>
        %swap3A_160 = arith.index_cast %scan3A_148 : i32 to index
        %swap3A_161 = arith.constant 16 : index
        %swap3A_162 = tpu.vector_load %arg13[%swap3A_160, %swap3A_161] {strides = array<i32>} : memref<128x64xf32, #tpu.memory_space<vmem>>, vector<16xf32>,
        tpu.vector_store %arg13[%swap3A_160, %swap3A_161], %mul3A_159 {strides = array<i32>} : memref<128x64xf32, #tpu.memory_space<vmem>>, vector<16xf32>,
        %get3A_163 = arith.index_cast %scan3A_148 : i32 to index
        %get3A_164 = arith.constant 32 : index
        %get3A_165 = tpu.vector_load %arg13[%get3A_163, %get3A_164] {strides = array<i32>} : memref<128x64xf32, #tpu.memory_space<vmem>>, vector<16xf32>,
        %mul3A_166 = arith.mulf %get3A_165, %gather3A : vector<16xf32>
        %swap3A_167 = arith.index_cast %scan3A_148 : i32 to index
        %swap3A_168 = arith.constant 32 : index
        %swap3A_169 = tpu.vector_load %arg13[%swap3A_167, %swap3A_168] {strides = array<i32>} : memref<128x64xf32, #tpu.memory_space<vmem>>, vector<16xf32>,
        tpu.vector_store %arg13[%swap3A_167, %swap3A_168], %mul3A_166 {strides = array<i32>} : memref<128x64xf32, #tpu.memory_space<vmem>>, vector<16xf32>,
        %get3A_170 = arith.index_cast %scan3A_148 : i32 to index
        %get3A_171 = arith.constant 48 : index
        %get3A_172 = tpu.vector_load %arg13[%get3A_170, %get3A_171] {strides = array<i32>} : memref<128x64xf32, #tpu.memory_space<vmem>>, vector<16xf32>,
        %mul3A_173 = arith.mulf %get3A_172, %gather3A : vector<16xf32>
        %swap3A_174 = arith.index_cast %scan3A_148 : i32 to index
        %swap3A_175 = arith.constant 48 : index
        %swap3A_176 = tpu.vector_load %arg13[%swap3A_174, %swap3A_175] {strides = array<i32>} : memref<128x64xf32, #tpu.memory_space<vmem>>, vector<16xf32>,
        tpu.vector_store %arg13[%swap3A_174, %swap3A_175], %mul3A_173 {strides = array<i32>} : memref<128x64xf32, #tpu.memory_space<vmem>>, vector<16xf32>,
      }
      %scan3A_118 = arith.constant 128 : i32
      "tpu.region"() ({
        %run_scoped3A = tpu.sem_alloc : memref<!tpu.dma_semaphore, #tpu.memory_space<semaphore_mem>>
        %dma_start3A_148 = arith.constant 0 : i32
        %dma_start3A_149 = tpu.memref_slice %arg10[%add3A_107, %dma_start3A_148] : memref<160x128xi32, #tpu.memory_space<vmem>> -> memref<1x128xi32, #tpu.memory_space<vmem>>
        %dma_start3A_150 = tpu.memref_squeeze %dma_start3A_149 : memref<1x128xi32, #tpu.memory_space<vmem>> -> memref<128xi32, #tpu.memory_space<vmem>>
        %dma_start3A_151 = arith.constant 0 : i32
        %dma_start3A_152 = arith.constant 0 : i32
        %dma_start3A_153 = tpu.memref_slice %arg17[%dma_start3A_151, %dma_start3A_152] : memref<10240x64xf32, #tpu.memory_space<vmem_shared>> -> memref<10240x64xf32, #tpu.memory_space<vmem_shared>>
        tpu.enqueue_indirect_dma source(%arg13 : memref<128x64xf32, #tpu.memory_space<vmem>>) target(%dma_start3A_153 : memref<10240x64xf32, #tpu.memory_space<vmem_shared>>) offsets(%dma_start3A_150 : memref<128xi32, #tpu.memory_space<vmem>>) semaphore(%run_scoped3A : memref<!tpu.dma_semaphore, #tpu.memory_space<semaphore_mem>>) {add = true}
        %dma_wait3A_154 = arith.constant 0 : i32
        %dma_wait3A_155 = tpu.memref_slice %arg10[%add3A_107, %dma_wait3A_154] : memref<160x128xi32, #tpu.memory_space<vmem>> -> memref<1x128xi32, #tpu.memory_space<vmem>>
        %dma_wait3A_156 = tpu.memref_squeeze %dma_wait3A_155 : memref<1x128xi32, #tpu.memory_space<vmem>> -> memref<128xi32, #tpu.memory_space<vmem>>
        %dma_wait3A_157 = arith.constant 0 : i32
        %dma_wait3A_158 = arith.constant 0 : i32
        %dma_wait3A_159 = tpu.memref_slice %arg17[%dma_wait3A_157, %dma_wait3A_158] : memref<10240x64xf32, #tpu.memory_space<vmem_shared>> -> memref<10240x64xf32, #tpu.memory_space<vmem_shared>>
        tpu.wait_indirect_dma semaphore(%run_scoped3A : memref<!tpu.dma_semaphore, #tpu.memory_space<semaphore_mem>>) src(%arg13 : memref<128x64xf32, #tpu.memory_space<vmem>>) dst(%dma_wait3A_159 : memref<10240x64xf32, #tpu.memory_space<vmem_shared>>)
        tpu.yield
      }) : () -> ()
      %add3A_119 = arith.constant 2 : i32
      %add3A_120 = arith.addi %add3A_107, %add3A_119 : i32
      %lt3A = arith.constant 160 : i32
      %lt3A_121 = arith.cmpi slt, %add3A_120, %lt3A : i32
      %convert_element_type3A_122 = arith.extui %lt3A_121 : i1 to i32
      %cond3A_123 = arith.constant 0 : i32
      %cond3A_124 = arith.cmpi ne, %convert_element_type3A_122, %cond3A_123 : i32
      scf.if %cond3A_124 {
        %add3A_148 = arith.constant 2 : i32
        %add3A_149 = arith.addi %add3A_107, %add3A_148 : i32
        %dma_start3A_150 = arith.constant 0 : i32
        %dma_start3A_151 = tpu.memref_slice %arg9[%add3A_149, %dma_start3A_150] : memref<160x128xi32, #tpu.memory_space<vmem>> -> memref<1x128xi32, #tpu.memory_space<vmem>>
        %dma_start3A_152 = tpu.memref_squeeze %dma_start3A_151 : memref<1x128xi32, #tpu.memory_space<vmem>> -> memref<128xi32, #tpu.memory_space<vmem>>
        %dma_start3A_153 = arith.constant 0 : i32
        %dma_start3A_154 = arith.constant 0 : i32
        %dma_start3A_155 = tpu.memref_slice %arg2[%dma_start3A_153, %dma_start3A_154] : memref<20480x64xf32, #tpu.memory_space<hbm>> -> memref<20480x64xf32, #tpu.memory_space<hbm>>
        tpu.enqueue_indirect_dma source(%dma_start3A_155 : memref<20480x64xf32, #tpu.memory_space<hbm>>) target(%arg13 : memref<128x64xf32, #tpu.memory_space<vmem>>) offsets(%dma_start3A_152 : memref<128xi32, #tpu.memory_space<vmem>>) semaphore(%arg18 : memref<!tpu.dma_semaphore, #tpu.memory_space<semaphore_mem>>)
      } else {
      }
      %mul3A_125 = arith.constant 2 : i32
      %mul3A_126 = arith.muli %scan3A_103, %mul3A_125 : i32
      %add3A_127 = arith.constant 1 : i32
      %add3A_128 = arith.addi %mul3A_126, %add3A_127 : i32
      %dma_wait3A_129 = arith.constant 0 : i32
      %dma_wait3A_130 = tpu.memref_slice %arg9[%add3A_128, %dma_wait3A_129] : memref<160x128xi32, #tpu.memory_space<vmem>> -> memref<1x128xi32, #tpu.memory_space<vmem>>
      %dma_wait3A_131 = tpu.memref_squeeze %dma_wait3A_130 : memref<1x128xi32, #tpu.memory_space<vmem>> -> memref<128xi32, #tpu.memory_space<vmem>>
      %dma_wait3A_132 = arith.constant 0 : i32
      %dma_wait3A_133 = arith.constant 0 : i32
      %dma_wait3A_134 = tpu.memref_slice %arg2[%dma_wait3A_132, %dma_wait3A_133] : memref<20480x64xf32, #tpu.memory_space<hbm>> -> memref<20480x64xf32, #tpu.memory_space<hbm>>
      tpu.wait_indirect_dma semaphore(%arg18 : memref<!tpu.dma_semaphore, #tpu.memory_space<semaphore_mem>>) src(%dma_wait3A_134 : memref<20480x64xf32, #tpu.memory_space<hbm>>) dst(%arg14 : memref<128x64xf32, #tpu.memory_space<vmem>>)
      %scan3A_135 = arith.constant 0 : i32
      %scan3A_136 = arith.constant 0 : i32
      %scan3A_137 = arith.constant 128 : i32
      %scan3A_138 = arith.addi %scan3A_136, %scan3A_137 : i32
      %scan3A_139 = arith.constant 1 : i32
      scf.for %scan3A_148 = %scan3A_136 to %scan3A_138 step %scan3A_139  : i32 {
        %broadcast_in_dim3A_149 = vector.broadcast %add3A_128 : i32 to vector<16xi32>
        %broadcast_in_dim3A_150 = vector.broadcast %scan3A_148 : i32 to vector<16xi32>
        %gather3A = tpu.vector_load_idx %arg11[%broadcast_in_dim3A_149, %broadcast_in_dim3A_150] : memref<160x128xf32, #tpu.memory_space<vmem>>[vector<16xi32>, vector<16xi32>], vector<16xf32>,
        %get3A = arith.index_cast %scan3A_148 : i32 to index
        %get3A_151 = arith.constant 0 : index
        %get3A_152 = tpu.vector_load %arg14[%get3A, %get3A_151] {strides = array<i32>} : memref<128x64xf32, #tpu.memory_space<vmem>>, vector<16xf32>,
        %mul3A_153 = arith.mulf %get3A_152, %gather3A : vector<16xf32>
        %swap3A = arith.index_cast %scan3A_148 : i32 to index
        %swap3A_154 = arith.constant 0 : index
        %swap3A_155 = tpu.vector_load %arg14[%swap3A, %swap3A_154] {strides = array<i32>} : memref<128x64xf32, #tpu.memory_space<vmem>>, vector<16xf32>,
        tpu.vector_store %arg14[%swap3A, %swap3A_154], %mul3A_153 {strides = array<i32>} : memref<128x64xf32, #tpu.memory_space<vmem>>, vector<16xf32>,
        %get3A_156 = arith.index_cast %scan3A_148 : i32 to index
        %get3A_157 = arith.constant 16 : index
        %get3A_158 = tpu.vector_load %arg14[%get3A_156, %get3A_157] {strides = array<i32>} : memref<128x64xf32, #tpu.memory_space<vmem>>, vector<16xf32>,
        %mul3A_159 = arith.mulf %get3A_158, %gather3A : vector<16xf32>
        %swap3A_160 = arith.index_cast %scan3A_148 : i32 to index
        %swap3A_161 = arith.constant 16 : index
        %swap3A_162 = tpu.vector_load %arg14[%swap3A_160, %swap3A_161] {strides = array<i32>} : memref<128x64xf32, #tpu.memory_space<vmem>>, vector<16xf32>,
        tpu.vector_store %arg14[%swap3A_160, %swap3A_161], %mul3A_159 {strides = array<i32>} : memref<128x64xf32, #tpu.memory_space<vmem>>, vector<16xf32>,
        %get3A_163 = arith.index_cast %scan3A_148 : i32 to index
        %get3A_164 = arith.constant 32 : index
        %get3A_165 = tpu.vector_load %arg14[%get3A_163, %get3A_164] {strides = array<i32>} : memref<128x64xf32, #tpu.memory_space<vmem>>, vector<16xf32>,
        %mul3A_166 = arith.mulf %get3A_165, %gather3A : vector<16xf32>
        %swap3A_167 = arith.index_cast %scan3A_148 : i32 to index
        %swap3A_168 = arith.constant 32 : index
        %swap3A_169 = tpu.vector_load %arg14[%swap3A_167, %swap3A_168] {strides = array<i32>} : memref<128x64xf32, #tpu.memory_space<vmem>>, vector<16xf32>,
        tpu.vector_store %arg14[%swap3A_167, %swap3A_168], %mul3A_166 {strides = array<i32>} : memref<128x64xf32, #tpu.memory_space<vmem>>, vector<16xf32>,
        %get3A_170 = arith.index_cast %scan3A_148 : i32 to index
        %get3A_171 = arith.constant 48 : index
        %get3A_172 = tpu.vector_load %arg14[%get3A_170, %get3A_171] {strides = array<i32>} : memref<128x64xf32, #tpu.memory_space<vmem>>, vector<16xf32>,
        %mul3A_173 = arith.mulf %get3A_172, %gather3A : vector<16xf32>
        %swap3A_174 = arith.index_cast %scan3A_148 : i32 to index
        %swap3A_175 = arith.constant 48 : index
        %swap3A_176 = tpu.vector_load %arg14[%swap3A_174, %swap3A_175] {strides = array<i32>} : memref<128x64xf32, #tpu.memory_space<vmem>>, vector<16xf32>,
        tpu.vector_store %arg14[%swap3A_174, %swap3A_175], %mul3A_173 {strides = array<i32>} : memref<128x64xf32, #tpu.memory_space<vmem>>, vector<16xf32>,
      }
      %scan3A_140 = arith.constant 128 : i32
      "tpu.region"() ({
        %run_scoped3A = tpu.sem_alloc : memref<!tpu.dma_semaphore, #tpu.memory_space<semaphore_mem>>
        %dma_start3A_148 = arith.constant 0 : i32
        %dma_start3A_149 = tpu.memref_slice %arg10[%add3A_128, %dma_start3A_148] : memref<160x128xi32, #tpu.memory_space<vmem>> -> memref<1x128xi32, #tpu.memory_space<vmem>>
        %dma_start3A_150 = tpu.memref_squeeze %dma_start3A_149 : memref<1x128xi32, #tpu.memory_space<vmem>> -> memref<128xi32, #tpu.memory_space<vmem>>
        %dma_start3A_151 = arith.constant 0 : i32
        %dma_start3A_152 = arith.constant 0 : i32
        %dma_start3A_153 = tpu.memref_slice %arg17[%dma_start3A_151, %dma_start3A_152] : memref<10240x64xf32, #tpu.memory_space<vmem_shared>> -> memref<10240x64xf32, #tpu.memory_space<vmem_shared>>
        tpu.enqueue_indirect_dma source(%arg14 : memref<128x64xf32, #tpu.memory_space<vmem>>) target(%dma_start3A_153 : memref<10240x64xf32, #tpu.memory_space<vmem_shared>>) offsets(%dma_start3A_150 : memref<128xi32, #tpu.memory_space<vmem>>) semaphore(%run_scoped3A : memref<!tpu.dma_semaphore, #tpu.memory_space<semaphore_mem>>) {add = true}
        %dma_wait3A_154 = arith.constant 0 : i32
        %dma_wait3A_155 = tpu.memref_slice %arg10[%add3A_128, %dma_wait3A_154] : memref<160x128xi32, #tpu.memory_space<vmem>> -> memref<1x128xi32, #tpu.memory_space<vmem>>
        %dma_wait3A_156 = tpu.memref_squeeze %dma_wait3A_155 : memref<1x128xi32, #tpu.memory_space<vmem>> -> memref<128xi32, #tpu.memory_space<vmem>>
        %dma_wait3A_157 = arith.constant 0 : i32
        %dma_wait3A_158 = arith.constant 0 : i32
        %dma_wait3A_159 = tpu.memref_slice %arg17[%dma_wait3A_157, %dma_wait3A_158] : memref<10240x64xf32, #tpu.memory_space<vmem_shared>> -> memref<10240x64xf32, #tpu.memory_space<vmem_shared>>
        tpu.wait_indirect_dma semaphore(%run_scoped3A : memref<!tpu.dma_semaphore, #tpu.memory_space<semaphore_mem>>) src(%arg14 : memref<128x64xf32, #tpu.memory_space<vmem>>) dst(%dma_wait3A_159 : memref<10240x64xf32, #tpu.memory_space<vmem_shared>>)
        tpu.yield
      }) : () -> ()
      %add3A_141 = arith.constant 2 : i32
      %add3A_142 = arith.addi %add3A_128, %add3A_141 : i32
      %lt3A_143 = arith.constant 160 : i32
      %lt3A_144 = arith.cmpi slt, %add3A_142, %lt3A_143 : i32
      %convert_element_type3A_145 = arith.extui %lt3A_144 : i1 to i32
      %cond3A_146 = arith.constant 0 : i32
      %cond3A_147 = arith.cmpi ne, %convert_element_type3A_145, %cond3A_146 : i32
      scf.if %cond3A_147 {
        %add3A_148 = arith.constant 2 : i32
        %add3A_149 = arith.addi %add3A_128, %add3A_148 : i32
        %dma_start3A_150 = arith.constant 0 : i32
        %dma_start3A_151 = tpu.memref_slice %arg9[%add3A_149, %dma_start3A_150] : memref<160x128xi32, #tpu.memory_space<vmem>> -> memref<1x128xi32, #tpu.memory_space<vmem>>
        %dma_start3A_152 = tpu.memref_squeeze %dma_start3A_151 : memref<1x128xi32, #tpu.memory_space<vmem>> -> memref<128xi32, #tpu.memory_space<vmem>>
        %dma_start3A_153 = arith.constant 0 : i32
        %dma_start3A_154 = arith.constant 0 : i32
        %dma_start3A_155 = tpu.memref_slice %arg2[%dma_start3A_153, %dma_start3A_154] : memref<20480x64xf32, #tpu.memory_space<hbm>> -> memref<20480x64xf32, #tpu.memory_space<hbm>>
        tpu.enqueue_indirect_dma source(%dma_start3A_155 : memref<20480x64xf32, #tpu.memory_space<hbm>>) target(%arg14 : memref<128x64xf32, #tpu.memory_space<vmem>>) offsets(%dma_start3A_152 : memref<128xi32, #tpu.memory_space<vmem>>) semaphore(%arg18 : memref<!tpu.dma_semaphore, #tpu.memory_space<semaphore_mem>>)
      } else {
      }
    }
    %scan3A_64 = arith.constant 80 : i32
    %barrier3A_65 = arith.constant 0 : index
    tpu.barrier barrier_id(%barrier3A_65)
    %add3A = arith.addi %mul3A_37, %mul3A_2 : i32
    "tpu.region"() ({
      %run_scoped3A = tpu.sem_alloc : memref<!tpu.dma_semaphore, #tpu.memory_space<semaphore_mem>>
      %dma_start3A_103 = arith.constant 0 : i32
      %dma_start3A_104 = tpu.memref_slice %arg6[%add3A, %dma_start3A_103] : memref<20480x64xf32, #tpu.memory_space<hbm>> -> memref<640x64xf32, #tpu.memory_space<hbm>>
      %dma_start3A_105 = arith.constant 0 : i32
      %dma_start3A_106 = tpu.memref_slice %arg17[%mul3A_2, %dma_start3A_105] : memref<10240x64xf32, #tpu.memory_space<vmem_shared>> -> memref<640x64xf32, #tpu.memory_space<vmem_shared>>
      tpu.enqueue_dma source(%dma_start3A_106 : memref<640x64xf32, #tpu.memory_space<vmem_shared>>) target(%dma_start3A_104 : memref<640x64xf32, #tpu.memory_space<hbm>>) target_semaphore(%run_scoped3A : memref<!tpu.dma_semaphore, #tpu.memory_space<semaphore_mem>>)
      %dma_wait3A = arith.constant 0 : i32
      %dma_wait3A_107 = tpu.memref_slice %arg6[%add3A, %dma_wait3A] : memref<20480x64xf32, #tpu.memory_space<hbm>> -> memref<640x64xf32, #tpu.memory_space<hbm>>
      %dma_wait3A_108 = arith.constant 0 : i32
      %dma_wait3A_109 = tpu.memref_slice %arg17[%mul3A_2, %dma_wait3A_108] : memref<10240x64xf32, #tpu.memory_space<vmem_shared>> -> memref<640x64xf32, #tpu.memory_space<vmem_shared>>
      tpu.wait_dma2 semaphore(%run_scoped3A : memref<!tpu.dma_semaphore, #tpu.memory_space<semaphore_mem>>) src(%dma_wait3A_109 : memref<640x64xf32, #tpu.memory_space<vmem_shared>>) dst(%dma_wait3A_107 : memref<640x64xf32, #tpu.memory_space<hbm>>)
      tpu.yield
    }) : () -> ()
    %broadcast_in_dim3A_66 = arith.constant 0.000000e+00 : f32
    %broadcast_in_dim3A_67 = vector.broadcast %broadcast_in_dim3A_66 : f32 to vector<16xf32>
    %scan3A_68 = arith.constant 0 : i32
    %scan3A_69 = arith.constant 0 : i32
    %scan3A_70 = arith.constant 128 : i32
    %scan3A_71 = arith.addi %scan3A_69, %scan3A_70 : i32
    %scan3A_72 = arith.constant 1 : i32
    scf.for %scan3A_103 = %scan3A_69 to %scan3A_71 step %scan3A_72  : i32 {
      %swap3A = arith.index_cast %scan3A_103 : i32 to index
      %swap3A_104 = arith.constant 0 : index
      %swap3A_105 = tpu.vector_load %arg13[%swap3A, %swap3A_104] {strides = array<i32>} : memref<128x64xf32, #tpu.memory_space<vmem>>, vector<16xf32>,
      tpu.vector_store %arg13[%swap3A, %swap3A_104], %broadcast_in_dim3A_67 {strides = array<i32>} : memref<128x64xf32, #tpu.memory_space<vmem>>, vector<16xf32>,
      %swap3A_106 = arith.index_cast %scan3A_103 : i32 to index
      %swap3A_107 = arith.constant 16 : index
      %swap3A_108 = tpu.vector_load %arg13[%swap3A_106, %swap3A_107] {strides = array<i32>} : memref<128x64xf32, #tpu.memory_space<vmem>>, vector<16xf32>,
      tpu.vector_store %arg13[%swap3A_106, %swap3A_107], %broadcast_in_dim3A_67 {strides = array<i32>} : memref<128x64xf32, #tpu.memory_space<vmem>>, vector<16xf32>,
      %swap3A_109 = arith.index_cast %scan3A_103 : i32 to index
      %swap3A_110 = arith.constant 32 : index
      %swap3A_111 = tpu.vector_load %arg13[%swap3A_109, %swap3A_110] {strides = array<i32>} : memref<128x64xf32, #tpu.memory_space<vmem>>, vector<16xf32>,
      tpu.vector_store %arg13[%swap3A_109, %swap3A_110], %broadcast_in_dim3A_67 {strides = array<i32>} : memref<128x64xf32, #tpu.memory_space<vmem>>, vector<16xf32>,
      %swap3A_112 = arith.index_cast %scan3A_103 : i32 to index
      %swap3A_113 = arith.constant 48 : index
      %swap3A_114 = tpu.vector_load %arg13[%swap3A_112, %swap3A_113] {strides = array<i32>} : memref<128x64xf32, #tpu.memory_space<vmem>>, vector<16xf32>,
      tpu.vector_store %arg13[%swap3A_112, %swap3A_113], %broadcast_in_dim3A_67 {strides = array<i32>} : memref<128x64xf32, #tpu.memory_space<vmem>>, vector<16xf32>,
    }
    %scan3A_73 = arith.constant 128 : i32
    %scan3A_74 = arith.constant 0 : i32
    %scan3A_75 = arith.constant 0 : i32
    %scan3A_76 = arith.constant 5 : i32
    %scan3A_77 = arith.addi %scan3A_75, %scan3A_76 : i32
    %scan3A_78 = arith.constant 1 : i32
    scf.for %scan3A_103 = %scan3A_75 to %scan3A_77 step %scan3A_78  : i32 {
      %mul3A_104 = arith.constant 128 : i32
      %mul3A_105 = arith.muli %scan3A_103, %mul3A_104 : i32
      %add3A_106 = arith.addi %mul3A_2, %mul3A_105 : i32
      "tpu.region"() ({
        %run_scoped3A = tpu.sem_alloc : memref<!tpu.dma_semaphore, #tpu.memory_space<semaphore_mem>>
        %dma_start3A_107 = arith.constant 0 : i32
        %dma_start3A_108 = tpu.memref_slice %arg17[%add3A_106, %dma_start3A_107] : memref<10240x64xf32, #tpu.memory_space<vmem_shared>> -> memref<128x64xf32, #tpu.memory_space<vmem_shared>>
        %dma_start3A_109 = arith.constant 0 : i32
        %dma_start3A_110 = tpu.memref_slice %arg17[%add3A_106, %dma_start3A_109] : memref<10240x64xf32, #tpu.memory_space<vmem_shared>> -> memref<128x64xf32, #tpu.memory_space<vmem_shared>>
        tpu.enqueue_dma source(%arg13 : memref<128x64xf32, #tpu.memory_space<vmem>>) target(%dma_start3A_110 : memref<128x64xf32, #tpu.memory_space<vmem_shared>>) target_semaphore(%run_scoped3A : memref<!tpu.dma_semaphore, #tpu.memory_space<semaphore_mem>>)
        %dma_wait3A = arith.constant 0 : i32
        %dma_wait3A_111 = tpu.memref_slice %arg17[%add3A_106, %dma_wait3A] : memref<10240x64xf32, #tpu.memory_space<vmem_shared>> -> memref<128x64xf32, #tpu.memory_space<vmem_shared>>
        %dma_wait3A_112 = arith.constant 0 : i32
        %dma_wait3A_113 = tpu.memref_slice %arg17[%add3A_106, %dma_wait3A_112] : memref<10240x64xf32, #tpu.memory_space<vmem_shared>> -> memref<128x64xf32, #tpu.memory_space<vmem_shared>>
        tpu.wait_dma2 semaphore(%run_scoped3A : memref<!tpu.dma_semaphore, #tpu.memory_space<semaphore_mem>>) src(%arg13 : memref<128x64xf32, #tpu.memory_space<vmem>>) dst(%dma_wait3A_113 : memref<128x64xf32, #tpu.memory_space<vmem_shared>>)
        tpu.yield
      }) : () -> ()
    }
    %scan3A_79 = arith.constant 5 : i32
    %barrier3A_80 = arith.constant 0 : index
    tpu.barrier barrier_id(%barrier3A_80)
    %dma_start3A_81 = arith.constant 0 : i32
    %dma_start3A_82 = arith.constant 0 : i32
    %dma_start3A_83 = tpu.memref_slice %arg9[%dma_start3A_81, %dma_start3A_82] : memref<160x128xi32, #tpu.memory_space<vmem>> -> memref<1x128xi32, #tpu.memory_space<vmem>>
    %dma_start3A_84 = tpu.memref_squeeze %dma_start3A_83 : memref<1x128xi32, #tpu.memory_space<vmem>> -> memref<128xi32, #tpu.memory_space<vmem>>
    %dma_start3A_85 = arith.constant 0 : i32
    %dma_start3A_86 = arith.constant 0 : i32
    %dma_start3A_87 = tpu.memref_slice %arg6[%dma_start3A_85, %dma_start3A_86] : memref<20480x64xf32, #tpu.memory_space<hbm>> -> memref<20480x64xf32, #tpu.memory_space<hbm>>
    tpu.enqueue_indirect_dma source(%dma_start3A_87 : memref<20480x64xf32, #tpu.memory_space<hbm>>) target(%arg13 : memref<128x64xf32, #tpu.memory_space<vmem>>) offsets(%dma_start3A_84 : memref<128xi32, #tpu.memory_space<vmem>>) semaphore(%arg18 : memref<!tpu.dma_semaphore, #tpu.memory_space<semaphore_mem>>)
    %dma_start3A_88 = arith.constant 1 : i32
    %dma_start3A_89 = arith.constant 0 : i32
    %dma_start3A_90 = tpu.memref_slice %arg9[%dma_start3A_88, %dma_start3A_89] : memref<160x128xi32, #tpu.memory_space<vmem>> -> memref<1x128xi32, #tpu.memory_space<vmem>>
    %dma_start3A_91 = tpu.memref_squeeze %dma_start3A_90 : memref<1x128xi32, #tpu.memory_space<vmem>> -> memref<128xi32, #tpu.memory_space<vmem>>
    %dma_start3A_92 = arith.constant 0 : i32
    %dma_start3A_93 = arith.constant 0 : i32
    %dma_start3A_94 = tpu.memref_slice %arg6[%dma_start3A_92, %dma_start3A_93] : memref<20480x64xf32, #tpu.memory_space<hbm>> -> memref<20480x64xf32, #tpu.memory_space<hbm>>
    tpu.enqueue_indirect_dma source(%dma_start3A_94 : memref<20480x64xf32, #tpu.memory_space<hbm>>) target(%arg14 : memref<128x64xf32, #tpu.memory_space<vmem>>) offsets(%dma_start3A_91 : memref<128xi32, #tpu.memory_space<vmem>>) semaphore(%arg18 : memref<!tpu.dma_semaphore, #tpu.memory_space<semaphore_mem>>)
    %scan3A_95 = arith.constant 0 : i32
    %scan3A_96 = arith.constant 0 : i32
    %scan3A_97 = arith.constant 80 : i32
    %scan3A_98 = arith.addi %scan3A_96, %scan3A_97 : i32
    %scan3A_99 = arith.constant 1 : i32
    scf.for %scan3A_103 = %scan3A_96 to %scan3A_98 step %scan3A_99  : i32 {
      %mul3A_104 = arith.constant 2 : i32
      %mul3A_105 = arith.muli %scan3A_103, %mul3A_104 : i32
      %add3A_106 = arith.constant 0 : i32
      %add3A_107 = arith.addi %mul3A_105, %add3A_106 : i32
      %dma_wait3A = arith.constant 0 : i32
      %dma_wait3A_108 = tpu.memref_slice %arg9[%add3A_107, %dma_wait3A] : memref<160x128xi32, #tpu.memory_space<vmem>> -> memref<1x128xi32, #tpu.memory_space<vmem>>
      %dma_wait3A_109 = tpu.memref_squeeze %dma_wait3A_108 : memref<1x128xi32, #tpu.memory_space<vmem>> -> memref<128xi32, #tpu.memory_space<vmem>>
      %dma_wait3A_110 = arith.constant 0 : i32
      %dma_wait3A_111 = arith.constant 0 : i32
      %dma_wait3A_112 = tpu.memref_slice %arg6[%dma_wait3A_110, %dma_wait3A_111] : memref<20480x64xf32, #tpu.memory_space<hbm>> -> memref<20480x64xf32, #tpu.memory_space<hbm>>
      tpu.wait_indirect_dma semaphore(%arg18 : memref<!tpu.dma_semaphore, #tpu.memory_space<semaphore_mem>>) src(%dma_wait3A_112 : memref<20480x64xf32, #tpu.memory_space<hbm>>) dst(%arg13 : memref<128x64xf32, #tpu.memory_space<vmem>>)
      %scan3A_113 = arith.constant 0 : i32
      %scan3A_114 = arith.constant 0 : i32
      %scan3A_115 = arith.constant 128 : i32
      %scan3A_116 = arith.addi %scan3A_114, %scan3A_115 : i32
      %scan3A_117 = arith.constant 1 : i32
      scf.for %scan3A_148 = %scan3A_114 to %scan3A_116 step %scan3A_117  : i32 {
        %broadcast_in_dim3A_149 = vector.broadcast %add3A_107 : i32 to vector<16xi32>
        %broadcast_in_dim3A_150 = vector.broadcast %scan3A_148 : i32 to vector<16xi32>
        %gather3A = tpu.vector_load_idx %arg11[%broadcast_in_dim3A_149, %broadcast_in_dim3A_150] : memref<160x128xf32, #tpu.memory_space<vmem>>[vector<16xi32>, vector<16xi32>], vector<16xf32>,
        %get3A = arith.index_cast %scan3A_148 : i32 to index
        %get3A_151 = arith.constant 0 : index
        %get3A_152 = tpu.vector_load %arg13[%get3A, %get3A_151] {strides = array<i32>} : memref<128x64xf32, #tpu.memory_space<vmem>>, vector<16xf32>,
        %mul3A_153 = arith.mulf %get3A_152, %gather3A : vector<16xf32>
        %swap3A = arith.index_cast %scan3A_148 : i32 to index
        %swap3A_154 = arith.constant 0 : index
        %swap3A_155 = tpu.vector_load %arg13[%swap3A, %swap3A_154] {strides = array<i32>} : memref<128x64xf32, #tpu.memory_space<vmem>>, vector<16xf32>,
        tpu.vector_store %arg13[%swap3A, %swap3A_154], %mul3A_153 {strides = array<i32>} : memref<128x64xf32, #tpu.memory_space<vmem>>, vector<16xf32>,
        %get3A_156 = arith.index_cast %scan3A_148 : i32 to index
        %get3A_157 = arith.constant 16 : index
        %get3A_158 = tpu.vector_load %arg13[%get3A_156, %get3A_157] {strides = array<i32>} : memref<128x64xf32, #tpu.memory_space<vmem>>, vector<16xf32>,
        %mul3A_159 = arith.mulf %get3A_158, %gather3A : vector<16xf32>
        %swap3A_160 = arith.index_cast %scan3A_148 : i32 to index
        %swap3A_161 = arith.constant 16 : index
        %swap3A_162 = tpu.vector_load %arg13[%swap3A_160, %swap3A_161] {strides = array<i32>} : memref<128x64xf32, #tpu.memory_space<vmem>>, vector<16xf32>,
        tpu.vector_store %arg13[%swap3A_160, %swap3A_161], %mul3A_159 {strides = array<i32>} : memref<128x64xf32, #tpu.memory_space<vmem>>, vector<16xf32>,
        %get3A_163 = arith.index_cast %scan3A_148 : i32 to index
        %get3A_164 = arith.constant 32 : index
        %get3A_165 = tpu.vector_load %arg13[%get3A_163, %get3A_164] {strides = array<i32>} : memref<128x64xf32, #tpu.memory_space<vmem>>, vector<16xf32>,
        %mul3A_166 = arith.mulf %get3A_165, %gather3A : vector<16xf32>
        %swap3A_167 = arith.index_cast %scan3A_148 : i32 to index
        %swap3A_168 = arith.constant 32 : index
        %swap3A_169 = tpu.vector_load %arg13[%swap3A_167, %swap3A_168] {strides = array<i32>} : memref<128x64xf32, #tpu.memory_space<vmem>>, vector<16xf32>,
        tpu.vector_store %arg13[%swap3A_167, %swap3A_168], %mul3A_166 {strides = array<i32>} : memref<128x64xf32, #tpu.memory_space<vmem>>, vector<16xf32>,
        %get3A_170 = arith.index_cast %scan3A_148 : i32 to index
        %get3A_171 = arith.constant 48 : index
        %get3A_172 = tpu.vector_load %arg13[%get3A_170, %get3A_171] {strides = array<i32>} : memref<128x64xf32, #tpu.memory_space<vmem>>, vector<16xf32>,
        %mul3A_173 = arith.mulf %get3A_172, %gather3A : vector<16xf32>
        %swap3A_174 = arith.index_cast %scan3A_148 : i32 to index
        %swap3A_175 = arith.constant 48 : index
        %swap3A_176 = tpu.vector_load %arg13[%swap3A_174, %swap3A_175] {strides = array<i32>} : memref<128x64xf32, #tpu.memory_space<vmem>>, vector<16xf32>,
        tpu.vector_store %arg13[%swap3A_174, %swap3A_175], %mul3A_173 {strides = array<i32>} : memref<128x64xf32, #tpu.memory_space<vmem>>, vector<16xf32>,
      }
      %scan3A_118 = arith.constant 128 : i32
      "tpu.region"() ({
        %run_scoped3A = tpu.sem_alloc : memref<!tpu.dma_semaphore, #tpu.memory_space<semaphore_mem>>
        %dma_start3A_148 = arith.constant 0 : i32
        %dma_start3A_149 = tpu.memref_slice %arg10[%add3A_107, %dma_start3A_148] : memref<160x128xi32, #tpu.memory_space<vmem>> -> memref<1x128xi32, #tpu.memory_space<vmem>>
        %dma_start3A_150 = tpu.memref_squeeze %dma_start3A_149 : memref<1x128xi32, #tpu.memory_space<vmem>> -> memref<128xi32, #tpu.memory_space<vmem>>
        %dma_start3A_151 = arith.constant 0 : i32
        %dma_start3A_152 = arith.constant 0 : i32
        %dma_start3A_153 = tpu.memref_slice %arg17[%dma_start3A_151, %dma_start3A_152] : memref<10240x64xf32, #tpu.memory_space<vmem_shared>> -> memref<10240x64xf32, #tpu.memory_space<vmem_shared>>
        tpu.enqueue_indirect_dma source(%arg13 : memref<128x64xf32, #tpu.memory_space<vmem>>) target(%dma_start3A_153 : memref<10240x64xf32, #tpu.memory_space<vmem_shared>>) offsets(%dma_start3A_150 : memref<128xi32, #tpu.memory_space<vmem>>) semaphore(%run_scoped3A : memref<!tpu.dma_semaphore, #tpu.memory_space<semaphore_mem>>) {add = true}
        %dma_wait3A_154 = arith.constant 0 : i32
        %dma_wait3A_155 = tpu.memref_slice %arg10[%add3A_107, %dma_wait3A_154] : memref<160x128xi32, #tpu.memory_space<vmem>> -> memref<1x128xi32, #tpu.memory_space<vmem>>
        %dma_wait3A_156 = tpu.memref_squeeze %dma_wait3A_155 : memref<1x128xi32, #tpu.memory_space<vmem>> -> memref<128xi32, #tpu.memory_space<vmem>>
        %dma_wait3A_157 = arith.constant 0 : i32
        %dma_wait3A_158 = arith.constant 0 : i32
        %dma_wait3A_159 = tpu.memref_slice %arg17[%dma_wait3A_157, %dma_wait3A_158] : memref<10240x64xf32, #tpu.memory_space<vmem_shared>> -> memref<10240x64xf32, #tpu.memory_space<vmem_shared>>
        tpu.wait_indirect_dma semaphore(%run_scoped3A : memref<!tpu.dma_semaphore, #tpu.memory_space<semaphore_mem>>) src(%arg13 : memref<128x64xf32, #tpu.memory_space<vmem>>) dst(%dma_wait3A_159 : memref<10240x64xf32, #tpu.memory_space<vmem_shared>>)
        tpu.yield
      }) : () -> ()
      %add3A_119 = arith.constant 2 : i32
      %add3A_120 = arith.addi %add3A_107, %add3A_119 : i32
      %lt3A = arith.constant 160 : i32
      %lt3A_121 = arith.cmpi slt, %add3A_120, %lt3A : i32
      %convert_element_type3A_122 = arith.extui %lt3A_121 : i1 to i32
      %cond3A_123 = arith.constant 0 : i32
      %cond3A_124 = arith.cmpi ne, %convert_element_type3A_122, %cond3A_123 : i32
      scf.if %cond3A_124 {
        %add3A_148 = arith.constant 2 : i32
        %add3A_149 = arith.addi %add3A_107, %add3A_148 : i32
        %dma_start3A_150 = arith.constant 0 : i32
        %dma_start3A_151 = tpu.memref_slice %arg9[%add3A_149, %dma_start3A_150] : memref<160x128xi32, #tpu.memory_space<vmem>> -> memref<1x128xi32, #tpu.memory_space<vmem>>
        %dma_start3A_152 = tpu.memref_squeeze %dma_start3A_151 : memref<1x128xi32, #tpu.memory_space<vmem>> -> memref<128xi32, #tpu.memory_space<vmem>>
        %dma_start3A_153 = arith.constant 0 : i32
        %dma_start3A_154 = arith.constant 0 : i32
        %dma_start3A_155 = tpu.memref_slice %arg6[%dma_start3A_153, %dma_start3A_154] : memref<20480x64xf32, #tpu.memory_space<hbm>> -> memref<20480x64xf32, #tpu.memory_space<hbm>>
        tpu.enqueue_indirect_dma source(%dma_start3A_155 : memref<20480x64xf32, #tpu.memory_space<hbm>>) target(%arg13 : memref<128x64xf32, #tpu.memory_space<vmem>>) offsets(%dma_start3A_152 : memref<128xi32, #tpu.memory_space<vmem>>) semaphore(%arg18 : memref<!tpu.dma_semaphore, #tpu.memory_space<semaphore_mem>>)
      } else {
      }
      %mul3A_125 = arith.constant 2 : i32
      %mul3A_126 = arith.muli %scan3A_103, %mul3A_125 : i32
      %add3A_127 = arith.constant 1 : i32
      %add3A_128 = arith.addi %mul3A_126, %add3A_127 : i32
      %dma_wait3A_129 = arith.constant 0 : i32
      %dma_wait3A_130 = tpu.memref_slice %arg9[%add3A_128, %dma_wait3A_129] : memref<160x128xi32, #tpu.memory_space<vmem>> -> memref<1x128xi32, #tpu.memory_space<vmem>>
      %dma_wait3A_131 = tpu.memref_squeeze %dma_wait3A_130 : memref<1x128xi32, #tpu.memory_space<vmem>> -> memref<128xi32, #tpu.memory_space<vmem>>
      %dma_wait3A_132 = arith.constant 0 : i32
      %dma_wait3A_133 = arith.constant 0 : i32
      %dma_wait3A_134 = tpu.memref_slice %arg6[%dma_wait3A_132, %dma_wait3A_133] : memref<20480x64xf32, #tpu.memory_space<hbm>> -> memref<20480x64xf32, #tpu.memory_space<hbm>>
      tpu.wait_indirect_dma semaphore(%arg18 : memref<!tpu.dma_semaphore, #tpu.memory_space<semaphore_mem>>) src(%dma_wait3A_134 : memref<20480x64xf32, #tpu.memory_space<hbm>>) dst(%arg14 : memref<128x64xf32, #tpu.memory_space<vmem>>)
      %scan3A_135 = arith.constant 0 : i32
      %scan3A_136 = arith.constant 0 : i32
      %scan3A_137 = arith.constant 128 : i32
      %scan3A_138 = arith.addi %scan3A_136, %scan3A_137 : i32
      %scan3A_139 = arith.constant 1 : i32
      scf.for %scan3A_148 = %scan3A_136 to %scan3A_138 step %scan3A_139  : i32 {
        %broadcast_in_dim3A_149 = vector.broadcast %add3A_128 : i32 to vector<16xi32>
        %broadcast_in_dim3A_150 = vector.broadcast %scan3A_148 : i32 to vector<16xi32>
        %gather3A = tpu.vector_load_idx %arg11[%broadcast_in_dim3A_149, %broadcast_in_dim3A_150] : memref<160x128xf32, #tpu.memory_space<vmem>>[vector<16xi32>, vector<16xi32>], vector<16xf32>,
        %get3A = arith.index_cast %scan3A_148 : i32 to index
        %get3A_151 = arith.constant 0 : index
        %get3A_152 = tpu.vector_load %arg14[%get3A, %get3A_151] {strides = array<i32>} : memref<128x64xf32, #tpu.memory_space<vmem>>, vector<16xf32>,
        %mul3A_153 = arith.mulf %get3A_152, %gather3A : vector<16xf32>
        %swap3A = arith.index_cast %scan3A_148 : i32 to index
        %swap3A_154 = arith.constant 0 : index
        %swap3A_155 = tpu.vector_load %arg14[%swap3A, %swap3A_154] {strides = array<i32>} : memref<128x64xf32, #tpu.memory_space<vmem>>, vector<16xf32>,
        tpu.vector_store %arg14[%swap3A, %swap3A_154], %mul3A_153 {strides = array<i32>} : memref<128x64xf32, #tpu.memory_space<vmem>>, vector<16xf32>,
        %get3A_156 = arith.index_cast %scan3A_148 : i32 to index
        %get3A_157 = arith.constant 16 : index
        %get3A_158 = tpu.vector_load %arg14[%get3A_156, %get3A_157] {strides = array<i32>} : memref<128x64xf32, #tpu.memory_space<vmem>>, vector<16xf32>,
        %mul3A_159 = arith.mulf %get3A_158, %gather3A : vector<16xf32>
        %swap3A_160 = arith.index_cast %scan3A_148 : i32 to index
        %swap3A_161 = arith.constant 16 : index
        %swap3A_162 = tpu.vector_load %arg14[%swap3A_160, %swap3A_161] {strides = array<i32>} : memref<128x64xf32, #tpu.memory_space<vmem>>, vector<16xf32>,
        tpu.vector_store %arg14[%swap3A_160, %swap3A_161], %mul3A_159 {strides = array<i32>} : memref<128x64xf32, #tpu.memory_space<vmem>>, vector<16xf32>,
        %get3A_163 = arith.index_cast %scan3A_148 : i32 to index
        %get3A_164 = arith.constant 32 : index
        %get3A_165 = tpu.vector_load %arg14[%get3A_163, %get3A_164] {strides = array<i32>} : memref<128x64xf32, #tpu.memory_space<vmem>>, vector<16xf32>,
        %mul3A_166 = arith.mulf %get3A_165, %gather3A : vector<16xf32>
        %swap3A_167 = arith.index_cast %scan3A_148 : i32 to index
        %swap3A_168 = arith.constant 32 : index
        %swap3A_169 = tpu.vector_load %arg14[%swap3A_167, %swap3A_168] {strides = array<i32>} : memref<128x64xf32, #tpu.memory_space<vmem>>, vector<16xf32>,
        tpu.vector_store %arg14[%swap3A_167, %swap3A_168], %mul3A_166 {strides = array<i32>} : memref<128x64xf32, #tpu.memory_space<vmem>>, vector<16xf32>,
        %get3A_170 = arith.index_cast %scan3A_148 : i32 to index
        %get3A_171 = arith.constant 48 : index
        %get3A_172 = tpu.vector_load %arg14[%get3A_170, %get3A_171] {strides = array<i32>} : memref<128x64xf32, #tpu.memory_space<vmem>>, vector<16xf32>,
        %mul3A_173 = arith.mulf %get3A_172, %gather3A : vector<16xf32>
        %swap3A_174 = arith.index_cast %scan3A_148 : i32 to index
        %swap3A_175 = arith.constant 48 : index
        %swap3A_176 = tpu.vector_load %arg14[%swap3A_174, %swap3A_175] {strides = array<i32>} : memref<128x64xf32, #tpu.memory_space<vmem>>, vector<16xf32>,
        tpu.vector_store %arg14[%swap3A_174, %swap3A_175], %mul3A_173 {strides = array<i32>} : memref<128x64xf32, #tpu.memory_space<vmem>>, vector<16xf32>,
      }
      %scan3A_140 = arith.constant 128 : i32
      "tpu.region"() ({
        %run_scoped3A = tpu.sem_alloc : memref<!tpu.dma_semaphore, #tpu.memory_space<semaphore_mem>>
        %dma_start3A_148 = arith.constant 0 : i32
        %dma_start3A_149 = tpu.memref_slice %arg10[%add3A_128, %dma_start3A_148] : memref<160x128xi32, #tpu.memory_space<vmem>> -> memref<1x128xi32, #tpu.memory_space<vmem>>
        %dma_start3A_150 = tpu.memref_squeeze %dma_start3A_149 : memref<1x128xi32, #tpu.memory_space<vmem>> -> memref<128xi32, #tpu.memory_space<vmem>>
        %dma_start3A_151 = arith.constant 0 : i32
        %dma_start3A_152 = arith.constant 0 : i32
        %dma_start3A_153 = tpu.memref_slice %arg17[%dma_start3A_151, %dma_start3A_152] : memref<10240x64xf32, #tpu.memory_space<vmem_shared>> -> memref<10240x64xf32, #tpu.memory_space<vmem_shared>>
        tpu.enqueue_indirect_dma source(%arg14 : memref<128x64xf32, #tpu.memory_space<vmem>>) target(%dma_start3A_153 : memref<10240x64xf32, #tpu.memory_space<vmem_shared>>) offsets(%dma_start3A_150 : memref<128xi32, #tpu.memory_space<vmem>>) semaphore(%run_scoped3A : memref<!tpu.dma_semaphore, #tpu.memory_space<semaphore_mem>>) {add = true}
        %dma_wait3A_154 = arith.constant 0 : i32
        %dma_wait3A_155 = tpu.memref_slice %arg10[%add3A_128, %dma_wait3A_154] : memref<160x128xi32, #tpu.memory_space<vmem>> -> memref<1x128xi32, #tpu.memory_space<vmem>>
        %dma_wait3A_156 = tpu.memref_squeeze %dma_wait3A_155 : memref<1x128xi32, #tpu.memory_space<vmem>> -> memref<128xi32, #tpu.memory_space<vmem>>
        %dma_wait3A_157 = arith.constant 0 : i32
        %dma_wait3A_158 = arith.constant 0 : i32
        %dma_wait3A_159 = tpu.memref_slice %arg17[%dma_wait3A_157, %dma_wait3A_158] : memref<10240x64xf32, #tpu.memory_space<vmem_shared>> -> memref<10240x64xf32, #tpu.memory_space<vmem_shared>>
        tpu.wait_indirect_dma semaphore(%run_scoped3A : memref<!tpu.dma_semaphore, #tpu.memory_space<semaphore_mem>>) src(%arg14 : memref<128x64xf32, #tpu.memory_space<vmem>>) dst(%dma_wait3A_159 : memref<10240x64xf32, #tpu.memory_space<vmem_shared>>)
        tpu.yield
      }) : () -> ()
      %add3A_141 = arith.constant 2 : i32
      %add3A_142 = arith.addi %add3A_128, %add3A_141 : i32
      %lt3A_143 = arith.constant 160 : i32
      %lt3A_144 = arith.cmpi slt, %add3A_142, %lt3A_143 : i32
      %convert_element_type3A_145 = arith.extui %lt3A_144 : i1 to i32
      %cond3A_146 = arith.constant 0 : i32
      %cond3A_147 = arith.cmpi ne, %convert_element_type3A_145, %cond3A_146 : i32
      scf.if %cond3A_147 {
        %add3A_148 = arith.constant 2 : i32
        %add3A_149 = arith.addi %add3A_128, %add3A_148 : i32
        %dma_start3A_150 = arith.constant 0 : i32
        %dma_start3A_151 = tpu.memref_slice %arg9[%add3A_149, %dma_start3A_150] : memref<160x128xi32, #tpu.memory_space<vmem>> -> memref<1x128xi32, #tpu.memory_space<vmem>>
        %dma_start3A_152 = tpu.memref_squeeze %dma_start3A_151 : memref<1x128xi32, #tpu.memory_space<vmem>> -> memref<128xi32, #tpu.memory_space<vmem>>
        %dma_start3A_153 = arith.constant 0 : i32
        %dma_start3A_154 = arith.constant 0 : i32
        %dma_start3A_155 = tpu.memref_slice %arg6[%dma_start3A_153, %dma_start3A_154] : memref<20480x64xf32, #tpu.memory_space<hbm>> -> memref<20480x64xf32, #tpu.memory_space<hbm>>
        tpu.enqueue_indirect_dma source(%dma_start3A_155 : memref<20480x64xf32, #tpu.memory_space<hbm>>) target(%arg14 : memref<128x64xf32, #tpu.memory_space<vmem>>) offsets(%dma_start3A_152 : memref<128xi32, #tpu.memory_space<vmem>>) semaphore(%arg18 : memref<!tpu.dma_semaphore, #tpu.memory_space<semaphore_mem>>)
      } else {
      }
    }
    %scan3A_100 = arith.constant 80 : i32
    %barrier3A_101 = arith.constant 0 : index
    tpu.barrier barrier_id(%barrier3A_101)
    %add3A_102 = arith.addi %mul3A_37, %mul3A_2 : i32
    "tpu.region"() ({
      %run_scoped3A = tpu.sem_alloc : memref<!tpu.dma_semaphore, #tpu.memory_space<semaphore_mem>>
      %dma_start3A_103 = arith.constant 0 : i32
      %dma_start3A_104 = tpu.memref_slice %arg7[%add3A_102, %dma_start3A_103] : memref<20480x64xf32, #tpu.memory_space<hbm>> -> memref<640x64xf32, #tpu.memory_space<hbm>>
      %dma_start3A_105 = arith.constant 0 : i32
      %dma_start3A_106 = tpu.memref_slice %arg17[%mul3A_2, %dma_start3A_105] : memref<10240x64xf32, #tpu.memory_space<vmem_shared>> -> memref<640x64xf32, #tpu.memory_space<vmem_shared>>
      tpu.enqueue_dma source(%dma_start3A_106 : memref<640x64xf32, #tpu.memory_space<vmem_shared>>) target(%dma_start3A_104 : memref<640x64xf32, #tpu.memory_space<hbm>>) target_semaphore(%run_scoped3A : memref<!tpu.dma_semaphore, #tpu.memory_space<semaphore_mem>>)
      %dma_wait3A = arith.constant 0 : i32
      %dma_wait3A_107 = tpu.memref_slice %arg7[%add3A_102, %dma_wait3A] : memref<20480x64xf32, #tpu.memory_space<hbm>> -> memref<640x64xf32, #tpu.memory_space<hbm>>
      %dma_wait3A_108 = arith.constant 0 : i32
      %dma_wait3A_109 = tpu.memref_slice %arg17[%mul3A_2, %dma_wait3A_108] : memref<10240x64xf32, #tpu.memory_space<vmem_shared>> -> memref<640x64xf32, #tpu.memory_space<vmem_shared>>
      tpu.wait_dma2 semaphore(%run_scoped3A : memref<!tpu.dma_semaphore, #tpu.memory_space<semaphore_mem>>) src(%dma_wait3A_109 : memref<640x64xf32, #tpu.memory_space<vmem_shared>>) dst(%dma_wait3A_107 : memref<640x64xf32, #tpu.memory_space<hbm>>)
      tpu.yield
    }) : () -> ()
    return
  }
}

#map = affine_map<(d0, d1) -> (0, 0)>
module attributes {stable_mosaic.version = 14 : i64} {
  func.func @k(%arg0: i32, %arg1: i32, %arg2: memref<20480x32xf32, #tpu.memory_space<hbm>>, %arg3: memref<2560x128xi32, #tpu.memory_space<hbm>>, %arg4: memref<2560x128xi32, #tpu.memory_space<hbm>>, %arg5: memref<2560x128xf32, #tpu.memory_space<hbm>>, %arg6: memref<20480x32xf32, #tpu.memory_space<hbm>>, %arg7: memref<20480x32xf32, #tpu.memory_space<hbm>>, %arg8: memref<160x128xi32, #tpu.memory_space<vmem>>, %arg9: memref<160x128xi32, #tpu.memory_space<vmem>>, %arg10: memref<160x128xf32, #tpu.memory_space<vmem>>, %arg11: memref<128x32xf32, #tpu.memory_space<vmem>>, %arg12: memref<128x32xf32, #tpu.memory_space<vmem>>, %arg13: memref<128x32xf32, #tpu.memory_space<vmem>>, %arg14: memref<128x32xf32, #tpu.memory_space<vmem>>, %arg15: memref<10240x32xf32, #tpu.memory_space<vmem_shared>>, %arg16: memref<!tpu.dma_semaphore, #tpu.memory_space<semaphore_mem>>, %arg17: memref<!tpu.dma_semaphore, #tpu.memory_space<semaphore_mem>>) attributes {dimension_semantics = [#tpu.dimension_semantics<core_parallel>, #tpu.dimension_semantics<subcore_parallel>], iteration_bounds = array<i64: 2, 16>, scalar_prefetch = 0 : i64, scratch_operands = 10 : i64, tpu.core_type = #tpu.core_type<sc_vector_subcore>, window_params = [{transform_indices = #map}, {transform_indices = #map}, {transform_indices = #map}, {transform_indices = #map}, {transform_indices = #map}, {transform_indices = #map}]} {
    %mul3A = arith.constant 160 : i32
    %mul3A_0 = arith.muli %arg1, %mul3A : i32
    %mul3A_1 = arith.constant 640 : i32
    %mul3A_2 = arith.muli %arg1, %mul3A_1 : i32
    %mul3A_3 = arith.constant 10240 : i32
    %mul3A_4 = arith.muli %arg0, %mul3A_3 : i32
    "tpu.region"() ({
      %run_scoped3A = tpu.sem_alloc : memref<!tpu.dma_semaphore, #tpu.memory_space<semaphore_mem>>
      %dma_start3A_135 = arith.constant 0 : i32
      %dma_start3A_136 = tpu.memref_slice %arg3[%mul3A_0, %dma_start3A_135] : memref<2560x128xi32, #tpu.memory_space<hbm>> -> memref<160x128xi32, #tpu.memory_space<hbm>>
      %dma_start3A_137 = arith.constant 0 : i32
      %dma_start3A_138 = tpu.memref_slice %arg3[%mul3A_0, %dma_start3A_137] : memref<2560x128xi32, #tpu.memory_space<hbm>> -> memref<160x128xi32, #tpu.memory_space<hbm>>
      tpu.enqueue_dma source(%dma_start3A_138 : memref<160x128xi32, #tpu.memory_space<hbm>>) target(%arg8 : memref<160x128xi32, #tpu.memory_space<vmem>>) target_semaphore(%run_scoped3A : memref<!tpu.dma_semaphore, #tpu.memory_space<semaphore_mem>>)
      %dma_wait3A_139 = arith.constant 0 : i32
      %dma_wait3A_140 = tpu.memref_slice %arg3[%mul3A_0, %dma_wait3A_139] : memref<2560x128xi32, #tpu.memory_space<hbm>> -> memref<160x128xi32, #tpu.memory_space<hbm>>
      %dma_wait3A_141 = arith.constant 0 : i32
      %dma_wait3A_142 = tpu.memref_slice %arg3[%mul3A_0, %dma_wait3A_141] : memref<2560x128xi32, #tpu.memory_space<hbm>> -> memref<160x128xi32, #tpu.memory_space<hbm>>
      tpu.wait_dma2 semaphore(%run_scoped3A : memref<!tpu.dma_semaphore, #tpu.memory_space<semaphore_mem>>) src(%dma_wait3A_142 : memref<160x128xi32, #tpu.memory_space<hbm>>) dst(%arg8 : memref<160x128xi32, #tpu.memory_space<vmem>>)
      tpu.yield
    }) : () -> ()
    "tpu.region"() ({
      %run_scoped3A = tpu.sem_alloc : memref<!tpu.dma_semaphore, #tpu.memory_space<semaphore_mem>>
      %dma_start3A_135 = arith.constant 0 : i32
      %dma_start3A_136 = tpu.memref_slice %arg4[%mul3A_0, %dma_start3A_135] : memref<2560x128xi32, #tpu.memory_space<hbm>> -> memref<160x128xi32, #tpu.memory_space<hbm>>
      %dma_start3A_137 = arith.constant 0 : i32
      %dma_start3A_138 = tpu.memref_slice %arg4[%mul3A_0, %dma_start3A_137] : memref<2560x128xi32, #tpu.memory_space<hbm>> -> memref<160x128xi32, #tpu.memory_space<hbm>>
      tpu.enqueue_dma source(%dma_start3A_138 : memref<160x128xi32, #tpu.memory_space<hbm>>) target(%arg9 : memref<160x128xi32, #tpu.memory_space<vmem>>) target_semaphore(%run_scoped3A : memref<!tpu.dma_semaphore, #tpu.memory_space<semaphore_mem>>)
      %dma_wait3A_139 = arith.constant 0 : i32
      %dma_wait3A_140 = tpu.memref_slice %arg4[%mul3A_0, %dma_wait3A_139] : memref<2560x128xi32, #tpu.memory_space<hbm>> -> memref<160x128xi32, #tpu.memory_space<hbm>>
      %dma_wait3A_141 = arith.constant 0 : i32
      %dma_wait3A_142 = tpu.memref_slice %arg4[%mul3A_0, %dma_wait3A_141] : memref<2560x128xi32, #tpu.memory_space<hbm>> -> memref<160x128xi32, #tpu.memory_space<hbm>>
      tpu.wait_dma2 semaphore(%run_scoped3A : memref<!tpu.dma_semaphore, #tpu.memory_space<semaphore_mem>>) src(%dma_wait3A_142 : memref<160x128xi32, #tpu.memory_space<hbm>>) dst(%arg9 : memref<160x128xi32, #tpu.memory_space<vmem>>)
      tpu.yield
    }) : () -> ()
    "tpu.region"() ({
      %run_scoped3A = tpu.sem_alloc : memref<!tpu.dma_semaphore, #tpu.memory_space<semaphore_mem>>
      %dma_start3A_135 = arith.constant 0 : i32
      %dma_start3A_136 = tpu.memref_slice %arg5[%mul3A_0, %dma_start3A_135] : memref<2560x128xf32, #tpu.memory_space<hbm>> -> memref<160x128xf32, #tpu.memory_space<hbm>>
      %dma_start3A_137 = arith.constant 0 : i32
      %dma_start3A_138 = tpu.memref_slice %arg5[%mul3A_0, %dma_start3A_137] : memref<2560x128xf32, #tpu.memory_space<hbm>> -> memref<160x128xf32, #tpu.memory_space<hbm>>
      tpu.enqueue_dma source(%dma_start3A_138 : memref<160x128xf32, #tpu.memory_space<hbm>>) target(%arg10 : memref<160x128xf32, #tpu.memory_space<vmem>>) target_semaphore(%run_scoped3A : memref<!tpu.dma_semaphore, #tpu.memory_space<semaphore_mem>>)
      %dma_wait3A_139 = arith.constant 0 : i32
      %dma_wait3A_140 = tpu.memref_slice %arg5[%mul3A_0, %dma_wait3A_139] : memref<2560x128xf32, #tpu.memory_space<hbm>> -> memref<160x128xf32, #tpu.memory_space<hbm>>
      %dma_wait3A_141 = arith.constant 0 : i32
      %dma_wait3A_142 = tpu.memref_slice %arg5[%mul3A_0, %dma_wait3A_141] : memref<2560x128xf32, #tpu.memory_space<hbm>> -> memref<160x128xf32, #tpu.memory_space<hbm>>
      tpu.wait_dma2 semaphore(%run_scoped3A : memref<!tpu.dma_semaphore, #tpu.memory_space<semaphore_mem>>) src(%dma_wait3A_142 : memref<160x128xf32, #tpu.memory_space<hbm>>) dst(%arg10 : memref<160x128xf32, #tpu.memory_space<vmem>>)
      tpu.yield
    }) : () -> ()
    %scan3A = arith.constant 0 : i32
    %scan3A_5 = arith.constant 0 : i32
    %scan3A_6 = arith.constant 1280 : i32
    %scan3A_7 = arith.addi %scan3A_5, %scan3A_6 : i32
    %scan3A_8 = arith.constant 1 : i32
    scf.for %scan3A_135 = %scan3A_5 to %scan3A_7 step %scan3A_8  : i32 {
      %jit3A = arith.constant 8 : i32
      %div3A = arith.divsi %scan3A_135, %jit3A : i32
      %sign3A = arith.constant 0 : i32
      %sign3A_136 = arith.cmpi sgt, %scan3A_135, %sign3A : i32
      %sign3A_137 = arith.extui %sign3A_136 : i1 to i32
      %sign3A_138 = arith.constant 0 : i32
      %sign3A_139 = arith.cmpi slt, %scan3A_135, %sign3A_138 : i32
      %sign3A_140 = arith.extui %sign3A_139 : i1 to i32
      %sign3A_141 = arith.subi %sign3A_137, %sign3A_140 : i32
      %sign3A_142 = arith.constant 0 : i32
      %sign3A_143 = arith.cmpi sgt, %jit3A, %sign3A_142 : i32
      %sign3A_144 = arith.extui %sign3A_143 : i1 to i32
      %sign3A_145 = arith.constant 0 : i32
      %sign3A_146 = arith.cmpi slt, %jit3A, %sign3A_145 : i32
      %sign3A_147 = arith.extui %sign3A_146 : i1 to i32
      %sign3A_148 = arith.subi %sign3A_144, %sign3A_147 : i32
      %ne3A = arith.cmpi ne, %sign3A_141, %sign3A_148 : i32
      %rem3A = arith.remsi %scan3A_135, %jit3A : i32
      %ne3A_149 = arith.constant 0 : i32
      %ne3A_150 = arith.cmpi ne, %rem3A, %ne3A_149 : i32
      %and3A = arith.andi %ne3A, %ne3A_150 : i1
      %sub3A = arith.constant 1 : i32
      %sub3A_151 = arith.subi %div3A, %sub3A : i32
      %select_n3A = arith.select %and3A, %sub3A_151, %div3A : i32
      %jit3A_152 = arith.constant 8 : i32
      %eq3A = arith.constant 0 : i32
      %eq3A_153 = arith.cmpi eq, %jit3A_152, %eq3A : i32
      %jit3A_154 = arith.constant 1 : i32
      %select_n3A_155 = arith.select %eq3A_153, %jit3A_154, %jit3A_152 : i32
      %rem3A_156 = arith.remsi %scan3A_135, %select_n3A_155 : i32
      %ne3A_157 = arith.constant 0 : i32
      %ne3A_158 = arith.cmpi ne, %rem3A_156, %ne3A_157 : i32
      %lt3A = arith.constant 0 : i32
      %lt3A_159 = arith.cmpi slt, %rem3A_156, %lt3A : i32
      %lt3A_160 = arith.constant 0 : i32
      %lt3A_161 = arith.cmpi slt, %select_n3A_155, %lt3A_160 : i32
      %ne3A_162 = arith.xori %lt3A_159, %lt3A_161 : i1
      %and3A_163 = arith.andi %ne3A_162, %ne3A_158 : i1
      %add3A_164 = arith.addi %rem3A_156, %select_n3A_155 : i32
      %select_n3A_165 = arith.select %and3A_163, %add3A_164, %rem3A_156 : i32
      %mul3A_166 = arith.constant 16 : i32
      %mul3A_167 = arith.muli %select_n3A_165, %mul3A_166 : i32
      %get3A = arith.index_cast %select_n3A : i32 to index
      %get3A_168 = arith.index_cast %mul3A_167 : i32 to index
      %get3A_169 = tpu.vector_load %arg8[%get3A, %get3A_168] {strides = array<i32>} : memref<160x128xi32, #tpu.memory_space<vmem>>, vector<16xi32>,
      %add3A_170 = vector.broadcast %mul3A_4 : i32 to vector<16xi32>
      %add3A_171 = arith.addi %get3A_169, %add3A_170 : vector<16xi32>
      %swap3A = arith.index_cast %select_n3A : i32 to index
      %swap3A_172 = arith.index_cast %mul3A_167 : i32 to index
      %swap3A_173 = tpu.vector_load %arg8[%swap3A, %swap3A_172] {strides = array<i32>} : memref<160x128xi32, #tpu.memory_space<vmem>>, vector<16xi32>,
      tpu.vector_store %arg8[%swap3A, %swap3A_172], %add3A_171 {strides = array<i32>} : memref<160x128xi32, #tpu.memory_space<vmem>>, vector<16xi32>,
    }
    %scan3A_9 = arith.constant 1280 : i32
    %broadcast_in_dim3A = arith.constant 0.000000e+00 : f32
    %broadcast_in_dim3A_10 = vector.broadcast %broadcast_in_dim3A : f32 to vector<16xf32>
    %scan3A_11 = arith.constant 0 : i32
    %scan3A_12 = arith.constant 0 : i32
    %scan3A_13 = arith.constant 128 : i32
    %scan3A_14 = arith.addi %scan3A_12, %scan3A_13 : i32
    %scan3A_15 = arith.constant 1 : i32
    scf.for %scan3A_135 = %scan3A_12 to %scan3A_14 step %scan3A_15  : i32 {
      %swap3A = arith.index_cast %scan3A_135 : i32 to index
      %swap3A_136 = arith.constant 0 : index
      %swap3A_137 = tpu.vector_load %arg11[%swap3A, %swap3A_136] {strides = array<i32>} : memref<128x32xf32, #tpu.memory_space<vmem>>, vector<16xf32>,
      tpu.vector_store %arg11[%swap3A, %swap3A_136], %broadcast_in_dim3A_10 {strides = array<i32>} : memref<128x32xf32, #tpu.memory_space<vmem>>, vector<16xf32>,
      %swap3A_138 = arith.index_cast %scan3A_135 : i32 to index
      %swap3A_139 = arith.constant 16 : index
      %swap3A_140 = tpu.vector_load %arg11[%swap3A_138, %swap3A_139] {strides = array<i32>} : memref<128x32xf32, #tpu.memory_space<vmem>>, vector<16xf32>,
      tpu.vector_store %arg11[%swap3A_138, %swap3A_139], %broadcast_in_dim3A_10 {strides = array<i32>} : memref<128x32xf32, #tpu.memory_space<vmem>>, vector<16xf32>,
    }
    %scan3A_16 = arith.constant 128 : i32
    %scan3A_17 = arith.constant 0 : i32
    %scan3A_18 = arith.constant 0 : i32
    %scan3A_19 = arith.constant 5 : i32
    %scan3A_20 = arith.addi %scan3A_18, %scan3A_19 : i32
    %scan3A_21 = arith.constant 1 : i32
    scf.for %scan3A_135 = %scan3A_18 to %scan3A_20 step %scan3A_21  : i32 {
      %mul3A_136 = arith.constant 128 : i32
      %mul3A_137 = arith.muli %scan3A_135, %mul3A_136 : i32
      %add3A_138 = arith.addi %mul3A_2, %mul3A_137 : i32
      "tpu.region"() ({
        %run_scoped3A = tpu.sem_alloc : memref<!tpu.dma_semaphore, #tpu.memory_space<semaphore_mem>>
        %dma_start3A_139 = arith.constant 0 : i32
        %dma_start3A_140 = tpu.memref_slice %arg15[%add3A_138, %dma_start3A_139] : memref<10240x32xf32, #tpu.memory_space<vmem_shared>> -> memref<128x32xf32, #tpu.memory_space<vmem_shared>>
        %dma_start3A_141 = arith.constant 0 : i32
        %dma_start3A_142 = tpu.memref_slice %arg15[%add3A_138, %dma_start3A_141] : memref<10240x32xf32, #tpu.memory_space<vmem_shared>> -> memref<128x32xf32, #tpu.memory_space<vmem_shared>>
        tpu.enqueue_dma source(%arg11 : memref<128x32xf32, #tpu.memory_space<vmem>>) target(%dma_start3A_142 : memref<128x32xf32, #tpu.memory_space<vmem_shared>>) target_semaphore(%run_scoped3A : memref<!tpu.dma_semaphore, #tpu.memory_space<semaphore_mem>>)
        %dma_wait3A_143 = arith.constant 0 : i32
        %dma_wait3A_144 = tpu.memref_slice %arg15[%add3A_138, %dma_wait3A_143] : memref<10240x32xf32, #tpu.memory_space<vmem_shared>> -> memref<128x32xf32, #tpu.memory_space<vmem_shared>>
        %dma_wait3A_145 = arith.constant 0 : i32
        %dma_wait3A_146 = tpu.memref_slice %arg15[%add3A_138, %dma_wait3A_145] : memref<10240x32xf32, #tpu.memory_space<vmem_shared>> -> memref<128x32xf32, #tpu.memory_space<vmem_shared>>
        tpu.wait_dma2 semaphore(%run_scoped3A : memref<!tpu.dma_semaphore, #tpu.memory_space<semaphore_mem>>) src(%arg11 : memref<128x32xf32, #tpu.memory_space<vmem>>) dst(%dma_wait3A_146 : memref<128x32xf32, #tpu.memory_space<vmem_shared>>)
        tpu.yield
      }) : () -> ()
    }
    %scan3A_22 = arith.constant 5 : i32
    %barrier3A = arith.constant 0 : index
    tpu.barrier barrier_id(%barrier3A)
    %dma_start3A = arith.constant 0 : i32
    %dma_start3A_23 = arith.constant 0 : i32
    %dma_start3A_24 = tpu.memref_slice %arg8[%dma_start3A, %dma_start3A_23] : memref<160x128xi32, #tpu.memory_space<vmem>> -> memref<1x128xi32, #tpu.memory_space<vmem>>
    %dma_start3A_25 = tpu.memref_squeeze %dma_start3A_24 : memref<1x128xi32, #tpu.memory_space<vmem>> -> memref<128xi32, #tpu.memory_space<vmem>>
    %dma_start3A_26 = arith.constant 0 : i32
    %dma_start3A_27 = arith.constant 0 : i32
    %dma_start3A_28 = tpu.memref_slice %arg2[%dma_start3A_26, %dma_start3A_27] : memref<20480x32xf32, #tpu.memory_space<hbm>> -> memref<20480x32xf32, #tpu.memory_space<hbm>>
    tpu.enqueue_indirect_dma source(%dma_start3A_28 : memref<20480x32xf32, #tpu.memory_space<hbm>>) target(%arg11 : memref<128x32xf32, #tpu.memory_space<vmem>>) offsets(%dma_start3A_25 : memref<128xi32, #tpu.memory_space<vmem>>) semaphore(%arg16 : memref<!tpu.dma_semaphore, #tpu.memory_space<semaphore_mem>>)
    %dma_start3A_29 = arith.constant 1 : i32
    %dma_start3A_30 = arith.constant 0 : i32
    %dma_start3A_31 = tpu.memref_slice %arg8[%dma_start3A_29, %dma_start3A_30] : memref<160x128xi32, #tpu.memory_space<vmem>> -> memref<1x128xi32, #tpu.memory_space<vmem>>
    %dma_start3A_32 = tpu.memref_squeeze %dma_start3A_31 : memref<1x128xi32, #tpu.memory_space<vmem>> -> memref<128xi32, #tpu.memory_space<vmem>>
    %dma_start3A_33 = arith.constant 0 : i32
    %dma_start3A_34 = arith.constant 0 : i32
    %dma_start3A_35 = tpu.memref_slice %arg2[%dma_start3A_33, %dma_start3A_34] : memref<20480x32xf32, #tpu.memory_space<hbm>> -> memref<20480x32xf32, #tpu.memory_space<hbm>>
    tpu.enqueue_indirect_dma source(%dma_start3A_35 : memref<20480x32xf32, #tpu.memory_space<hbm>>) target(%arg12 : memref<128x32xf32, #tpu.memory_space<vmem>>) offsets(%dma_start3A_32 : memref<128xi32, #tpu.memory_space<vmem>>) semaphore(%arg16 : memref<!tpu.dma_semaphore, #tpu.memory_space<semaphore_mem>>)
    %scan3A_36 = arith.constant 0 : i32
    %scan3A_37 = arith.constant 0 : i32
    %scan3A_38 = arith.constant 40 : i32
    %scan3A_39 = arith.addi %scan3A_37, %scan3A_38 : i32
    %scan3A_40 = arith.constant 1 : i32
    scf.for %scan3A_135 = %scan3A_37 to %scan3A_39 step %scan3A_40  : i32 {
      %mul3A_136 = arith.constant 4 : i32
      %mul3A_137 = arith.muli %scan3A_135, %mul3A_136 : i32
      %add3A_138 = arith.constant 0 : i32
      %add3A_139 = arith.addi %mul3A_137, %add3A_138 : i32
      %dma_wait3A_140 = arith.constant 0 : i32
      %dma_wait3A_141 = tpu.memref_slice %arg8[%add3A_139, %dma_wait3A_140] : memref<160x128xi32, #tpu.memory_space<vmem>> -> memref<1x128xi32, #tpu.memory_space<vmem>>
      %dma_wait3A_142 = tpu.memref_squeeze %dma_wait3A_141 : memref<1x128xi32, #tpu.memory_space<vmem>> -> memref<128xi32, #tpu.memory_space<vmem>>
      %dma_wait3A_143 = arith.constant 0 : i32
      %dma_wait3A_144 = arith.constant 0 : i32
      %dma_wait3A_145 = tpu.memref_slice %arg2[%dma_wait3A_143, %dma_wait3A_144] : memref<20480x32xf32, #tpu.memory_space<hbm>> -> memref<20480x32xf32, #tpu.memory_space<hbm>>
      tpu.wait_indirect_dma semaphore(%arg16 : memref<!tpu.dma_semaphore, #tpu.memory_space<semaphore_mem>>) src(%dma_wait3A_145 : memref<20480x32xf32, #tpu.memory_space<hbm>>) dst(%arg11 : memref<128x32xf32, #tpu.memory_space<vmem>>)
      %scan3A_146 = arith.constant 0 : i32
      %scan3A_147 = arith.constant 0 : i32
      %scan3A_148 = arith.constant 128 : i32
      %scan3A_149 = arith.addi %scan3A_147, %scan3A_148 : i32
      %scan3A_150 = arith.constant 1 : i32
      scf.for %scan3A_249 = %scan3A_147 to %scan3A_149 step %scan3A_150  : i32 {
        %broadcast_in_dim3A_250 = vector.broadcast %add3A_139 : i32 to vector<16xi32>
        %broadcast_in_dim3A_251 = vector.broadcast %scan3A_249 : i32 to vector<16xi32>
        %gather3A = tpu.vector_load_idx %arg10[%broadcast_in_dim3A_250, %broadcast_in_dim3A_251] : memref<160x128xf32, #tpu.memory_space<vmem>>[vector<16xi32>, vector<16xi32>], vector<16xf32>,
        %get3A = arith.index_cast %scan3A_249 : i32 to index
        %get3A_252 = arith.constant 0 : index
        %get3A_253 = tpu.vector_load %arg11[%get3A, %get3A_252] {strides = array<i32>} : memref<128x32xf32, #tpu.memory_space<vmem>>, vector<16xf32>,
        %mul3A_254 = arith.mulf %get3A_253, %gather3A : vector<16xf32>
        %swap3A = arith.index_cast %scan3A_249 : i32 to index
        %swap3A_255 = arith.constant 0 : index
        %swap3A_256 = tpu.vector_load %arg11[%swap3A, %swap3A_255] {strides = array<i32>} : memref<128x32xf32, #tpu.memory_space<vmem>>, vector<16xf32>,
        tpu.vector_store %arg11[%swap3A, %swap3A_255], %mul3A_254 {strides = array<i32>} : memref<128x32xf32, #tpu.memory_space<vmem>>, vector<16xf32>,
        %get3A_257 = arith.index_cast %scan3A_249 : i32 to index
        %get3A_258 = arith.constant 16 : index
        %get3A_259 = tpu.vector_load %arg11[%get3A_257, %get3A_258] {strides = array<i32>} : memref<128x32xf32, #tpu.memory_space<vmem>>, vector<16xf32>,
        %mul3A_260 = arith.mulf %get3A_259, %gather3A : vector<16xf32>
        %swap3A_261 = arith.index_cast %scan3A_249 : i32 to index
        %swap3A_262 = arith.constant 16 : index
        %swap3A_263 = tpu.vector_load %arg11[%swap3A_261, %swap3A_262] {strides = array<i32>} : memref<128x32xf32, #tpu.memory_space<vmem>>, vector<16xf32>,
        tpu.vector_store %arg11[%swap3A_261, %swap3A_262], %mul3A_260 {strides = array<i32>} : memref<128x32xf32, #tpu.memory_space<vmem>>, vector<16xf32>,
      }
      %scan3A_151 = arith.constant 128 : i32
      %dma_start3A_152 = arith.constant 0 : i32
      %dma_start3A_153 = tpu.memref_slice %arg9[%add3A_139, %dma_start3A_152] : memref<160x128xi32, #tpu.memory_space<vmem>> -> memref<1x128xi32, #tpu.memory_space<vmem>>
      %dma_start3A_154 = tpu.memref_squeeze %dma_start3A_153 : memref<1x128xi32, #tpu.memory_space<vmem>> -> memref<128xi32, #tpu.memory_space<vmem>>
      %dma_start3A_155 = arith.constant 0 : i32
      %dma_start3A_156 = arith.constant 0 : i32
      %dma_start3A_157 = tpu.memref_slice %arg15[%dma_start3A_155, %dma_start3A_156] : memref<10240x32xf32, #tpu.memory_space<vmem_shared>> -> memref<10240x32xf32, #tpu.memory_space<vmem_shared>>
      tpu.enqueue_indirect_dma source(%arg11 : memref<128x32xf32, #tpu.memory_space<vmem>>) target(%dma_start3A_157 : memref<10240x32xf32, #tpu.memory_space<vmem_shared>>) offsets(%dma_start3A_154 : memref<128xi32, #tpu.memory_space<vmem>>) semaphore(%arg17 : memref<!tpu.dma_semaphore, #tpu.memory_space<semaphore_mem>>) {add = true}
      %add3A_158 = arith.constant 2 : i32
      %add3A_159 = arith.addi %add3A_139, %add3A_158 : i32
      %lt3A = arith.constant 160 : i32
      %lt3A_160 = arith.cmpi slt, %add3A_159, %lt3A : i32
      %convert_element_type3A = arith.extui %lt3A_160 : i1 to i32
      %cond3A = arith.constant 0 : i32
      %cond3A_161 = arith.cmpi ne, %convert_element_type3A, %cond3A : i32
      scf.if %cond3A_161 {
        %sub3A = arith.constant 2 : i32
        %sub3A_249 = arith.subi %add3A_139, %sub3A : i32
        %max3A = arith.constant 0 : i32
        %max3A_250 = arith.maxsi %sub3A_249, %max3A : i32
        %ge3A = arith.constant 2 : i32
        %ge3A_251 = arith.cmpi sge, %add3A_139, %ge3A : i32
        %convert_element_type3A_252 = arith.extui %ge3A_251 : i1 to i32
        %cond3A_253 = arith.constant 0 : i32
        %cond3A_254 = arith.cmpi ne, %convert_element_type3A_252, %cond3A_253 : i32
        scf.if %cond3A_254 {
          %dma_wait3A_263 = arith.constant 0 : i32
          %dma_wait3A_264 = tpu.memref_slice %arg9[%max3A_250, %dma_wait3A_263] : memref<160x128xi32, #tpu.memory_space<vmem>> -> memref<1x128xi32, #tpu.memory_space<vmem>>
          %dma_wait3A_265 = tpu.memref_squeeze %dma_wait3A_264 : memref<1x128xi32, #tpu.memory_space<vmem>> -> memref<128xi32, #tpu.memory_space<vmem>>
          %dma_wait3A_266 = arith.constant 0 : i32
          %dma_wait3A_267 = arith.constant 0 : i32
          %dma_wait3A_268 = tpu.memref_slice %arg15[%dma_wait3A_266, %dma_wait3A_267] : memref<10240x32xf32, #tpu.memory_space<vmem_shared>> -> memref<10240x32xf32, #tpu.memory_space<vmem_shared>>
          tpu.wait_indirect_dma semaphore(%arg17 : memref<!tpu.dma_semaphore, #tpu.memory_space<semaphore_mem>>) src(%arg13 : memref<128x32xf32, #tpu.memory_space<vmem>>) dst(%dma_wait3A_268 : memref<10240x32xf32, #tpu.memory_space<vmem_shared>>)
        } else {
        }
        %add3A_255 = arith.constant 2 : i32
        %add3A_256 = arith.addi %add3A_139, %add3A_255 : i32
        %dma_start3A_257 = arith.constant 0 : i32
        %dma_start3A_258 = tpu.memref_slice %arg8[%add3A_256, %dma_start3A_257] : memref<160x128xi32, #tpu.memory_space<vmem>> -> memref<1x128xi32, #tpu.memory_space<vmem>>
        %dma_start3A_259 = tpu.memref_squeeze %dma_start3A_258 : memref<1x128xi32, #tpu.memory_space<vmem>> -> memref<128xi32, #tpu.memory_space<vmem>>
        %dma_start3A_260 = arith.constant 0 : i32
        %dma_start3A_261 = arith.constant 0 : i32
        %dma_start3A_262 = tpu.memref_slice %arg2[%dma_start3A_260, %dma_start3A_261] : memref<20480x32xf32, #tpu.memory_space<hbm>> -> memref<20480x32xf32, #tpu.memory_space<hbm>>
        tpu.enqueue_indirect_dma source(%dma_start3A_262 : memref<20480x32xf32, #tpu.memory_space<hbm>>) target(%arg13 : memref<128x32xf32, #tpu.memory_space<vmem>>) offsets(%dma_start3A_259 : memref<128xi32, #tpu.memory_space<vmem>>) semaphore(%arg16 : memref<!tpu.dma_semaphore, #tpu.memory_space<semaphore_mem>>)
      } else {
      }
      %mul3A_162 = arith.constant 4 : i32
      %mul3A_163 = arith.muli %scan3A_135, %mul3A_162 : i32
      %add3A_164 = arith.constant 1 : i32
      %add3A_165 = arith.addi %mul3A_163, %add3A_164 : i32
      %dma_wait3A_166 = arith.constant 0 : i32
      %dma_wait3A_167 = tpu.memref_slice %arg8[%add3A_165, %dma_wait3A_166] : memref<160x128xi32, #tpu.memory_space<vmem>> -> memref<1x128xi32, #tpu.memory_space<vmem>>
      %dma_wait3A_168 = tpu.memref_squeeze %dma_wait3A_167 : memref<1x128xi32, #tpu.memory_space<vmem>> -> memref<128xi32, #tpu.memory_space<vmem>>
      %dma_wait3A_169 = arith.constant 0 : i32
      %dma_wait3A_170 = arith.constant 0 : i32
      %dma_wait3A_171 = tpu.memref_slice %arg2[%dma_wait3A_169, %dma_wait3A_170] : memref<20480x32xf32, #tpu.memory_space<hbm>> -> memref<20480x32xf32, #tpu.memory_space<hbm>>
      tpu.wait_indirect_dma semaphore(%arg16 : memref<!tpu.dma_semaphore, #tpu.memory_space<semaphore_mem>>) src(%dma_wait3A_171 : memref<20480x32xf32, #tpu.memory_space<hbm>>) dst(%arg12 : memref<128x32xf32, #tpu.memory_space<vmem>>)
      %scan3A_172 = arith.constant 0 : i32
      %scan3A_173 = arith.constant 0 : i32
      %scan3A_174 = arith.constant 128 : i32
      %scan3A_175 = arith.addi %scan3A_173, %scan3A_174 : i32
      %scan3A_176 = arith.constant 1 : i32
      scf.for %scan3A_249 = %scan3A_173 to %scan3A_175 step %scan3A_176  : i32 {
        %broadcast_in_dim3A_250 = vector.broadcast %add3A_165 : i32 to vector<16xi32>
        %broadcast_in_dim3A_251 = vector.broadcast %scan3A_249 : i32 to vector<16xi32>
        %gather3A = tpu.vector_load_idx %arg10[%broadcast_in_dim3A_250, %broadcast_in_dim3A_251] : memref<160x128xf32, #tpu.memory_space<vmem>>[vector<16xi32>, vector<16xi32>], vector<16xf32>,
        %get3A = arith.index_cast %scan3A_249 : i32 to index
        %get3A_252 = arith.constant 0 : index
        %get3A_253 = tpu.vector_load %arg12[%get3A, %get3A_252] {strides = array<i32>} : memref<128x32xf32, #tpu.memory_space<vmem>>, vector<16xf32>,
        %mul3A_254 = arith.mulf %get3A_253, %gather3A : vector<16xf32>
        %swap3A = arith.index_cast %scan3A_249 : i32 to index
        %swap3A_255 = arith.constant 0 : index
        %swap3A_256 = tpu.vector_load %arg12[%swap3A, %swap3A_255] {strides = array<i32>} : memref<128x32xf32, #tpu.memory_space<vmem>>, vector<16xf32>,
        tpu.vector_store %arg12[%swap3A, %swap3A_255], %mul3A_254 {strides = array<i32>} : memref<128x32xf32, #tpu.memory_space<vmem>>, vector<16xf32>,
        %get3A_257 = arith.index_cast %scan3A_249 : i32 to index
        %get3A_258 = arith.constant 16 : index
        %get3A_259 = tpu.vector_load %arg12[%get3A_257, %get3A_258] {strides = array<i32>} : memref<128x32xf32, #tpu.memory_space<vmem>>, vector<16xf32>,
        %mul3A_260 = arith.mulf %get3A_259, %gather3A : vector<16xf32>
        %swap3A_261 = arith.index_cast %scan3A_249 : i32 to index
        %swap3A_262 = arith.constant 16 : index
        %swap3A_263 = tpu.vector_load %arg12[%swap3A_261, %swap3A_262] {strides = array<i32>} : memref<128x32xf32, #tpu.memory_space<vmem>>, vector<16xf32>,
        tpu.vector_store %arg12[%swap3A_261, %swap3A_262], %mul3A_260 {strides = array<i32>} : memref<128x32xf32, #tpu.memory_space<vmem>>, vector<16xf32>,
      }
      %scan3A_177 = arith.constant 128 : i32
      %dma_start3A_178 = arith.constant 0 : i32
      %dma_start3A_179 = tpu.memref_slice %arg9[%add3A_165, %dma_start3A_178] : memref<160x128xi32, #tpu.memory_space<vmem>> -> memref<1x128xi32, #tpu.memory_space<vmem>>
      %dma_start3A_180 = tpu.memref_squeeze %dma_start3A_179 : memref<1x128xi32, #tpu.memory_space<vmem>> -> memref<128xi32, #tpu.memory_space<vmem>>
      %dma_start3A_181 = arith.constant 0 : i32
      %dma_start3A_182 = arith.constant 0 : i32
      %dma_start3A_183 = tpu.memref_slice %arg15[%dma_start3A_181, %dma_start3A_182] : memref<10240x32xf32, #tpu.memory_space<vmem_shared>> -> memref<10240x32xf32, #tpu.memory_space<vmem_shared>>
      tpu.enqueue_indirect_dma source(%arg12 : memref<128x32xf32, #tpu.memory_space<vmem>>) target(%dma_start3A_183 : memref<10240x32xf32, #tpu.memory_space<vmem_shared>>) offsets(%dma_start3A_180 : memref<128xi32, #tpu.memory_space<vmem>>) semaphore(%arg17 : memref<!tpu.dma_semaphore, #tpu.memory_space<semaphore_mem>>) {add = true}
      %add3A_184 = arith.constant 2 : i32
      %add3A_185 = arith.addi %add3A_165, %add3A_184 : i32
      %lt3A_186 = arith.constant 160 : i32
      %lt3A_187 = arith.cmpi slt, %add3A_185, %lt3A_186 : i32
      %convert_element_type3A_188 = arith.extui %lt3A_187 : i1 to i32
      %cond3A_189 = arith.constant 0 : i32
      %cond3A_190 = arith.cmpi ne, %convert_element_type3A_188, %cond3A_189 : i32
      scf.if %cond3A_190 {
        %sub3A = arith.constant 2 : i32
        %sub3A_249 = arith.subi %add3A_165, %sub3A : i32
        %max3A = arith.constant 0 : i32
        %max3A_250 = arith.maxsi %sub3A_249, %max3A : i32
        %ge3A = arith.constant 2 : i32
        %ge3A_251 = arith.cmpi sge, %add3A_165, %ge3A : i32
        %convert_element_type3A_252 = arith.extui %ge3A_251 : i1 to i32
        %cond3A_253 = arith.constant 0 : i32
        %cond3A_254 = arith.cmpi ne, %convert_element_type3A_252, %cond3A_253 : i32
        scf.if %cond3A_254 {
          %dma_wait3A_263 = arith.constant 0 : i32
          %dma_wait3A_264 = tpu.memref_slice %arg9[%max3A_250, %dma_wait3A_263] : memref<160x128xi32, #tpu.memory_space<vmem>> -> memref<1x128xi32, #tpu.memory_space<vmem>>
          %dma_wait3A_265 = tpu.memref_squeeze %dma_wait3A_264 : memref<1x128xi32, #tpu.memory_space<vmem>> -> memref<128xi32, #tpu.memory_space<vmem>>
          %dma_wait3A_266 = arith.constant 0 : i32
          %dma_wait3A_267 = arith.constant 0 : i32
          %dma_wait3A_268 = tpu.memref_slice %arg15[%dma_wait3A_266, %dma_wait3A_267] : memref<10240x32xf32, #tpu.memory_space<vmem_shared>> -> memref<10240x32xf32, #tpu.memory_space<vmem_shared>>
          tpu.wait_indirect_dma semaphore(%arg17 : memref<!tpu.dma_semaphore, #tpu.memory_space<semaphore_mem>>) src(%arg14 : memref<128x32xf32, #tpu.memory_space<vmem>>) dst(%dma_wait3A_268 : memref<10240x32xf32, #tpu.memory_space<vmem_shared>>)
        } else {
        }
        %add3A_255 = arith.constant 2 : i32
        %add3A_256 = arith.addi %add3A_165, %add3A_255 : i32
        %dma_start3A_257 = arith.constant 0 : i32
        %dma_start3A_258 = tpu.memref_slice %arg8[%add3A_256, %dma_start3A_257] : memref<160x128xi32, #tpu.memory_space<vmem>> -> memref<1x128xi32, #tpu.memory_space<vmem>>
        %dma_start3A_259 = tpu.memref_squeeze %dma_start3A_258 : memref<1x128xi32, #tpu.memory_space<vmem>> -> memref<128xi32, #tpu.memory_space<vmem>>
        %dma_start3A_260 = arith.constant 0 : i32
        %dma_start3A_261 = arith.constant 0 : i32
        %dma_start3A_262 = tpu.memref_slice %arg2[%dma_start3A_260, %dma_start3A_261] : memref<20480x32xf32, #tpu.memory_space<hbm>> -> memref<20480x32xf32, #tpu.memory_space<hbm>>
        tpu.enqueue_indirect_dma source(%dma_start3A_262 : memref<20480x32xf32, #tpu.memory_space<hbm>>) target(%arg14 : memref<128x32xf32, #tpu.memory_space<vmem>>) offsets(%dma_start3A_259 : memref<128xi32, #tpu.memory_space<vmem>>) semaphore(%arg16 : memref<!tpu.dma_semaphore, #tpu.memory_space<semaphore_mem>>)
      } else {
      }
      %mul3A_191 = arith.constant 4 : i32
      %mul3A_192 = arith.muli %scan3A_135, %mul3A_191 : i32
      %add3A_193 = arith.constant 2 : i32
      %add3A_194 = arith.addi %mul3A_192, %add3A_193 : i32
      %dma_wait3A_195 = arith.constant 0 : i32
      %dma_wait3A_196 = tpu.memref_slice %arg8[%add3A_194, %dma_wait3A_195] : memref<160x128xi32, #tpu.memory_space<vmem>> -> memref<1x128xi32, #tpu.memory_space<vmem>>
      %dma_wait3A_197 = tpu.memref_squeeze %dma_wait3A_196 : memref<1x128xi32, #tpu.memory_space<vmem>> -> memref<128xi32, #tpu.memory_space<vmem>>
      %dma_wait3A_198 = arith.constant 0 : i32
      %dma_wait3A_199 = arith.constant 0 : i32
      %dma_wait3A_200 = tpu.memref_slice %arg2[%dma_wait3A_198, %dma_wait3A_199] : memref<20480x32xf32, #tpu.memory_space<hbm>> -> memref<20480x32xf32, #tpu.memory_space<hbm>>
      tpu.wait_indirect_dma semaphore(%arg16 : memref<!tpu.dma_semaphore, #tpu.memory_space<semaphore_mem>>) src(%dma_wait3A_200 : memref<20480x32xf32, #tpu.memory_space<hbm>>) dst(%arg13 : memref<128x32xf32, #tpu.memory_space<vmem>>)
      %scan3A_201 = arith.constant 0 : i32
      %scan3A_202 = arith.constant 0 : i32
      %scan3A_203 = arith.constant 128 : i32
      %scan3A_204 = arith.addi %scan3A_202, %scan3A_203 : i32
      %scan3A_205 = arith.constant 1 : i32
      scf.for %scan3A_249 = %scan3A_202 to %scan3A_204 step %scan3A_205  : i32 {
        %broadcast_in_dim3A_250 = vector.broadcast %add3A_194 : i32 to vector<16xi32>
        %broadcast_in_dim3A_251 = vector.broadcast %scan3A_249 : i32 to vector<16xi32>
        %gather3A = tpu.vector_load_idx %arg10[%broadcast_in_dim3A_250, %broadcast_in_dim3A_251] : memref<160x128xf32, #tpu.memory_space<vmem>>[vector<16xi32>, vector<16xi32>], vector<16xf32>,
        %get3A = arith.index_cast %scan3A_249 : i32 to index
        %get3A_252 = arith.constant 0 : index
        %get3A_253 = tpu.vector_load %arg13[%get3A, %get3A_252] {strides = array<i32>} : memref<128x32xf32, #tpu.memory_space<vmem>>, vector<16xf32>,
        %mul3A_254 = arith.mulf %get3A_253, %gather3A : vector<16xf32>
        %swap3A = arith.index_cast %scan3A_249 : i32 to index
        %swap3A_255 = arith.constant 0 : index
        %swap3A_256 = tpu.vector_load %arg13[%swap3A, %swap3A_255] {strides = array<i32>} : memref<128x32xf32, #tpu.memory_space<vmem>>, vector<16xf32>,
        tpu.vector_store %arg13[%swap3A, %swap3A_255], %mul3A_254 {strides = array<i32>} : memref<128x32xf32, #tpu.memory_space<vmem>>, vector<16xf32>,
        %get3A_257 = arith.index_cast %scan3A_249 : i32 to index
        %get3A_258 = arith.constant 16 : index
        %get3A_259 = tpu.vector_load %arg13[%get3A_257, %get3A_258] {strides = array<i32>} : memref<128x32xf32, #tpu.memory_space<vmem>>, vector<16xf32>,
        %mul3A_260 = arith.mulf %get3A_259, %gather3A : vector<16xf32>
        %swap3A_261 = arith.index_cast %scan3A_249 : i32 to index
        %swap3A_262 = arith.constant 16 : index
        %swap3A_263 = tpu.vector_load %arg13[%swap3A_261, %swap3A_262] {strides = array<i32>} : memref<128x32xf32, #tpu.memory_space<vmem>>, vector<16xf32>,
        tpu.vector_store %arg13[%swap3A_261, %swap3A_262], %mul3A_260 {strides = array<i32>} : memref<128x32xf32, #tpu.memory_space<vmem>>, vector<16xf32>,
      }
      %scan3A_206 = arith.constant 128 : i32
      %dma_start3A_207 = arith.constant 0 : i32
      %dma_start3A_208 = tpu.memref_slice %arg9[%add3A_194, %dma_start3A_207] : memref<160x128xi32, #tpu.memory_space<vmem>> -> memref<1x128xi32, #tpu.memory_space<vmem>>
      %dma_start3A_209 = tpu.memref_squeeze %dma_start3A_208 : memref<1x128xi32, #tpu.memory_space<vmem>> -> memref<128xi32, #tpu.memory_space<vmem>>
      %dma_start3A_210 = arith.constant 0 : i32
      %dma_start3A_211 = arith.constant 0 : i32
      %dma_start3A_212 = tpu.memref_slice %arg15[%dma_start3A_210, %dma_start3A_211] : memref<10240x32xf32, #tpu.memory_space<vmem_shared>> -> memref<10240x32xf32, #tpu.memory_space<vmem_shared>>
      tpu.enqueue_indirect_dma source(%arg13 : memref<128x32xf32, #tpu.memory_space<vmem>>) target(%dma_start3A_212 : memref<10240x32xf32, #tpu.memory_space<vmem_shared>>) offsets(%dma_start3A_209 : memref<128xi32, #tpu.memory_space<vmem>>) semaphore(%arg17 : memref<!tpu.dma_semaphore, #tpu.memory_space<semaphore_mem>>) {add = true}
      %add3A_213 = arith.constant 2 : i32
      %add3A_214 = arith.addi %add3A_194, %add3A_213 : i32
      %lt3A_215 = arith.constant 160 : i32
      %lt3A_216 = arith.cmpi slt, %add3A_214, %lt3A_215 : i32
      %convert_element_type3A_217 = arith.extui %lt3A_216 : i1 to i32
      %cond3A_218 = arith.constant 0 : i32
      %cond3A_219 = arith.cmpi ne, %convert_element_type3A_217, %cond3A_218 : i32
      scf.if %cond3A_219 {
        %sub3A = arith.constant 2 : i32
        %sub3A_249 = arith.subi %add3A_194, %sub3A : i32
        %max3A = arith.constant 0 : i32
        %max3A_250 = arith.maxsi %sub3A_249, %max3A : i32
        %ge3A = arith.constant 2 : i32
        %ge3A_251 = arith.cmpi sge, %add3A_194, %ge3A : i32
        %convert_element_type3A_252 = arith.extui %ge3A_251 : i1 to i32
        %cond3A_253 = arith.constant 0 : i32
        %cond3A_254 = arith.cmpi ne, %convert_element_type3A_252, %cond3A_253 : i32
        scf.if %cond3A_254 {
          %dma_wait3A_263 = arith.constant 0 : i32
          %dma_wait3A_264 = tpu.memref_slice %arg9[%max3A_250, %dma_wait3A_263] : memref<160x128xi32, #tpu.memory_space<vmem>> -> memref<1x128xi32, #tpu.memory_space<vmem>>
          %dma_wait3A_265 = tpu.memref_squeeze %dma_wait3A_264 : memref<1x128xi32, #tpu.memory_space<vmem>> -> memref<128xi32, #tpu.memory_space<vmem>>
          %dma_wait3A_266 = arith.constant 0 : i32
          %dma_wait3A_267 = arith.constant 0 : i32
          %dma_wait3A_268 = tpu.memref_slice %arg15[%dma_wait3A_266, %dma_wait3A_267] : memref<10240x32xf32, #tpu.memory_space<vmem_shared>> -> memref<10240x32xf32, #tpu.memory_space<vmem_shared>>
          tpu.wait_indirect_dma semaphore(%arg17 : memref<!tpu.dma_semaphore, #tpu.memory_space<semaphore_mem>>) src(%arg11 : memref<128x32xf32, #tpu.memory_space<vmem>>) dst(%dma_wait3A_268 : memref<10240x32xf32, #tpu.memory_space<vmem_shared>>)
        } else {
        }
        %add3A_255 = arith.constant 2 : i32
        %add3A_256 = arith.addi %add3A_194, %add3A_255 : i32
        %dma_start3A_257 = arith.constant 0 : i32
        %dma_start3A_258 = tpu.memref_slice %arg8[%add3A_256, %dma_start3A_257] : memref<160x128xi32, #tpu.memory_space<vmem>> -> memref<1x128xi32, #tpu.memory_space<vmem>>
        %dma_start3A_259 = tpu.memref_squeeze %dma_start3A_258 : memref<1x128xi32, #tpu.memory_space<vmem>> -> memref<128xi32, #tpu.memory_space<vmem>>
        %dma_start3A_260 = arith.constant 0 : i32
        %dma_start3A_261 = arith.constant 0 : i32
        %dma_start3A_262 = tpu.memref_slice %arg2[%dma_start3A_260, %dma_start3A_261] : memref<20480x32xf32, #tpu.memory_space<hbm>> -> memref<20480x32xf32, #tpu.memory_space<hbm>>
        tpu.enqueue_indirect_dma source(%dma_start3A_262 : memref<20480x32xf32, #tpu.memory_space<hbm>>) target(%arg11 : memref<128x32xf32, #tpu.memory_space<vmem>>) offsets(%dma_start3A_259 : memref<128xi32, #tpu.memory_space<vmem>>) semaphore(%arg16 : memref<!tpu.dma_semaphore, #tpu.memory_space<semaphore_mem>>)
      } else {
      }
      %mul3A_220 = arith.constant 4 : i32
      %mul3A_221 = arith.muli %scan3A_135, %mul3A_220 : i32
      %add3A_222 = arith.constant 3 : i32
      %add3A_223 = arith.addi %mul3A_221, %add3A_222 : i32
      %dma_wait3A_224 = arith.constant 0 : i32
      %dma_wait3A_225 = tpu.memref_slice %arg8[%add3A_223, %dma_wait3A_224] : memref<160x128xi32, #tpu.memory_space<vmem>> -> memref<1x128xi32, #tpu.memory_space<vmem>>
      %dma_wait3A_226 = tpu.memref_squeeze %dma_wait3A_225 : memref<1x128xi32, #tpu.memory_space<vmem>> -> memref<128xi32, #tpu.memory_space<vmem>>
      %dma_wait3A_227 = arith.constant 0 : i32
      %dma_wait3A_228 = arith.constant 0 : i32
      %dma_wait3A_229 = tpu.memref_slice %arg2[%dma_wait3A_227, %dma_wait3A_228] : memref<20480x32xf32, #tpu.memory_space<hbm>> -> memref<20480x32xf32, #tpu.memory_space<hbm>>
      tpu.wait_indirect_dma semaphore(%arg16 : memref<!tpu.dma_semaphore, #tpu.memory_space<semaphore_mem>>) src(%dma_wait3A_229 : memref<20480x32xf32, #tpu.memory_space<hbm>>) dst(%arg14 : memref<128x32xf32, #tpu.memory_space<vmem>>)
      %scan3A_230 = arith.constant 0 : i32
      %scan3A_231 = arith.constant 0 : i32
      %scan3A_232 = arith.constant 128 : i32
      %scan3A_233 = arith.addi %scan3A_231, %scan3A_232 : i32
      %scan3A_234 = arith.constant 1 : i32
      scf.for %scan3A_249 = %scan3A_231 to %scan3A_233 step %scan3A_234  : i32 {
        %broadcast_in_dim3A_250 = vector.broadcast %add3A_223 : i32 to vector<16xi32>
        %broadcast_in_dim3A_251 = vector.broadcast %scan3A_249 : i32 to vector<16xi32>
        %gather3A = tpu.vector_load_idx %arg10[%broadcast_in_dim3A_250, %broadcast_in_dim3A_251] : memref<160x128xf32, #tpu.memory_space<vmem>>[vector<16xi32>, vector<16xi32>], vector<16xf32>,
        %get3A = arith.index_cast %scan3A_249 : i32 to index
        %get3A_252 = arith.constant 0 : index
        %get3A_253 = tpu.vector_load %arg14[%get3A, %get3A_252] {strides = array<i32>} : memref<128x32xf32, #tpu.memory_space<vmem>>, vector<16xf32>,
        %mul3A_254 = arith.mulf %get3A_253, %gather3A : vector<16xf32>
        %swap3A = arith.index_cast %scan3A_249 : i32 to index
        %swap3A_255 = arith.constant 0 : index
        %swap3A_256 = tpu.vector_load %arg14[%swap3A, %swap3A_255] {strides = array<i32>} : memref<128x32xf32, #tpu.memory_space<vmem>>, vector<16xf32>,
        tpu.vector_store %arg14[%swap3A, %swap3A_255], %mul3A_254 {strides = array<i32>} : memref<128x32xf32, #tpu.memory_space<vmem>>, vector<16xf32>,
        %get3A_257 = arith.index_cast %scan3A_249 : i32 to index
        %get3A_258 = arith.constant 16 : index
        %get3A_259 = tpu.vector_load %arg14[%get3A_257, %get3A_258] {strides = array<i32>} : memref<128x32xf32, #tpu.memory_space<vmem>>, vector<16xf32>,
        %mul3A_260 = arith.mulf %get3A_259, %gather3A : vector<16xf32>
        %swap3A_261 = arith.index_cast %scan3A_249 : i32 to index
        %swap3A_262 = arith.constant 16 : index
        %swap3A_263 = tpu.vector_load %arg14[%swap3A_261, %swap3A_262] {strides = array<i32>} : memref<128x32xf32, #tpu.memory_space<vmem>>, vector<16xf32>,
        tpu.vector_store %arg14[%swap3A_261, %swap3A_262], %mul3A_260 {strides = array<i32>} : memref<128x32xf32, #tpu.memory_space<vmem>>, vector<16xf32>,
      }
      %scan3A_235 = arith.constant 128 : i32
      %dma_start3A_236 = arith.constant 0 : i32
      %dma_start3A_237 = tpu.memref_slice %arg9[%add3A_223, %dma_start3A_236] : memref<160x128xi32, #tpu.memory_space<vmem>> -> memref<1x128xi32, #tpu.memory_space<vmem>>
      %dma_start3A_238 = tpu.memref_squeeze %dma_start3A_237 : memref<1x128xi32, #tpu.memory_space<vmem>> -> memref<128xi32, #tpu.memory_space<vmem>>
      %dma_start3A_239 = arith.constant 0 : i32
      %dma_start3A_240 = arith.constant 0 : i32
      %dma_start3A_241 = tpu.memref_slice %arg15[%dma_start3A_239, %dma_start3A_240] : memref<10240x32xf32, #tpu.memory_space<vmem_shared>> -> memref<10240x32xf32, #tpu.memory_space<vmem_shared>>
      tpu.enqueue_indirect_dma source(%arg14 : memref<128x32xf32, #tpu.memory_space<vmem>>) target(%dma_start3A_241 : memref<10240x32xf32, #tpu.memory_space<vmem_shared>>) offsets(%dma_start3A_238 : memref<128xi32, #tpu.memory_space<vmem>>) semaphore(%arg17 : memref<!tpu.dma_semaphore, #tpu.memory_space<semaphore_mem>>) {add = true}
      %add3A_242 = arith.constant 2 : i32
      %add3A_243 = arith.addi %add3A_223, %add3A_242 : i32
      %lt3A_244 = arith.constant 160 : i32
      %lt3A_245 = arith.cmpi slt, %add3A_243, %lt3A_244 : i32
      %convert_element_type3A_246 = arith.extui %lt3A_245 : i1 to i32
      %cond3A_247 = arith.constant 0 : i32
      %cond3A_248 = arith.cmpi ne, %convert_element_type3A_246, %cond3A_247 : i32
      scf.if %cond3A_248 {
        %sub3A = arith.constant 2 : i32
        %sub3A_249 = arith.subi %add3A_223, %sub3A : i32
        %max3A = arith.constant 0 : i32
        %max3A_250 = arith.maxsi %sub3A_249, %max3A : i32
        %ge3A = arith.constant 2 : i32
        %ge3A_251 = arith.cmpi sge, %add3A_223, %ge3A : i32
        %convert_element_type3A_252 = arith.extui %ge3A_251 : i1 to i32
        %cond3A_253 = arith.constant 0 : i32
        %cond3A_254 = arith.cmpi ne, %convert_element_type3A_252, %cond3A_253 : i32
        scf.if %cond3A_254 {
          %dma_wait3A_263 = arith.constant 0 : i32
          %dma_wait3A_264 = tpu.memref_slice %arg9[%max3A_250, %dma_wait3A_263] : memref<160x128xi32, #tpu.memory_space<vmem>> -> memref<1x128xi32, #tpu.memory_space<vmem>>
          %dma_wait3A_265 = tpu.memref_squeeze %dma_wait3A_264 : memref<1x128xi32, #tpu.memory_space<vmem>> -> memref<128xi32, #tpu.memory_space<vmem>>
          %dma_wait3A_266 = arith.constant 0 : i32
          %dma_wait3A_267 = arith.constant 0 : i32
          %dma_wait3A_268 = tpu.memref_slice %arg15[%dma_wait3A_266, %dma_wait3A_267] : memref<10240x32xf32, #tpu.memory_space<vmem_shared>> -> memref<10240x32xf32, #tpu.memory_space<vmem_shared>>
          tpu.wait_indirect_dma semaphore(%arg17 : memref<!tpu.dma_semaphore, #tpu.memory_space<semaphore_mem>>) src(%arg12 : memref<128x32xf32, #tpu.memory_space<vmem>>) dst(%dma_wait3A_268 : memref<10240x32xf32, #tpu.memory_space<vmem_shared>>)
        } else {
        }
        %add3A_255 = arith.constant 2 : i32
        %add3A_256 = arith.addi %add3A_223, %add3A_255 : i32
        %dma_start3A_257 = arith.constant 0 : i32
        %dma_start3A_258 = tpu.memref_slice %arg8[%add3A_256, %dma_start3A_257] : memref<160x128xi32, #tpu.memory_space<vmem>> -> memref<1x128xi32, #tpu.memory_space<vmem>>
        %dma_start3A_259 = tpu.memref_squeeze %dma_start3A_258 : memref<1x128xi32, #tpu.memory_space<vmem>> -> memref<128xi32, #tpu.memory_space<vmem>>
        %dma_start3A_260 = arith.constant 0 : i32
        %dma_start3A_261 = arith.constant 0 : i32
        %dma_start3A_262 = tpu.memref_slice %arg2[%dma_start3A_260, %dma_start3A_261] : memref<20480x32xf32, #tpu.memory_space<hbm>> -> memref<20480x32xf32, #tpu.memory_space<hbm>>
        tpu.enqueue_indirect_dma source(%dma_start3A_262 : memref<20480x32xf32, #tpu.memory_space<hbm>>) target(%arg12 : memref<128x32xf32, #tpu.memory_space<vmem>>) offsets(%dma_start3A_259 : memref<128xi32, #tpu.memory_space<vmem>>) semaphore(%arg16 : memref<!tpu.dma_semaphore, #tpu.memory_space<semaphore_mem>>)
      } else {
      }
    }
    %scan3A_41 = arith.constant 40 : i32
    %dma_wait3A = arith.constant 156 : i32
    %dma_wait3A_42 = arith.constant 0 : i32
    %dma_wait3A_43 = tpu.memref_slice %arg9[%dma_wait3A, %dma_wait3A_42] : memref<160x128xi32, #tpu.memory_space<vmem>> -> memref<1x128xi32, #tpu.memory_space<vmem>>
    %dma_wait3A_44 = tpu.memref_squeeze %dma_wait3A_43 : memref<1x128xi32, #tpu.memory_space<vmem>> -> memref<128xi32, #tpu.memory_space<vmem>>
    %dma_wait3A_45 = arith.constant 0 : i32
    %dma_wait3A_46 = arith.constant 0 : i32
    %dma_wait3A_47 = tpu.memref_slice %arg15[%dma_wait3A_45, %dma_wait3A_46] : memref<10240x32xf32, #tpu.memory_space<vmem_shared>> -> memref<10240x32xf32, #tpu.memory_space<vmem_shared>>
    tpu.wait_indirect_dma semaphore(%arg17 : memref<!tpu.dma_semaphore, #tpu.memory_space<semaphore_mem>>) src(%arg11 : memref<128x32xf32, #tpu.memory_space<vmem>>) dst(%dma_wait3A_47 : memref<10240x32xf32, #tpu.memory_space<vmem_shared>>)
    %dma_wait3A_48 = arith.constant 157 : i32
    %dma_wait3A_49 = arith.constant 0 : i32
    %dma_wait3A_50 = tpu.memref_slice %arg9[%dma_wait3A_48, %dma_wait3A_49] : memref<160x128xi32, #tpu.memory_space<vmem>> -> memref<1x128xi32, #tpu.memory_space<vmem>>
    %dma_wait3A_51 = tpu.memref_squeeze %dma_wait3A_50 : memref<1x128xi32, #tpu.memory_space<vmem>> -> memref<128xi32, #tpu.memory_space<vmem>>
    %dma_wait3A_52 = arith.constant 0 : i32
    %dma_wait3A_53 = arith.constant 0 : i32
    %dma_wait3A_54 = tpu.memref_slice %arg15[%dma_wait3A_52, %dma_wait3A_53] : memref<10240x32xf32, #tpu.memory_space<vmem_shared>> -> memref<10240x32xf32, #tpu.memory_space<vmem_shared>>
    tpu.wait_indirect_dma semaphore(%arg17 : memref<!tpu.dma_semaphore, #tpu.memory_space<semaphore_mem>>) src(%arg12 : memref<128x32xf32, #tpu.memory_space<vmem>>) dst(%dma_wait3A_54 : memref<10240x32xf32, #tpu.memory_space<vmem_shared>>)
    %dma_wait3A_55 = arith.constant 158 : i32
    %dma_wait3A_56 = arith.constant 0 : i32
    %dma_wait3A_57 = tpu.memref_slice %arg9[%dma_wait3A_55, %dma_wait3A_56] : memref<160x128xi32, #tpu.memory_space<vmem>> -> memref<1x128xi32, #tpu.memory_space<vmem>>
    %dma_wait3A_58 = tpu.memref_squeeze %dma_wait3A_57 : memref<1x128xi32, #tpu.memory_space<vmem>> -> memref<128xi32, #tpu.memory_space<vmem>>
    %dma_wait3A_59 = arith.constant 0 : i32
    %dma_wait3A_60 = arith.constant 0 : i32
    %dma_wait3A_61 = tpu.memref_slice %arg15[%dma_wait3A_59, %dma_wait3A_60] : memref<10240x32xf32, #tpu.memory_space<vmem_shared>> -> memref<10240x32xf32, #tpu.memory_space<vmem_shared>>
    tpu.wait_indirect_dma semaphore(%arg17 : memref<!tpu.dma_semaphore, #tpu.memory_space<semaphore_mem>>) src(%arg13 : memref<128x32xf32, #tpu.memory_space<vmem>>) dst(%dma_wait3A_61 : memref<10240x32xf32, #tpu.memory_space<vmem_shared>>)
    %dma_wait3A_62 = arith.constant 159 : i32
    %dma_wait3A_63 = arith.constant 0 : i32
    %dma_wait3A_64 = tpu.memref_slice %arg9[%dma_wait3A_62, %dma_wait3A_63] : memref<160x128xi32, #tpu.memory_space<vmem>> -> memref<1x128xi32, #tpu.memory_space<vmem>>
    %dma_wait3A_65 = tpu.memref_squeeze %dma_wait3A_64 : memref<1x128xi32, #tpu.memory_space<vmem>> -> memref<128xi32, #tpu.memory_space<vmem>>
    %dma_wait3A_66 = arith.constant 0 : i32
    %dma_wait3A_67 = arith.constant 0 : i32
    %dma_wait3A_68 = tpu.memref_slice %arg15[%dma_wait3A_66, %dma_wait3A_67] : memref<10240x32xf32, #tpu.memory_space<vmem_shared>> -> memref<10240x32xf32, #tpu.memory_space<vmem_shared>>
    tpu.wait_indirect_dma semaphore(%arg17 : memref<!tpu.dma_semaphore, #tpu.memory_space<semaphore_mem>>) src(%arg14 : memref<128x32xf32, #tpu.memory_space<vmem>>) dst(%dma_wait3A_68 : memref<10240x32xf32, #tpu.memory_space<vmem_shared>>)
    %barrier3A_69 = arith.constant 0 : index
    tpu.barrier barrier_id(%barrier3A_69)
    %add3A = arith.addi %mul3A_4, %mul3A_2 : i32
    "tpu.region"() ({
      %run_scoped3A = tpu.sem_alloc : memref<!tpu.dma_semaphore, #tpu.memory_space<semaphore_mem>>
      %dma_start3A_135 = arith.constant 0 : i32
      %dma_start3A_136 = tpu.memref_slice %arg6[%add3A, %dma_start3A_135] : memref<20480x32xf32, #tpu.memory_space<hbm>> -> memref<640x32xf32, #tpu.memory_space<hbm>>
      %dma_start3A_137 = arith.constant 0 : i32
      %dma_start3A_138 = tpu.memref_slice %arg15[%mul3A_2, %dma_start3A_137] : memref<10240x32xf32, #tpu.memory_space<vmem_shared>> -> memref<640x32xf32, #tpu.memory_space<vmem_shared>>
      tpu.enqueue_dma source(%dma_start3A_138 : memref<640x32xf32, #tpu.memory_space<vmem_shared>>) target(%dma_start3A_136 : memref<640x32xf32, #tpu.memory_space<hbm>>) target_semaphore(%run_scoped3A : memref<!tpu.dma_semaphore, #tpu.memory_space<semaphore_mem>>)
      %dma_wait3A_139 = arith.constant 0 : i32
      %dma_wait3A_140 = tpu.memref_slice %arg6[%add3A, %dma_wait3A_139] : memref<20480x32xf32, #tpu.memory_space<hbm>> -> memref<640x32xf32, #tpu.memory_space<hbm>>
      %dma_wait3A_141 = arith.constant 0 : i32
      %dma_wait3A_142 = tpu.memref_slice %arg15[%mul3A_2, %dma_wait3A_141] : memref<10240x32xf32, #tpu.memory_space<vmem_shared>> -> memref<640x32xf32, #tpu.memory_space<vmem_shared>>
      tpu.wait_dma2 semaphore(%run_scoped3A : memref<!tpu.dma_semaphore, #tpu.memory_space<semaphore_mem>>) src(%dma_wait3A_142 : memref<640x32xf32, #tpu.memory_space<vmem_shared>>) dst(%dma_wait3A_140 : memref<640x32xf32, #tpu.memory_space<hbm>>)
      tpu.yield
    }) : () -> ()
    %broadcast_in_dim3A_70 = arith.constant 0.000000e+00 : f32
    %broadcast_in_dim3A_71 = vector.broadcast %broadcast_in_dim3A_70 : f32 to vector<16xf32>
    %scan3A_72 = arith.constant 0 : i32
    %scan3A_73 = arith.constant 0 : i32
    %scan3A_74 = arith.constant 128 : i32
    %scan3A_75 = arith.addi %scan3A_73, %scan3A_74 : i32
    %scan3A_76 = arith.constant 1 : i32
    scf.for %scan3A_135 = %scan3A_73 to %scan3A_75 step %scan3A_76  : i32 {
      %swap3A = arith.index_cast %scan3A_135 : i32 to index
      %swap3A_136 = arith.constant 0 : index
      %swap3A_137 = tpu.vector_load %arg11[%swap3A, %swap3A_136] {strides = array<i32>} : memref<128x32xf32, #tpu.memory_space<vmem>>, vector<16xf32>,
      tpu.vector_store %arg11[%swap3A, %swap3A_136], %broadcast_in_dim3A_71 {strides = array<i32>} : memref<128x32xf32, #tpu.memory_space<vmem>>, vector<16xf32>,
      %swap3A_138 = arith.index_cast %scan3A_135 : i32 to index
      %swap3A_139 = arith.constant 16 : index
      %swap3A_140 = tpu.vector_load %arg11[%swap3A_138, %swap3A_139] {strides = array<i32>} : memref<128x32xf32, #tpu.memory_space<vmem>>, vector<16xf32>,
      tpu.vector_store %arg11[%swap3A_138, %swap3A_139], %broadcast_in_dim3A_71 {strides = array<i32>} : memref<128x32xf32, #tpu.memory_space<vmem>>, vector<16xf32>,
    }
    %scan3A_77 = arith.constant 128 : i32
    %scan3A_78 = arith.constant 0 : i32
    %scan3A_79 = arith.constant 0 : i32
    %scan3A_80 = arith.constant 5 : i32
    %scan3A_81 = arith.addi %scan3A_79, %scan3A_80 : i32
    %scan3A_82 = arith.constant 1 : i32
    scf.for %scan3A_135 = %scan3A_79 to %scan3A_81 step %scan3A_82  : i32 {
      %mul3A_136 = arith.constant 128 : i32
      %mul3A_137 = arith.muli %scan3A_135, %mul3A_136 : i32
      %add3A_138 = arith.addi %mul3A_2, %mul3A_137 : i32
      "tpu.region"() ({
        %run_scoped3A = tpu.sem_alloc : memref<!tpu.dma_semaphore, #tpu.memory_space<semaphore_mem>>
        %dma_start3A_139 = arith.constant 0 : i32
        %dma_start3A_140 = tpu.memref_slice %arg15[%add3A_138, %dma_start3A_139] : memref<10240x32xf32, #tpu.memory_space<vmem_shared>> -> memref<128x32xf32, #tpu.memory_space<vmem_shared>>
        %dma_start3A_141 = arith.constant 0 : i32
        %dma_start3A_142 = tpu.memref_slice %arg15[%add3A_138, %dma_start3A_141] : memref<10240x32xf32, #tpu.memory_space<vmem_shared>> -> memref<128x32xf32, #tpu.memory_space<vmem_shared>>
        tpu.enqueue_dma source(%arg11 : memref<128x32xf32, #tpu.memory_space<vmem>>) target(%dma_start3A_142 : memref<128x32xf32, #tpu.memory_space<vmem_shared>>) target_semaphore(%run_scoped3A : memref<!tpu.dma_semaphore, #tpu.memory_space<semaphore_mem>>)
        %dma_wait3A_143 = arith.constant 0 : i32
        %dma_wait3A_144 = tpu.memref_slice %arg15[%add3A_138, %dma_wait3A_143] : memref<10240x32xf32, #tpu.memory_space<vmem_shared>> -> memref<128x32xf32, #tpu.memory_space<vmem_shared>>
        %dma_wait3A_145 = arith.constant 0 : i32
        %dma_wait3A_146 = tpu.memref_slice %arg15[%add3A_138, %dma_wait3A_145] : memref<10240x32xf32, #tpu.memory_space<vmem_shared>> -> memref<128x32xf32, #tpu.memory_space<vmem_shared>>
        tpu.wait_dma2 semaphore(%run_scoped3A : memref<!tpu.dma_semaphore, #tpu.memory_space<semaphore_mem>>) src(%arg11 : memref<128x32xf32, #tpu.memory_space<vmem>>) dst(%dma_wait3A_146 : memref<128x32xf32, #tpu.memory_space<vmem_shared>>)
        tpu.yield
      }) : () -> ()
    }
    %scan3A_83 = arith.constant 5 : i32
    %barrier3A_84 = arith.constant 0 : index
    tpu.barrier barrier_id(%barrier3A_84)
    %dma_start3A_85 = arith.constant 0 : i32
    %dma_start3A_86 = arith.constant 0 : i32
    %dma_start3A_87 = tpu.memref_slice %arg8[%dma_start3A_85, %dma_start3A_86] : memref<160x128xi32, #tpu.memory_space<vmem>> -> memref<1x128xi32, #tpu.memory_space<vmem>>
    %dma_start3A_88 = tpu.memref_squeeze %dma_start3A_87 : memref<1x128xi32, #tpu.memory_space<vmem>> -> memref<128xi32, #tpu.memory_space<vmem>>
    %dma_start3A_89 = arith.constant 0 : i32
    %dma_start3A_90 = arith.constant 0 : i32
    %dma_start3A_91 = tpu.memref_slice %arg6[%dma_start3A_89, %dma_start3A_90] : memref<20480x32xf32, #tpu.memory_space<hbm>> -> memref<20480x32xf32, #tpu.memory_space<hbm>>
    tpu.enqueue_indirect_dma source(%dma_start3A_91 : memref<20480x32xf32, #tpu.memory_space<hbm>>) target(%arg11 : memref<128x32xf32, #tpu.memory_space<vmem>>) offsets(%dma_start3A_88 : memref<128xi32, #tpu.memory_space<vmem>>) semaphore(%arg16 : memref<!tpu.dma_semaphore, #tpu.memory_space<semaphore_mem>>)
    %dma_start3A_92 = arith.constant 1 : i32
    %dma_start3A_93 = arith.constant 0 : i32
    %dma_start3A_94 = tpu.memref_slice %arg8[%dma_start3A_92, %dma_start3A_93] : memref<160x128xi32, #tpu.memory_space<vmem>> -> memref<1x128xi32, #tpu.memory_space<vmem>>
    %dma_start3A_95 = tpu.memref_squeeze %dma_start3A_94 : memref<1x128xi32, #tpu.memory_space<vmem>> -> memref<128xi32, #tpu.memory_space<vmem>>
    %dma_start3A_96 = arith.constant 0 : i32
    %dma_start3A_97 = arith.constant 0 : i32
    %dma_start3A_98 = tpu.memref_slice %arg6[%dma_start3A_96, %dma_start3A_97] : memref<20480x32xf32, #tpu.memory_space<hbm>> -> memref<20480x32xf32, #tpu.memory_space<hbm>>
    tpu.enqueue_indirect_dma source(%dma_start3A_98 : memref<20480x32xf32, #tpu.memory_space<hbm>>) target(%arg12 : memref<128x32xf32, #tpu.memory_space<vmem>>) offsets(%dma_start3A_95 : memref<128xi32, #tpu.memory_space<vmem>>) semaphore(%arg16 : memref<!tpu.dma_semaphore, #tpu.memory_space<semaphore_mem>>)
    %scan3A_99 = arith.constant 0 : i32
    %scan3A_100 = arith.constant 0 : i32
    %scan3A_101 = arith.constant 40 : i32
    %scan3A_102 = arith.addi %scan3A_100, %scan3A_101 : i32
    %scan3A_103 = arith.constant 1 : i32
    scf.for %scan3A_135 = %scan3A_100 to %scan3A_102 step %scan3A_103  : i32 {
      %mul3A_136 = arith.constant 4 : i32
      %mul3A_137 = arith.muli %scan3A_135, %mul3A_136 : i32
      %add3A_138 = arith.constant 0 : i32
      %add3A_139 = arith.addi %mul3A_137, %add3A_138 : i32
      %dma_wait3A_140 = arith.constant 0 : i32
      %dma_wait3A_141 = tpu.memref_slice %arg8[%add3A_139, %dma_wait3A_140] : memref<160x128xi32, #tpu.memory_space<vmem>> -> memref<1x128xi32, #tpu.memory_space<vmem>>
      %dma_wait3A_142 = tpu.memref_squeeze %dma_wait3A_141 : memref<1x128xi32, #tpu.memory_space<vmem>> -> memref<128xi32, #tpu.memory_space<vmem>>
      %dma_wait3A_143 = arith.constant 0 : i32
      %dma_wait3A_144 = arith.constant 0 : i32
      %dma_wait3A_145 = tpu.memref_slice %arg6[%dma_wait3A_143, %dma_wait3A_144] : memref<20480x32xf32, #tpu.memory_space<hbm>> -> memref<20480x32xf32, #tpu.memory_space<hbm>>
      tpu.wait_indirect_dma semaphore(%arg16 : memref<!tpu.dma_semaphore, #tpu.memory_space<semaphore_mem>>) src(%dma_wait3A_145 : memref<20480x32xf32, #tpu.memory_space<hbm>>) dst(%arg11 : memref<128x32xf32, #tpu.memory_space<vmem>>)
      %scan3A_146 = arith.constant 0 : i32
      %scan3A_147 = arith.constant 0 : i32
      %scan3A_148 = arith.constant 128 : i32
      %scan3A_149 = arith.addi %scan3A_147, %scan3A_148 : i32
      %scan3A_150 = arith.constant 1 : i32
      scf.for %scan3A_249 = %scan3A_147 to %scan3A_149 step %scan3A_150  : i32 {
        %broadcast_in_dim3A_250 = vector.broadcast %add3A_139 : i32 to vector<16xi32>
        %broadcast_in_dim3A_251 = vector.broadcast %scan3A_249 : i32 to vector<16xi32>
        %gather3A = tpu.vector_load_idx %arg10[%broadcast_in_dim3A_250, %broadcast_in_dim3A_251] : memref<160x128xf32, #tpu.memory_space<vmem>>[vector<16xi32>, vector<16xi32>], vector<16xf32>,
        %get3A = arith.index_cast %scan3A_249 : i32 to index
        %get3A_252 = arith.constant 0 : index
        %get3A_253 = tpu.vector_load %arg11[%get3A, %get3A_252] {strides = array<i32>} : memref<128x32xf32, #tpu.memory_space<vmem>>, vector<16xf32>,
        %mul3A_254 = arith.mulf %get3A_253, %gather3A : vector<16xf32>
        %swap3A = arith.index_cast %scan3A_249 : i32 to index
        %swap3A_255 = arith.constant 0 : index
        %swap3A_256 = tpu.vector_load %arg11[%swap3A, %swap3A_255] {strides = array<i32>} : memref<128x32xf32, #tpu.memory_space<vmem>>, vector<16xf32>,
        tpu.vector_store %arg11[%swap3A, %swap3A_255], %mul3A_254 {strides = array<i32>} : memref<128x32xf32, #tpu.memory_space<vmem>>, vector<16xf32>,
        %get3A_257 = arith.index_cast %scan3A_249 : i32 to index
        %get3A_258 = arith.constant 16 : index
        %get3A_259 = tpu.vector_load %arg11[%get3A_257, %get3A_258] {strides = array<i32>} : memref<128x32xf32, #tpu.memory_space<vmem>>, vector<16xf32>,
        %mul3A_260 = arith.mulf %get3A_259, %gather3A : vector<16xf32>
        %swap3A_261 = arith.index_cast %scan3A_249 : i32 to index
        %swap3A_262 = arith.constant 16 : index
        %swap3A_263 = tpu.vector_load %arg11[%swap3A_261, %swap3A_262] {strides = array<i32>} : memref<128x32xf32, #tpu.memory_space<vmem>>, vector<16xf32>,
        tpu.vector_store %arg11[%swap3A_261, %swap3A_262], %mul3A_260 {strides = array<i32>} : memref<128x32xf32, #tpu.memory_space<vmem>>, vector<16xf32>,
      }
      %scan3A_151 = arith.constant 128 : i32
      %dma_start3A_152 = arith.constant 0 : i32
      %dma_start3A_153 = tpu.memref_slice %arg9[%add3A_139, %dma_start3A_152] : memref<160x128xi32, #tpu.memory_space<vmem>> -> memref<1x128xi32, #tpu.memory_space<vmem>>
      %dma_start3A_154 = tpu.memref_squeeze %dma_start3A_153 : memref<1x128xi32, #tpu.memory_space<vmem>> -> memref<128xi32, #tpu.memory_space<vmem>>
      %dma_start3A_155 = arith.constant 0 : i32
      %dma_start3A_156 = arith.constant 0 : i32
      %dma_start3A_157 = tpu.memref_slice %arg15[%dma_start3A_155, %dma_start3A_156] : memref<10240x32xf32, #tpu.memory_space<vmem_shared>> -> memref<10240x32xf32, #tpu.memory_space<vmem_shared>>
      tpu.enqueue_indirect_dma source(%arg11 : memref<128x32xf32, #tpu.memory_space<vmem>>) target(%dma_start3A_157 : memref<10240x32xf32, #tpu.memory_space<vmem_shared>>) offsets(%dma_start3A_154 : memref<128xi32, #tpu.memory_space<vmem>>) semaphore(%arg17 : memref<!tpu.dma_semaphore, #tpu.memory_space<semaphore_mem>>) {add = true}
      %add3A_158 = arith.constant 2 : i32
      %add3A_159 = arith.addi %add3A_139, %add3A_158 : i32
      %lt3A = arith.constant 160 : i32
      %lt3A_160 = arith.cmpi slt, %add3A_159, %lt3A : i32
      %convert_element_type3A = arith.extui %lt3A_160 : i1 to i32
      %cond3A = arith.constant 0 : i32
      %cond3A_161 = arith.cmpi ne, %convert_element_type3A, %cond3A : i32
      scf.if %cond3A_161 {
        %sub3A = arith.constant 2 : i32
        %sub3A_249 = arith.subi %add3A_139, %sub3A : i32
        %max3A = arith.constant 0 : i32
        %max3A_250 = arith.maxsi %sub3A_249, %max3A : i32
        %ge3A = arith.constant 2 : i32
        %ge3A_251 = arith.cmpi sge, %add3A_139, %ge3A : i32
        %convert_element_type3A_252 = arith.extui %ge3A_251 : i1 to i32
        %cond3A_253 = arith.constant 0 : i32
        %cond3A_254 = arith.cmpi ne, %convert_element_type3A_252, %cond3A_253 : i32
        scf.if %cond3A_254 {
          %dma_wait3A_263 = arith.constant 0 : i32
          %dma_wait3A_264 = tpu.memref_slice %arg9[%max3A_250, %dma_wait3A_263] : memref<160x128xi32, #tpu.memory_space<vmem>> -> memref<1x128xi32, #tpu.memory_space<vmem>>
          %dma_wait3A_265 = tpu.memref_squeeze %dma_wait3A_264 : memref<1x128xi32, #tpu.memory_space<vmem>> -> memref<128xi32, #tpu.memory_space<vmem>>
          %dma_wait3A_266 = arith.constant 0 : i32
          %dma_wait3A_267 = arith.constant 0 : i32
          %dma_wait3A_268 = tpu.memref_slice %arg15[%dma_wait3A_266, %dma_wait3A_267] : memref<10240x32xf32, #tpu.memory_space<vmem_shared>> -> memref<10240x32xf32, #tpu.memory_space<vmem_shared>>
          tpu.wait_indirect_dma semaphore(%arg17 : memref<!tpu.dma_semaphore, #tpu.memory_space<semaphore_mem>>) src(%arg13 : memref<128x32xf32, #tpu.memory_space<vmem>>) dst(%dma_wait3A_268 : memref<10240x32xf32, #tpu.memory_space<vmem_shared>>)
        } else {
        }
        %add3A_255 = arith.constant 2 : i32
        %add3A_256 = arith.addi %add3A_139, %add3A_255 : i32
        %dma_start3A_257 = arith.constant 0 : i32
        %dma_start3A_258 = tpu.memref_slice %arg8[%add3A_256, %dma_start3A_257] : memref<160x128xi32, #tpu.memory_space<vmem>> -> memref<1x128xi32, #tpu.memory_space<vmem>>
        %dma_start3A_259 = tpu.memref_squeeze %dma_start3A_258 : memref<1x128xi32, #tpu.memory_space<vmem>> -> memref<128xi32, #tpu.memory_space<vmem>>
        %dma_start3A_260 = arith.constant 0 : i32
        %dma_start3A_261 = arith.constant 0 : i32
        %dma_start3A_262 = tpu.memref_slice %arg6[%dma_start3A_260, %dma_start3A_261] : memref<20480x32xf32, #tpu.memory_space<hbm>> -> memref<20480x32xf32, #tpu.memory_space<hbm>>
        tpu.enqueue_indirect_dma source(%dma_start3A_262 : memref<20480x32xf32, #tpu.memory_space<hbm>>) target(%arg13 : memref<128x32xf32, #tpu.memory_space<vmem>>) offsets(%dma_start3A_259 : memref<128xi32, #tpu.memory_space<vmem>>) semaphore(%arg16 : memref<!tpu.dma_semaphore, #tpu.memory_space<semaphore_mem>>)
      } else {
      }
      %mul3A_162 = arith.constant 4 : i32
      %mul3A_163 = arith.muli %scan3A_135, %mul3A_162 : i32
      %add3A_164 = arith.constant 1 : i32
      %add3A_165 = arith.addi %mul3A_163, %add3A_164 : i32
      %dma_wait3A_166 = arith.constant 0 : i32
      %dma_wait3A_167 = tpu.memref_slice %arg8[%add3A_165, %dma_wait3A_166] : memref<160x128xi32, #tpu.memory_space<vmem>> -> memref<1x128xi32, #tpu.memory_space<vmem>>
      %dma_wait3A_168 = tpu.memref_squeeze %dma_wait3A_167 : memref<1x128xi32, #tpu.memory_space<vmem>> -> memref<128xi32, #tpu.memory_space<vmem>>
      %dma_wait3A_169 = arith.constant 0 : i32
      %dma_wait3A_170 = arith.constant 0 : i32
      %dma_wait3A_171 = tpu.memref_slice %arg6[%dma_wait3A_169, %dma_wait3A_170] : memref<20480x32xf32, #tpu.memory_space<hbm>> -> memref<20480x32xf32, #tpu.memory_space<hbm>>
      tpu.wait_indirect_dma semaphore(%arg16 : memref<!tpu.dma_semaphore, #tpu.memory_space<semaphore_mem>>) src(%dma_wait3A_171 : memref<20480x32xf32, #tpu.memory_space<hbm>>) dst(%arg12 : memref<128x32xf32, #tpu.memory_space<vmem>>)
      %scan3A_172 = arith.constant 0 : i32
      %scan3A_173 = arith.constant 0 : i32
      %scan3A_174 = arith.constant 128 : i32
      %scan3A_175 = arith.addi %scan3A_173, %scan3A_174 : i32
      %scan3A_176 = arith.constant 1 : i32
      scf.for %scan3A_249 = %scan3A_173 to %scan3A_175 step %scan3A_176  : i32 {
        %broadcast_in_dim3A_250 = vector.broadcast %add3A_165 : i32 to vector<16xi32>
        %broadcast_in_dim3A_251 = vector.broadcast %scan3A_249 : i32 to vector<16xi32>
        %gather3A = tpu.vector_load_idx %arg10[%broadcast_in_dim3A_250, %broadcast_in_dim3A_251] : memref<160x128xf32, #tpu.memory_space<vmem>>[vector<16xi32>, vector<16xi32>], vector<16xf32>,
        %get3A = arith.index_cast %scan3A_249 : i32 to index
        %get3A_252 = arith.constant 0 : index
        %get3A_253 = tpu.vector_load %arg12[%get3A, %get3A_252] {strides = array<i32>} : memref<128x32xf32, #tpu.memory_space<vmem>>, vector<16xf32>,
        %mul3A_254 = arith.mulf %get3A_253, %gather3A : vector<16xf32>
        %swap3A = arith.index_cast %scan3A_249 : i32 to index
        %swap3A_255 = arith.constant 0 : index
        %swap3A_256 = tpu.vector_load %arg12[%swap3A, %swap3A_255] {strides = array<i32>} : memref<128x32xf32, #tpu.memory_space<vmem>>, vector<16xf32>,
        tpu.vector_store %arg12[%swap3A, %swap3A_255], %mul3A_254 {strides = array<i32>} : memref<128x32xf32, #tpu.memory_space<vmem>>, vector<16xf32>,
        %get3A_257 = arith.index_cast %scan3A_249 : i32 to index
        %get3A_258 = arith.constant 16 : index
        %get3A_259 = tpu.vector_load %arg12[%get3A_257, %get3A_258] {strides = array<i32>} : memref<128x32xf32, #tpu.memory_space<vmem>>, vector<16xf32>,
        %mul3A_260 = arith.mulf %get3A_259, %gather3A : vector<16xf32>
        %swap3A_261 = arith.index_cast %scan3A_249 : i32 to index
        %swap3A_262 = arith.constant 16 : index
        %swap3A_263 = tpu.vector_load %arg12[%swap3A_261, %swap3A_262] {strides = array<i32>} : memref<128x32xf32, #tpu.memory_space<vmem>>, vector<16xf32>,
        tpu.vector_store %arg12[%swap3A_261, %swap3A_262], %mul3A_260 {strides = array<i32>} : memref<128x32xf32, #tpu.memory_space<vmem>>, vector<16xf32>,
      }
      %scan3A_177 = arith.constant 128 : i32
      %dma_start3A_178 = arith.constant 0 : i32
      %dma_start3A_179 = tpu.memref_slice %arg9[%add3A_165, %dma_start3A_178] : memref<160x128xi32, #tpu.memory_space<vmem>> -> memref<1x128xi32, #tpu.memory_space<vmem>>
      %dma_start3A_180 = tpu.memref_squeeze %dma_start3A_179 : memref<1x128xi32, #tpu.memory_space<vmem>> -> memref<128xi32, #tpu.memory_space<vmem>>
      %dma_start3A_181 = arith.constant 0 : i32
      %dma_start3A_182 = arith.constant 0 : i32
      %dma_start3A_183 = tpu.memref_slice %arg15[%dma_start3A_181, %dma_start3A_182] : memref<10240x32xf32, #tpu.memory_space<vmem_shared>> -> memref<10240x32xf32, #tpu.memory_space<vmem_shared>>
      tpu.enqueue_indirect_dma source(%arg12 : memref<128x32xf32, #tpu.memory_space<vmem>>) target(%dma_start3A_183 : memref<10240x32xf32, #tpu.memory_space<vmem_shared>>) offsets(%dma_start3A_180 : memref<128xi32, #tpu.memory_space<vmem>>) semaphore(%arg17 : memref<!tpu.dma_semaphore, #tpu.memory_space<semaphore_mem>>) {add = true}
      %add3A_184 = arith.constant 2 : i32
      %add3A_185 = arith.addi %add3A_165, %add3A_184 : i32
      %lt3A_186 = arith.constant 160 : i32
      %lt3A_187 = arith.cmpi slt, %add3A_185, %lt3A_186 : i32
      %convert_element_type3A_188 = arith.extui %lt3A_187 : i1 to i32
      %cond3A_189 = arith.constant 0 : i32
      %cond3A_190 = arith.cmpi ne, %convert_element_type3A_188, %cond3A_189 : i32
      scf.if %cond3A_190 {
        %sub3A = arith.constant 2 : i32
        %sub3A_249 = arith.subi %add3A_165, %sub3A : i32
        %max3A = arith.constant 0 : i32
        %max3A_250 = arith.maxsi %sub3A_249, %max3A : i32
        %ge3A = arith.constant 2 : i32
        %ge3A_251 = arith.cmpi sge, %add3A_165, %ge3A : i32
        %convert_element_type3A_252 = arith.extui %ge3A_251 : i1 to i32
        %cond3A_253 = arith.constant 0 : i32
        %cond3A_254 = arith.cmpi ne, %convert_element_type3A_252, %cond3A_253 : i32
        scf.if %cond3A_254 {
          %dma_wait3A_263 = arith.constant 0 : i32
          %dma_wait3A_264 = tpu.memref_slice %arg9[%max3A_250, %dma_wait3A_263] : memref<160x128xi32, #tpu.memory_space<vmem>> -> memref<1x128xi32, #tpu.memory_space<vmem>>
          %dma_wait3A_265 = tpu.memref_squeeze %dma_wait3A_264 : memref<1x128xi32, #tpu.memory_space<vmem>> -> memref<128xi32, #tpu.memory_space<vmem>>
          %dma_wait3A_266 = arith.constant 0 : i32
          %dma_wait3A_267 = arith.constant 0 : i32
          %dma_wait3A_268 = tpu.memref_slice %arg15[%dma_wait3A_266, %dma_wait3A_267] : memref<10240x32xf32, #tpu.memory_space<vmem_shared>> -> memref<10240x32xf32, #tpu.memory_space<vmem_shared>>
          tpu.wait_indirect_dma semaphore(%arg17 : memref<!tpu.dma_semaphore, #tpu.memory_space<semaphore_mem>>) src(%arg14 : memref<128x32xf32, #tpu.memory_space<vmem>>) dst(%dma_wait3A_268 : memref<10240x32xf32, #tpu.memory_space<vmem_shared>>)
        } else {
        }
        %add3A_255 = arith.constant 2 : i32
        %add3A_256 = arith.addi %add3A_165, %add3A_255 : i32
        %dma_start3A_257 = arith.constant 0 : i32
        %dma_start3A_258 = tpu.memref_slice %arg8[%add3A_256, %dma_start3A_257] : memref<160x128xi32, #tpu.memory_space<vmem>> -> memref<1x128xi32, #tpu.memory_space<vmem>>
        %dma_start3A_259 = tpu.memref_squeeze %dma_start3A_258 : memref<1x128xi32, #tpu.memory_space<vmem>> -> memref<128xi32, #tpu.memory_space<vmem>>
        %dma_start3A_260 = arith.constant 0 : i32
        %dma_start3A_261 = arith.constant 0 : i32
        %dma_start3A_262 = tpu.memref_slice %arg6[%dma_start3A_260, %dma_start3A_261] : memref<20480x32xf32, #tpu.memory_space<hbm>> -> memref<20480x32xf32, #tpu.memory_space<hbm>>
        tpu.enqueue_indirect_dma source(%dma_start3A_262 : memref<20480x32xf32, #tpu.memory_space<hbm>>) target(%arg14 : memref<128x32xf32, #tpu.memory_space<vmem>>) offsets(%dma_start3A_259 : memref<128xi32, #tpu.memory_space<vmem>>) semaphore(%arg16 : memref<!tpu.dma_semaphore, #tpu.memory_space<semaphore_mem>>)
      } else {
      }
      %mul3A_191 = arith.constant 4 : i32
      %mul3A_192 = arith.muli %scan3A_135, %mul3A_191 : i32
      %add3A_193 = arith.constant 2 : i32
      %add3A_194 = arith.addi %mul3A_192, %add3A_193 : i32
      %dma_wait3A_195 = arith.constant 0 : i32
      %dma_wait3A_196 = tpu.memref_slice %arg8[%add3A_194, %dma_wait3A_195] : memref<160x128xi32, #tpu.memory_space<vmem>> -> memref<1x128xi32, #tpu.memory_space<vmem>>
      %dma_wait3A_197 = tpu.memref_squeeze %dma_wait3A_196 : memref<1x128xi32, #tpu.memory_space<vmem>> -> memref<128xi32, #tpu.memory_space<vmem>>
      %dma_wait3A_198 = arith.constant 0 : i32
      %dma_wait3A_199 = arith.constant 0 : i32
      %dma_wait3A_200 = tpu.memref_slice %arg6[%dma_wait3A_198, %dma_wait3A_199] : memref<20480x32xf32, #tpu.memory_space<hbm>> -> memref<20480x32xf32, #tpu.memory_space<hbm>>
      tpu.wait_indirect_dma semaphore(%arg16 : memref<!tpu.dma_semaphore, #tpu.memory_space<semaphore_mem>>) src(%dma_wait3A_200 : memref<20480x32xf32, #tpu.memory_space<hbm>>) dst(%arg13 : memref<128x32xf32, #tpu.memory_space<vmem>>)
      %scan3A_201 = arith.constant 0 : i32
      %scan3A_202 = arith.constant 0 : i32
      %scan3A_203 = arith.constant 128 : i32
      %scan3A_204 = arith.addi %scan3A_202, %scan3A_203 : i32
      %scan3A_205 = arith.constant 1 : i32
      scf.for %scan3A_249 = %scan3A_202 to %scan3A_204 step %scan3A_205  : i32 {
        %broadcast_in_dim3A_250 = vector.broadcast %add3A_194 : i32 to vector<16xi32>
        %broadcast_in_dim3A_251 = vector.broadcast %scan3A_249 : i32 to vector<16xi32>
        %gather3A = tpu.vector_load_idx %arg10[%broadcast_in_dim3A_250, %broadcast_in_dim3A_251] : memref<160x128xf32, #tpu.memory_space<vmem>>[vector<16xi32>, vector<16xi32>], vector<16xf32>,
        %get3A = arith.index_cast %scan3A_249 : i32 to index
        %get3A_252 = arith.constant 0 : index
        %get3A_253 = tpu.vector_load %arg13[%get3A, %get3A_252] {strides = array<i32>} : memref<128x32xf32, #tpu.memory_space<vmem>>, vector<16xf32>,
        %mul3A_254 = arith.mulf %get3A_253, %gather3A : vector<16xf32>
        %swap3A = arith.index_cast %scan3A_249 : i32 to index
        %swap3A_255 = arith.constant 0 : index
        %swap3A_256 = tpu.vector_load %arg13[%swap3A, %swap3A_255] {strides = array<i32>} : memref<128x32xf32, #tpu.memory_space<vmem>>, vector<16xf32>,
        tpu.vector_store %arg13[%swap3A, %swap3A_255], %mul3A_254 {strides = array<i32>} : memref<128x32xf32, #tpu.memory_space<vmem>>, vector<16xf32>,
        %get3A_257 = arith.index_cast %scan3A_249 : i32 to index
        %get3A_258 = arith.constant 16 : index
        %get3A_259 = tpu.vector_load %arg13[%get3A_257, %get3A_258] {strides = array<i32>} : memref<128x32xf32, #tpu.memory_space<vmem>>, vector<16xf32>,
        %mul3A_260 = arith.mulf %get3A_259, %gather3A : vector<16xf32>
        %swap3A_261 = arith.index_cast %scan3A_249 : i32 to index
        %swap3A_262 = arith.constant 16 : index
        %swap3A_263 = tpu.vector_load %arg13[%swap3A_261, %swap3A_262] {strides = array<i32>} : memref<128x32xf32, #tpu.memory_space<vmem>>, vector<16xf32>,
        tpu.vector_store %arg13[%swap3A_261, %swap3A_262], %mul3A_260 {strides = array<i32>} : memref<128x32xf32, #tpu.memory_space<vmem>>, vector<16xf32>,
      }
      %scan3A_206 = arith.constant 128 : i32
      %dma_start3A_207 = arith.constant 0 : i32
      %dma_start3A_208 = tpu.memref_slice %arg9[%add3A_194, %dma_start3A_207] : memref<160x128xi32, #tpu.memory_space<vmem>> -> memref<1x128xi32, #tpu.memory_space<vmem>>
      %dma_start3A_209 = tpu.memref_squeeze %dma_start3A_208 : memref<1x128xi32, #tpu.memory_space<vmem>> -> memref<128xi32, #tpu.memory_space<vmem>>
      %dma_start3A_210 = arith.constant 0 : i32
      %dma_start3A_211 = arith.constant 0 : i32
      %dma_start3A_212 = tpu.memref_slice %arg15[%dma_start3A_210, %dma_start3A_211] : memref<10240x32xf32, #tpu.memory_space<vmem_shared>> -> memref<10240x32xf32, #tpu.memory_space<vmem_shared>>
      tpu.enqueue_indirect_dma source(%arg13 : memref<128x32xf32, #tpu.memory_space<vmem>>) target(%dma_start3A_212 : memref<10240x32xf32, #tpu.memory_space<vmem_shared>>) offsets(%dma_start3A_209 : memref<128xi32, #tpu.memory_space<vmem>>) semaphore(%arg17 : memref<!tpu.dma_semaphore, #tpu.memory_space<semaphore_mem>>) {add = true}
      %add3A_213 = arith.constant 2 : i32
      %add3A_214 = arith.addi %add3A_194, %add3A_213 : i32
      %lt3A_215 = arith.constant 160 : i32
      %lt3A_216 = arith.cmpi slt, %add3A_214, %lt3A_215 : i32
      %convert_element_type3A_217 = arith.extui %lt3A_216 : i1 to i32
      %cond3A_218 = arith.constant 0 : i32
      %cond3A_219 = arith.cmpi ne, %convert_element_type3A_217, %cond3A_218 : i32
      scf.if %cond3A_219 {
        %sub3A = arith.constant 2 : i32
        %sub3A_249 = arith.subi %add3A_194, %sub3A : i32
        %max3A = arith.constant 0 : i32
        %max3A_250 = arith.maxsi %sub3A_249, %max3A : i32
        %ge3A = arith.constant 2 : i32
        %ge3A_251 = arith.cmpi sge, %add3A_194, %ge3A : i32
        %convert_element_type3A_252 = arith.extui %ge3A_251 : i1 to i32
        %cond3A_253 = arith.constant 0 : i32
        %cond3A_254 = arith.cmpi ne, %convert_element_type3A_252, %cond3A_253 : i32
        scf.if %cond3A_254 {
          %dma_wait3A_263 = arith.constant 0 : i32
          %dma_wait3A_264 = tpu.memref_slice %arg9[%max3A_250, %dma_wait3A_263] : memref<160x128xi32, #tpu.memory_space<vmem>> -> memref<1x128xi32, #tpu.memory_space<vmem>>
          %dma_wait3A_265 = tpu.memref_squeeze %dma_wait3A_264 : memref<1x128xi32, #tpu.memory_space<vmem>> -> memref<128xi32, #tpu.memory_space<vmem>>
          %dma_wait3A_266 = arith.constant 0 : i32
          %dma_wait3A_267 = arith.constant 0 : i32
          %dma_wait3A_268 = tpu.memref_slice %arg15[%dma_wait3A_266, %dma_wait3A_267] : memref<10240x32xf32, #tpu.memory_space<vmem_shared>> -> memref<10240x32xf32, #tpu.memory_space<vmem_shared>>
          tpu.wait_indirect_dma semaphore(%arg17 : memref<!tpu.dma_semaphore, #tpu.memory_space<semaphore_mem>>) src(%arg11 : memref<128x32xf32, #tpu.memory_space<vmem>>) dst(%dma_wait3A_268 : memref<10240x32xf32, #tpu.memory_space<vmem_shared>>)
        } else {
        }
        %add3A_255 = arith.constant 2 : i32
        %add3A_256 = arith.addi %add3A_194, %add3A_255 : i32
        %dma_start3A_257 = arith.constant 0 : i32
        %dma_start3A_258 = tpu.memref_slice %arg8[%add3A_256, %dma_start3A_257] : memref<160x128xi32, #tpu.memory_space<vmem>> -> memref<1x128xi32, #tpu.memory_space<vmem>>
        %dma_start3A_259 = tpu.memref_squeeze %dma_start3A_258 : memref<1x128xi32, #tpu.memory_space<vmem>> -> memref<128xi32, #tpu.memory_space<vmem>>
        %dma_start3A_260 = arith.constant 0 : i32
        %dma_start3A_261 = arith.constant 0 : i32
        %dma_start3A_262 = tpu.memref_slice %arg6[%dma_start3A_260, %dma_start3A_261] : memref<20480x32xf32, #tpu.memory_space<hbm>> -> memref<20480x32xf32, #tpu.memory_space<hbm>>
        tpu.enqueue_indirect_dma source(%dma_start3A_262 : memref<20480x32xf32, #tpu.memory_space<hbm>>) target(%arg11 : memref<128x32xf32, #tpu.memory_space<vmem>>) offsets(%dma_start3A_259 : memref<128xi32, #tpu.memory_space<vmem>>) semaphore(%arg16 : memref<!tpu.dma_semaphore, #tpu.memory_space<semaphore_mem>>)
      } else {
      }
      %mul3A_220 = arith.constant 4 : i32
      %mul3A_221 = arith.muli %scan3A_135, %mul3A_220 : i32
      %add3A_222 = arith.constant 3 : i32
      %add3A_223 = arith.addi %mul3A_221, %add3A_222 : i32
      %dma_wait3A_224 = arith.constant 0 : i32
      %dma_wait3A_225 = tpu.memref_slice %arg8[%add3A_223, %dma_wait3A_224] : memref<160x128xi32, #tpu.memory_space<vmem>> -> memref<1x128xi32, #tpu.memory_space<vmem>>
      %dma_wait3A_226 = tpu.memref_squeeze %dma_wait3A_225 : memref<1x128xi32, #tpu.memory_space<vmem>> -> memref<128xi32, #tpu.memory_space<vmem>>
      %dma_wait3A_227 = arith.constant 0 : i32
      %dma_wait3A_228 = arith.constant 0 : i32
      %dma_wait3A_229 = tpu.memref_slice %arg6[%dma_wait3A_227, %dma_wait3A_228] : memref<20480x32xf32, #tpu.memory_space<hbm>> -> memref<20480x32xf32, #tpu.memory_space<hbm>>
      tpu.wait_indirect_dma semaphore(%arg16 : memref<!tpu.dma_semaphore, #tpu.memory_space<semaphore_mem>>) src(%dma_wait3A_229 : memref<20480x32xf32, #tpu.memory_space<hbm>>) dst(%arg14 : memref<128x32xf32, #tpu.memory_space<vmem>>)
      %scan3A_230 = arith.constant 0 : i32
      %scan3A_231 = arith.constant 0 : i32
      %scan3A_232 = arith.constant 128 : i32
      %scan3A_233 = arith.addi %scan3A_231, %scan3A_232 : i32
      %scan3A_234 = arith.constant 1 : i32
      scf.for %scan3A_249 = %scan3A_231 to %scan3A_233 step %scan3A_234  : i32 {
        %broadcast_in_dim3A_250 = vector.broadcast %add3A_223 : i32 to vector<16xi32>
        %broadcast_in_dim3A_251 = vector.broadcast %scan3A_249 : i32 to vector<16xi32>
        %gather3A = tpu.vector_load_idx %arg10[%broadcast_in_dim3A_250, %broadcast_in_dim3A_251] : memref<160x128xf32, #tpu.memory_space<vmem>>[vector<16xi32>, vector<16xi32>], vector<16xf32>,
        %get3A = arith.index_cast %scan3A_249 : i32 to index
        %get3A_252 = arith.constant 0 : index
        %get3A_253 = tpu.vector_load %arg14[%get3A, %get3A_252] {strides = array<i32>} : memref<128x32xf32, #tpu.memory_space<vmem>>, vector<16xf32>,
        %mul3A_254 = arith.mulf %get3A_253, %gather3A : vector<16xf32>
        %swap3A = arith.index_cast %scan3A_249 : i32 to index
        %swap3A_255 = arith.constant 0 : index
        %swap3A_256 = tpu.vector_load %arg14[%swap3A, %swap3A_255] {strides = array<i32>} : memref<128x32xf32, #tpu.memory_space<vmem>>, vector<16xf32>,
        tpu.vector_store %arg14[%swap3A, %swap3A_255], %mul3A_254 {strides = array<i32>} : memref<128x32xf32, #tpu.memory_space<vmem>>, vector<16xf32>,
        %get3A_257 = arith.index_cast %scan3A_249 : i32 to index
        %get3A_258 = arith.constant 16 : index
        %get3A_259 = tpu.vector_load %arg14[%get3A_257, %get3A_258] {strides = array<i32>} : memref<128x32xf32, #tpu.memory_space<vmem>>, vector<16xf32>,
        %mul3A_260 = arith.mulf %get3A_259, %gather3A : vector<16xf32>
        %swap3A_261 = arith.index_cast %scan3A_249 : i32 to index
        %swap3A_262 = arith.constant 16 : index
        %swap3A_263 = tpu.vector_load %arg14[%swap3A_261, %swap3A_262] {strides = array<i32>} : memref<128x32xf32, #tpu.memory_space<vmem>>, vector<16xf32>,
        tpu.vector_store %arg14[%swap3A_261, %swap3A_262], %mul3A_260 {strides = array<i32>} : memref<128x32xf32, #tpu.memory_space<vmem>>, vector<16xf32>,
      }
      %scan3A_235 = arith.constant 128 : i32
      %dma_start3A_236 = arith.constant 0 : i32
      %dma_start3A_237 = tpu.memref_slice %arg9[%add3A_223, %dma_start3A_236] : memref<160x128xi32, #tpu.memory_space<vmem>> -> memref<1x128xi32, #tpu.memory_space<vmem>>
      %dma_start3A_238 = tpu.memref_squeeze %dma_start3A_237 : memref<1x128xi32, #tpu.memory_space<vmem>> -> memref<128xi32, #tpu.memory_space<vmem>>
      %dma_start3A_239 = arith.constant 0 : i32
      %dma_start3A_240 = arith.constant 0 : i32
      %dma_start3A_241 = tpu.memref_slice %arg15[%dma_start3A_239, %dma_start3A_240] : memref<10240x32xf32, #tpu.memory_space<vmem_shared>> -> memref<10240x32xf32, #tpu.memory_space<vmem_shared>>
      tpu.enqueue_indirect_dma source(%arg14 : memref<128x32xf32, #tpu.memory_space<vmem>>) target(%dma_start3A_241 : memref<10240x32xf32, #tpu.memory_space<vmem_shared>>) offsets(%dma_start3A_238 : memref<128xi32, #tpu.memory_space<vmem>>) semaphore(%arg17 : memref<!tpu.dma_semaphore, #tpu.memory_space<semaphore_mem>>) {add = true}
      %add3A_242 = arith.constant 2 : i32
      %add3A_243 = arith.addi %add3A_223, %add3A_242 : i32
      %lt3A_244 = arith.constant 160 : i32
      %lt3A_245 = arith.cmpi slt, %add3A_243, %lt3A_244 : i32
      %convert_element_type3A_246 = arith.extui %lt3A_245 : i1 to i32
      %cond3A_247 = arith.constant 0 : i32
      %cond3A_248 = arith.cmpi ne, %convert_element_type3A_246, %cond3A_247 : i32
      scf.if %cond3A_248 {
        %sub3A = arith.constant 2 : i32
        %sub3A_249 = arith.subi %add3A_223, %sub3A : i32
        %max3A = arith.constant 0 : i32
        %max3A_250 = arith.maxsi %sub3A_249, %max3A : i32
        %ge3A = arith.constant 2 : i32
        %ge3A_251 = arith.cmpi sge, %add3A_223, %ge3A : i32
        %convert_element_type3A_252 = arith.extui %ge3A_251 : i1 to i32
        %cond3A_253 = arith.constant 0 : i32
        %cond3A_254 = arith.cmpi ne, %convert_element_type3A_252, %cond3A_253 : i32
        scf.if %cond3A_254 {
          %dma_wait3A_263 = arith.constant 0 : i32
          %dma_wait3A_264 = tpu.memref_slice %arg9[%max3A_250, %dma_wait3A_263] : memref<160x128xi32, #tpu.memory_space<vmem>> -> memref<1x128xi32, #tpu.memory_space<vmem>>
          %dma_wait3A_265 = tpu.memref_squeeze %dma_wait3A_264 : memref<1x128xi32, #tpu.memory_space<vmem>> -> memref<128xi32, #tpu.memory_space<vmem>>
          %dma_wait3A_266 = arith.constant 0 : i32
          %dma_wait3A_267 = arith.constant 0 : i32
          %dma_wait3A_268 = tpu.memref_slice %arg15[%dma_wait3A_266, %dma_wait3A_267] : memref<10240x32xf32, #tpu.memory_space<vmem_shared>> -> memref<10240x32xf32, #tpu.memory_space<vmem_shared>>
          tpu.wait_indirect_dma semaphore(%arg17 : memref<!tpu.dma_semaphore, #tpu.memory_space<semaphore_mem>>) src(%arg12 : memref<128x32xf32, #tpu.memory_space<vmem>>) dst(%dma_wait3A_268 : memref<10240x32xf32, #tpu.memory_space<vmem_shared>>)
        } else {
        }
        %add3A_255 = arith.constant 2 : i32
        %add3A_256 = arith.addi %add3A_223, %add3A_255 : i32
        %dma_start3A_257 = arith.constant 0 : i32
        %dma_start3A_258 = tpu.memref_slice %arg8[%add3A_256, %dma_start3A_257] : memref<160x128xi32, #tpu.memory_space<vmem>> -> memref<1x128xi32, #tpu.memory_space<vmem>>
        %dma_start3A_259 = tpu.memref_squeeze %dma_start3A_258 : memref<1x128xi32, #tpu.memory_space<vmem>> -> memref<128xi32, #tpu.memory_space<vmem>>
        %dma_start3A_260 = arith.constant 0 : i32
        %dma_start3A_261 = arith.constant 0 : i32
        %dma_start3A_262 = tpu.memref_slice %arg6[%dma_start3A_260, %dma_start3A_261] : memref<20480x32xf32, #tpu.memory_space<hbm>> -> memref<20480x32xf32, #tpu.memory_space<hbm>>
        tpu.enqueue_indirect_dma source(%dma_start3A_262 : memref<20480x32xf32, #tpu.memory_space<hbm>>) target(%arg12 : memref<128x32xf32, #tpu.memory_space<vmem>>) offsets(%dma_start3A_259 : memref<128xi32, #tpu.memory_space<vmem>>) semaphore(%arg16 : memref<!tpu.dma_semaphore, #tpu.memory_space<semaphore_mem>>)
      } else {
      }
    }
    %scan3A_104 = arith.constant 40 : i32
    %dma_wait3A_105 = arith.constant 156 : i32
    %dma_wait3A_106 = arith.constant 0 : i32
    %dma_wait3A_107 = tpu.memref_slice %arg9[%dma_wait3A_105, %dma_wait3A_106] : memref<160x128xi32, #tpu.memory_space<vmem>> -> memref<1x128xi32, #tpu.memory_space<vmem>>
    %dma_wait3A_108 = tpu.memref_squeeze %dma_wait3A_107 : memref<1x128xi32, #tpu.memory_space<vmem>> -> memref<128xi32, #tpu.memory_space<vmem>>
    %dma_wait3A_109 = arith.constant 0 : i32
    %dma_wait3A_110 = arith.constant 0 : i32
    %dma_wait3A_111 = tpu.memref_slice %arg15[%dma_wait3A_109, %dma_wait3A_110] : memref<10240x32xf32, #tpu.memory_space<vmem_shared>> -> memref<10240x32xf32, #tpu.memory_space<vmem_shared>>
    tpu.wait_indirect_dma semaphore(%arg17 : memref<!tpu.dma_semaphore, #tpu.memory_space<semaphore_mem>>) src(%arg11 : memref<128x32xf32, #tpu.memory_space<vmem>>) dst(%dma_wait3A_111 : memref<10240x32xf32, #tpu.memory_space<vmem_shared>>)
    %dma_wait3A_112 = arith.constant 157 : i32
    %dma_wait3A_113 = arith.constant 0 : i32
    %dma_wait3A_114 = tpu.memref_slice %arg9[%dma_wait3A_112, %dma_wait3A_113] : memref<160x128xi32, #tpu.memory_space<vmem>> -> memref<1x128xi32, #tpu.memory_space<vmem>>
    %dma_wait3A_115 = tpu.memref_squeeze %dma_wait3A_114 : memref<1x128xi32, #tpu.memory_space<vmem>> -> memref<128xi32, #tpu.memory_space<vmem>>
    %dma_wait3A_116 = arith.constant 0 : i32
    %dma_wait3A_117 = arith.constant 0 : i32
    %dma_wait3A_118 = tpu.memref_slice %arg15[%dma_wait3A_116, %dma_wait3A_117] : memref<10240x32xf32, #tpu.memory_space<vmem_shared>> -> memref<10240x32xf32, #tpu.memory_space<vmem_shared>>
    tpu.wait_indirect_dma semaphore(%arg17 : memref<!tpu.dma_semaphore, #tpu.memory_space<semaphore_mem>>) src(%arg12 : memref<128x32xf32, #tpu.memory_space<vmem>>) dst(%dma_wait3A_118 : memref<10240x32xf32, #tpu.memory_space<vmem_shared>>)
    %dma_wait3A_119 = arith.constant 158 : i32
    %dma_wait3A_120 = arith.constant 0 : i32
    %dma_wait3A_121 = tpu.memref_slice %arg9[%dma_wait3A_119, %dma_wait3A_120] : memref<160x128xi32, #tpu.memory_space<vmem>> -> memref<1x128xi32, #tpu.memory_space<vmem>>
    %dma_wait3A_122 = tpu.memref_squeeze %dma_wait3A_121 : memref<1x128xi32, #tpu.memory_space<vmem>> -> memref<128xi32, #tpu.memory_space<vmem>>
    %dma_wait3A_123 = arith.constant 0 : i32
    %dma_wait3A_124 = arith.constant 0 : i32
    %dma_wait3A_125 = tpu.memref_slice %arg15[%dma_wait3A_123, %dma_wait3A_124] : memref<10240x32xf32, #tpu.memory_space<vmem_shared>> -> memref<10240x32xf32, #tpu.memory_space<vmem_shared>>
    tpu.wait_indirect_dma semaphore(%arg17 : memref<!tpu.dma_semaphore, #tpu.memory_space<semaphore_mem>>) src(%arg13 : memref<128x32xf32, #tpu.memory_space<vmem>>) dst(%dma_wait3A_125 : memref<10240x32xf32, #tpu.memory_space<vmem_shared>>)
    %dma_wait3A_126 = arith.constant 159 : i32
    %dma_wait3A_127 = arith.constant 0 : i32
    %dma_wait3A_128 = tpu.memref_slice %arg9[%dma_wait3A_126, %dma_wait3A_127] : memref<160x128xi32, #tpu.memory_space<vmem>> -> memref<1x128xi32, #tpu.memory_space<vmem>>
    %dma_wait3A_129 = tpu.memref_squeeze %dma_wait3A_128 : memref<1x128xi32, #tpu.memory_space<vmem>> -> memref<128xi32, #tpu.memory_space<vmem>>
    %dma_wait3A_130 = arith.constant 0 : i32
    %dma_wait3A_131 = arith.constant 0 : i32
    %dma_wait3A_132 = tpu.memref_slice %arg15[%dma_wait3A_130, %dma_wait3A_131] : memref<10240x32xf32, #tpu.memory_space<vmem_shared>> -> memref<10240x32xf32, #tpu.memory_space<vmem_shared>>
    tpu.wait_indirect_dma semaphore(%arg17 : memref<!tpu.dma_semaphore, #tpu.memory_space<semaphore_mem>>) src(%arg14 : memref<128x32xf32, #tpu.memory_space<vmem>>) dst(%dma_wait3A_132 : memref<10240x32xf32, #tpu.memory_space<vmem_shared>>)
    %barrier3A_133 = arith.constant 0 : index
    tpu.barrier barrier_id(%barrier3A_133)
    %add3A_134 = arith.addi %mul3A_4, %mul3A_2 : i32
    "tpu.region"() ({
      %run_scoped3A = tpu.sem_alloc : memref<!tpu.dma_semaphore, #tpu.memory_space<semaphore_mem>>
      %dma_start3A_135 = arith.constant 0 : i32
      %dma_start3A_136 = tpu.memref_slice %arg7[%add3A_134, %dma_start3A_135] : memref<20480x32xf32, #tpu.memory_space<hbm>> -> memref<640x32xf32, #tpu.memory_space<hbm>>
      %dma_start3A_137 = arith.constant 0 : i32
      %dma_start3A_138 = tpu.memref_slice %arg15[%mul3A_2, %dma_start3A_137] : memref<10240x32xf32, #tpu.memory_space<vmem_shared>> -> memref<640x32xf32, #tpu.memory_space<vmem_shared>>
      tpu.enqueue_dma source(%dma_start3A_138 : memref<640x32xf32, #tpu.memory_space<vmem_shared>>) target(%dma_start3A_136 : memref<640x32xf32, #tpu.memory_space<hbm>>) target_semaphore(%run_scoped3A : memref<!tpu.dma_semaphore, #tpu.memory_space<semaphore_mem>>)
      %dma_wait3A_139 = arith.constant 0 : i32
      %dma_wait3A_140 = tpu.memref_slice %arg7[%add3A_134, %dma_wait3A_139] : memref<20480x32xf32, #tpu.memory_space<hbm>> -> memref<640x32xf32, #tpu.memory_space<hbm>>
      %dma_wait3A_141 = arith.constant 0 : i32
      %dma_wait3A_142 = tpu.memref_slice %arg15[%mul3A_2, %dma_wait3A_141] : memref<10240x32xf32, #tpu.memory_space<vmem_shared>> -> memref<640x32xf32, #tpu.memory_space<vmem_shared>>
      tpu.wait_dma2 semaphore(%run_scoped3A : memref<!tpu.dma_semaphore, #tpu.memory_space<semaphore_mem>>) src(%dma_wait3A_142 : memref<640x32xf32, #tpu.memory_space<vmem_shared>>) dst(%dma_wait3A_140 : memref<640x32xf32, #tpu.memory_space<hbm>>)
      tpu.yield
    }) : () -> ()
    return
  }
}

module attributes {stable_mosaic.version = 14 : i64} {
  func.func @body(%arg0: i32, %arg1: memref<1280x64xf32, #tpu.memory_space<vmem>>, %arg2: memref<1280x64xf32, #tpu.memory_space<vmem>>, %arg3: memref<1280x64xf32, #tpu.memory_space<vmem>>, %arg4: memref<1280x64xf32, #tpu.memory_space<vmem>>, %arg5: memref<1280x64xf32, #tpu.memory_space<vmem>>, %arg6: memref<1280x64xf32, #tpu.memory_space<vmem>>, %arg7: memref<64x128xf32, #tpu.memory_space<vmem>>, %arg8: memref<64x128xf32, #tpu.memory_space<vmem>>, %arg9: memref<64x128xf32, #tpu.memory_space<vmem>>, %arg10: memref<64x128xf32, #tpu.memory_space<vmem>>, %arg11: memref<64x128xf32, #tpu.memory_space<vmem>>, %arg12: memref<64x128xf32, #tpu.memory_space<vmem>>, %arg13: memref<1x128xf32, #tpu.memory_space<vmem>>, %arg14: memref<1280x32xf32, #tpu.memory_space<vmem>>, %arg15: memref<1280x32xf32, #tpu.memory_space<vmem>>, %arg16: memref<1280x64xf32, #tpu.memory_space<vmem>>) attributes {dimension_semantics = [#tpu.dimension_semantics<arbitrary>], iteration_bounds = array<i64: 8>, scalar_prefetch = 0 : i64, scratch_operands = 0 : i64, tpu.core_type = #tpu.core_type<tc>, window_params = [{transform_indices = @transform_0, window_bounds = array<i64: 1280, 64>}, {transform_indices = @transform_1, window_bounds = array<i64: 1280, 64>}, {transform_indices = @transform_2, window_bounds = array<i64: 1280, 64>}, {transform_indices = @transform_3, window_bounds = array<i64: 1280, 64>}, {transform_indices = @transform_4, window_bounds = array<i64: 1280, 64>}, {transform_indices = @transform_5, window_bounds = array<i64: 1280, 64>}, {pipeline_mode = #tpu.pipeline_mode<synchronous>, transform_indices = @transform_6, window_bounds = array<i64: 64, 128>}, {pipeline_mode = #tpu.pipeline_mode<synchronous>, transform_indices = @transform_7, window_bounds = array<i64: 64, 128>}, {pipeline_mode = #tpu.pipeline_mode<synchronous>, transform_indices = @transform_8, window_bounds = array<i64: 64, 128>}, {pipeline_mode = #tpu.pipeline_mode<synchronous>, transform_indices = @transform_9, window_bounds = array<i64: 64, 128>}, {pipeline_mode = #tpu.pipeline_mode<synchronous>, transform_indices = @transform_10, window_bounds = array<i64: 64, 128>}, {pipeline_mode = #tpu.pipeline_mode<synchronous>, transform_indices = @transform_11, window_bounds = array<i64: 64, 128>}, {pipeline_mode = #tpu.pipeline_mode<synchronous>, transform_indices = @transform_12, window_bounds = array<i64: 1, 128>}, {transform_indices = @transform_13, window_bounds = array<i64: 1280, 32>}, {transform_indices = @transform_14, window_bounds = array<i64: 1280, 32>}, {transform_indices = @transform_15, window_bounds = array<i64: 1280, 64>}]} {
    %get3A = arith.constant 0 : index
    %get3A_0 = arith.constant 0 : index
    %get3A_1 = vector.load %arg13[%get3A, %get3A_0] : memref<1x128xf32, #tpu.memory_space<vmem>>, vector<1x128xf32>
    %get3A_2 = arith.constant 0 : index
    %get3A_3 = arith.constant 0 : index
    %get3A_4 = vector.load %arg1[%get3A_2, %get3A_3] : memref<1280x64xf32, #tpu.memory_space<vmem>>, vector<1280x64xf32>
    %get3A_5 = arith.constant 0 : index
    %get3A_6 = arith.constant 0 : index
    %get3A_7 = vector.load %arg7[%get3A_5, %get3A_6] : memref<64x128xf32, #tpu.memory_space<vmem>>, vector<64x128xf32>
    %dot_general3A = arith.constant dense<0.000000e+00> : vector<1280x128xf32>
    %dot_general3A_8 = tpu.matmul %get3A_4, %get3A_7, %dot_general3A {dimension_numbers = #tpu.dot_dimension_numbers<[1], [0], [0], [1], [0, 0, 1, 1], [], []>, transpose_lhs_hint = false} : vector<1280x64xf32>, vector<64x128xf32>, vector<1280x128xf32> -> vector<1280x128xf32>
    %add3A = vector.broadcast %get3A_1 : vector<1x128xf32> to vector<1280x128xf32>
    %add3A_9 = arith.addf %add3A, %dot_general3A_8 : vector<1280x128xf32>
    %get3A_10 = arith.constant 0 : index
    %get3A_11 = arith.constant 0 : index
    %get3A_12 = vector.load %arg2[%get3A_10, %get3A_11] : memref<1280x64xf32, #tpu.memory_space<vmem>>, vector<1280x64xf32>
    %get3A_13 = arith.constant 0 : index
    %get3A_14 = arith.constant 0 : index
    %get3A_15 = vector.load %arg8[%get3A_13, %get3A_14] : memref<64x128xf32, #tpu.memory_space<vmem>>, vector<64x128xf32>
    %dot_general3A_16 = arith.constant dense<0.000000e+00> : vector<1280x128xf32>
    %dot_general3A_17 = tpu.matmul %get3A_12, %get3A_15, %dot_general3A_16 {dimension_numbers = #tpu.dot_dimension_numbers<[1], [0], [0], [1], [0, 0, 1, 1], [], []>, transpose_lhs_hint = false} : vector<1280x64xf32>, vector<64x128xf32>, vector<1280x128xf32> -> vector<1280x128xf32>
    %add3A_18 = arith.addf %add3A_9, %dot_general3A_17 : vector<1280x128xf32>
    %get3A_19 = arith.constant 0 : index
    %get3A_20 = arith.constant 0 : index
    %get3A_21 = vector.load %arg3[%get3A_19, %get3A_20] : memref<1280x64xf32, #tpu.memory_space<vmem>>, vector<1280x64xf32>
    %get3A_22 = arith.constant 0 : index
    %get3A_23 = arith.constant 0 : index
    %get3A_24 = vector.load %arg9[%get3A_22, %get3A_23] : memref<64x128xf32, #tpu.memory_space<vmem>>, vector<64x128xf32>
    %dot_general3A_25 = arith.constant dense<0.000000e+00> : vector<1280x128xf32>
    %dot_general3A_26 = tpu.matmul %get3A_21, %get3A_24, %dot_general3A_25 {dimension_numbers = #tpu.dot_dimension_numbers<[1], [0], [0], [1], [0, 0, 1, 1], [], []>, transpose_lhs_hint = false} : vector<1280x64xf32>, vector<64x128xf32>, vector<1280x128xf32> -> vector<1280x128xf32>
    %add3A_27 = arith.addf %add3A_18, %dot_general3A_26 : vector<1280x128xf32>
    %get3A_28 = arith.constant 0 : index
    %get3A_29 = arith.constant 0 : index
    %get3A_30 = vector.load %arg4[%get3A_28, %get3A_29] : memref<1280x64xf32, #tpu.memory_space<vmem>>, vector<1280x64xf32>
    %get3A_31 = arith.constant 0 : index
    %get3A_32 = arith.constant 0 : index
    %get3A_33 = vector.load %arg10[%get3A_31, %get3A_32] : memref<64x128xf32, #tpu.memory_space<vmem>>, vector<64x128xf32>
    %dot_general3A_34 = arith.constant dense<0.000000e+00> : vector<1280x128xf32>
    %dot_general3A_35 = tpu.matmul %get3A_30, %get3A_33, %dot_general3A_34 {dimension_numbers = #tpu.dot_dimension_numbers<[1], [0], [0], [1], [0, 0, 1, 1], [], []>, transpose_lhs_hint = false} : vector<1280x64xf32>, vector<64x128xf32>, vector<1280x128xf32> -> vector<1280x128xf32>
    %add3A_36 = arith.addf %add3A_27, %dot_general3A_35 : vector<1280x128xf32>
    %get3A_37 = arith.constant 0 : index
    %get3A_38 = arith.constant 0 : index
    %get3A_39 = vector.load %arg5[%get3A_37, %get3A_38] : memref<1280x64xf32, #tpu.memory_space<vmem>>, vector<1280x64xf32>
    %get3A_40 = arith.constant 0 : index
    %get3A_41 = arith.constant 0 : index
    %get3A_42 = vector.load %arg11[%get3A_40, %get3A_41] : memref<64x128xf32, #tpu.memory_space<vmem>>, vector<64x128xf32>
    %dot_general3A_43 = arith.constant dense<0.000000e+00> : vector<1280x128xf32>
    %dot_general3A_44 = tpu.matmul %get3A_39, %get3A_42, %dot_general3A_43 {dimension_numbers = #tpu.dot_dimension_numbers<[1], [0], [0], [1], [0, 0, 1, 1], [], []>, transpose_lhs_hint = false} : vector<1280x64xf32>, vector<64x128xf32>, vector<1280x128xf32> -> vector<1280x128xf32>
    %add3A_45 = arith.addf %add3A_36, %dot_general3A_44 : vector<1280x128xf32>
    %get3A_46 = arith.constant 0 : index
    %get3A_47 = arith.constant 0 : index
    %get3A_48 = vector.load %arg6[%get3A_46, %get3A_47] : memref<1280x64xf32, #tpu.memory_space<vmem>>, vector<1280x64xf32>
    %get3A_49 = arith.constant 0 : index
    %get3A_50 = arith.constant 0 : index
    %get3A_51 = vector.load %arg12[%get3A_49, %get3A_50] : memref<64x128xf32, #tpu.memory_space<vmem>>, vector<64x128xf32>
    %dot_general3A_52 = arith.constant dense<0.000000e+00> : vector<1280x128xf32>
    %dot_general3A_53 = tpu.matmul %get3A_48, %get3A_51, %dot_general3A_52 {dimension_numbers = #tpu.dot_dimension_numbers<[1], [0], [0], [1], [0, 0, 1, 1], [], []>, transpose_lhs_hint = false} : vector<1280x64xf32>, vector<64x128xf32>, vector<1280x128xf32> -> vector<1280x128xf32>
    %add3A_54 = arith.addf %add3A_45, %dot_general3A_53 : vector<1280x128xf32>
    %slice3A = vector.extract_strided_slice %add3A_54 {offsets = [0, 0], sizes = [1280, 64], strides = [1, 1]} : vector<1280x128xf32> to vector<1280x64xf32>
    %logistic3A = arith.negf %slice3A : vector<1280x64xf32>
    %logistic3A_55 = math.exp %logistic3A : vector<1280x64xf32>
    %logistic3A_56 = arith.constant 1.000000e+00 : f32
    %logistic3A_57 = vector.broadcast %logistic3A_56 : f32 to vector<1280x64xf32>
    %logistic3A_58 = arith.addf %logistic3A_57, %logistic3A_55 : vector<1280x64xf32>
    %logistic3A_59 = arith.divf %logistic3A_57, %logistic3A_58 : vector<1280x64xf32>
    %slice3A_60 = vector.extract_strided_slice %add3A_54 {offsets = [0, 64], sizes = [1280, 64], strides = [1, 1]} : vector<1280x128xf32> to vector<1280x64xf32>
    %logistic3A_61 = arith.negf %slice3A_60 : vector<1280x64xf32>
    %logistic3A_62 = math.exp %logistic3A_61 : vector<1280x64xf32>
    %logistic3A_63 = arith.constant 1.000000e+00 : f32
    %logistic3A_64 = vector.broadcast %logistic3A_63 : f32 to vector<1280x64xf32>
    %logistic3A_65 = arith.addf %logistic3A_64, %logistic3A_62 : vector<1280x64xf32>
    %logistic3A_66 = arith.divf %logistic3A_64, %logistic3A_65 : vector<1280x64xf32>
    %get3A_67 = arith.constant 0 : index
    %get3A_68 = arith.constant 0 : index
    %get3A_69 = vector.load %arg2[%get3A_67, %get3A_68] : memref<1280x64xf32, #tpu.memory_space<vmem>>, vector<1280x64xf32>
    %mul3A = arith.mulf %logistic3A_59, %get3A_69 : vector<1280x64xf32>
    %slice3A_70 = vector.extract_strided_slice %mul3A {offsets = [0, 0], sizes = [1280, 32], strides = [1, 1]} : vector<1280x64xf32> to vector<1280x32xf32>
    %swap3A = arith.constant 0 : index
    %swap3A_71 = arith.constant 0 : index
    %swap3A_72 = vector.load %arg14[%swap3A, %swap3A_71] : memref<1280x32xf32, #tpu.memory_space<vmem>>, vector<1280x32xf32>
    tpu.vector_store %arg14[%swap3A, %swap3A_71], %slice3A_70 {strides = array<i32>} : memref<1280x32xf32, #tpu.memory_space<vmem>>, vector<1280x32xf32>,
    %slice3A_73 = vector.extract_strided_slice %mul3A {offsets = [0, 32], sizes = [1280, 32], strides = [1, 1]} : vector<1280x64xf32> to vector<1280x32xf32>
    %swap3A_74 = arith.constant 0 : index
    %swap3A_75 = arith.constant 0 : index
    %swap3A_76 = vector.load %arg15[%swap3A_74, %swap3A_75] : memref<1280x32xf32, #tpu.memory_space<vmem>>, vector<1280x32xf32>
    tpu.vector_store %arg15[%swap3A_74, %swap3A_75], %slice3A_73 {strides = array<i32>} : memref<1280x32xf32, #tpu.memory_space<vmem>>, vector<1280x32xf32>,
    %swap3A_77 = arith.constant 0 : index
    %swap3A_78 = arith.constant 0 : index
    %swap3A_79 = vector.load %arg16[%swap3A_77, %swap3A_78] : memref<1280x64xf32, #tpu.memory_space<vmem>>, vector<1280x64xf32>
    tpu.vector_store %arg16[%swap3A_77, %swap3A_78], %logistic3A_66 {strides = array<i32>} : memref<1280x64xf32, #tpu.memory_space<vmem>>, vector<1280x64xf32>,
    return
  }
  func.func @transform_0(%arg0: i32) -> (i32, i32) {
    %c0_i32 = arith.constant 0 : i32
    %c0_i32_0 = arith.constant 0 : i32
    return %arg0, %c0_i32 : i32, i32
  }
  func.func @transform_1(%arg0: i32) -> (i32, i32) {
    %c0_i32 = arith.constant 0 : i32
    %c0_i32_0 = arith.constant 0 : i32
    return %arg0, %c0_i32 : i32, i32
  }
  func.func @transform_2(%arg0: i32) -> (i32, i32) {
    %c0_i32 = arith.constant 0 : i32
    %c0_i32_0 = arith.constant 0 : i32
    return %arg0, %c0_i32 : i32, i32
  }
  func.func @transform_3(%arg0: i32) -> (i32, i32) {
    %c0_i32 = arith.constant 0 : i32
    %c0_i32_0 = arith.constant 0 : i32
    return %arg0, %c0_i32 : i32, i32
  }
  func.func @transform_4(%arg0: i32) -> (i32, i32) {
    %c0_i32 = arith.constant 0 : i32
    %c0_i32_0 = arith.constant 0 : i32
    return %arg0, %c0_i32 : i32, i32
  }
  func.func @transform_5(%arg0: i32) -> (i32, i32) {
    %c0_i32 = arith.constant 0 : i32
    %c0_i32_0 = arith.constant 0 : i32
    return %arg0, %c0_i32 : i32, i32
  }
  func.func @transform_6(%arg0: i32) -> (i32, i32) {
    %c0_i32 = arith.constant 0 : i32
    %c0_i32_0 = arith.constant 0 : i32
    %c0_i32_1 = arith.constant 0 : i32
    return %c0_i32, %c0_i32_0 : i32, i32
  }
  func.func @transform_7(%arg0: i32) -> (i32, i32) {
    %c0_i32 = arith.constant 0 : i32
    %c0_i32_0 = arith.constant 0 : i32
    %c0_i32_1 = arith.constant 0 : i32
    return %c0_i32, %c0_i32_0 : i32, i32
  }
  func.func @transform_8(%arg0: i32) -> (i32, i32) {
    %c0_i32 = arith.constant 0 : i32
    %c0_i32_0 = arith.constant 0 : i32
    %c0_i32_1 = arith.constant 0 : i32
    return %c0_i32, %c0_i32_0 : i32, i32
  }
  func.func @transform_9(%arg0: i32) -> (i32, i32) {
    %c0_i32 = arith.constant 0 : i32
    %c0_i32_0 = arith.constant 0 : i32
    %c0_i32_1 = arith.constant 0 : i32
    return %c0_i32, %c0_i32_0 : i32, i32
  }
  func.func @transform_10(%arg0: i32) -> (i32, i32) {
    %c0_i32 = arith.constant 0 : i32
    %c0_i32_0 = arith.constant 0 : i32
    %c0_i32_1 = arith.constant 0 : i32
    return %c0_i32, %c0_i32_0 : i32, i32
  }
  func.func @transform_11(%arg0: i32) -> (i32, i32) {
    %c0_i32 = arith.constant 0 : i32
    %c0_i32_0 = arith.constant 0 : i32
    %c0_i32_1 = arith.constant 0 : i32
    return %c0_i32, %c0_i32_0 : i32, i32
  }
  func.func @transform_12(%arg0: i32) -> (i32, i32) {
    %c0_i32 = arith.constant 0 : i32
    %c0_i32_0 = arith.constant 0 : i32
    %c0_i32_1 = arith.constant 0 : i32
    return %c0_i32, %c0_i32_0 : i32, i32
  }
  func.func @transform_13(%arg0: i32) -> (i32, i32) {
    %c0_i32 = arith.constant 0 : i32
    %c0_i32_0 = arith.constant 0 : i32
    return %arg0, %c0_i32 : i32, i32
  }
  func.func @transform_14(%arg0: i32) -> (i32, i32) {
    %c0_i32 = arith.constant 0 : i32
    %c0_i32_0 = arith.constant 0 : i32
    return %arg0, %c0_i32 : i32, i32
  }
  func.func @transform_15(%arg0: i32) -> (i32, i32) {
    %c0_i32 = arith.constant 0 : i32
    %c0_i32_0 = arith.constant 0 : i32
    return %arg0, %c0_i32 : i32, i32
  }
}

module attributes {stable_mosaic.version = 14 : i64} {
  func.func @body(%arg0: i32, %arg1: memref<1000x64xf32, #tpu.memory_space<vmem>>, %arg2: memref<1000x32xf32, #tpu.memory_space<vmem>>, %arg3: memref<1000x32xf32, #tpu.memory_space<vmem>>, %arg4: memref<1000x64xf32, #tpu.memory_space<vmem>>, %arg5: memref<1000x32xf32, #tpu.memory_space<vmem>>, %arg6: memref<1000x32xf32, #tpu.memory_space<vmem>>, %arg7: memref<1000x64xf32, #tpu.memory_space<vmem>>, %arg8: memref<1000x32xf32, #tpu.memory_space<vmem>>, %arg9: memref<1000x32xf32, #tpu.memory_space<vmem>>, %arg10: memref<1000x64xf32, #tpu.memory_space<vmem>>, %arg11: memref<1000x64xf32, #tpu.memory_space<vmem>>, %arg12: memref<64x64xf32, #tpu.memory_space<vmem>>, %arg13: memref<32x64xf32, #tpu.memory_space<vmem>>, %arg14: memref<32x64xf32, #tpu.memory_space<vmem>>, %arg15: memref<64x64xf32, #tpu.memory_space<vmem>>, %arg16: memref<32x64xf32, #tpu.memory_space<vmem>>, %arg17: memref<32x64xf32, #tpu.memory_space<vmem>>, %arg18: memref<64x64xf32, #tpu.memory_space<vmem>>, %arg19: memref<32x64xf32, #tpu.memory_space<vmem>>, %arg20: memref<32x64xf32, #tpu.memory_space<vmem>>, %arg21: memref<1x64xf32, #tpu.memory_space<vmem>>, %arg22: memref<1000x64xf32, #tpu.memory_space<vmem>>) attributes {dimension_semantics = [#tpu.dimension_semantics<arbitrary>], iteration_bounds = array<i64: 10>, scalar_prefetch = 0 : i64, scratch_operands = 0 : i64, tpu.core_type = #tpu.core_type<tc>, window_params = [{transform_indices = @transform_0, window_bounds = array<i64: 1000, 64>}, {transform_indices = @transform_1, window_bounds = array<i64: 1000, 32>}, {transform_indices = @transform_2, window_bounds = array<i64: 1000, 32>}, {transform_indices = @transform_3, window_bounds = array<i64: 1000, 64>}, {transform_indices = @transform_4, window_bounds = array<i64: 1000, 32>}, {transform_indices = @transform_5, window_bounds = array<i64: 1000, 32>}, {transform_indices = @transform_6, window_bounds = array<i64: 1000, 64>}, {transform_indices = @transform_7, window_bounds = array<i64: 1000, 32>}, {transform_indices = @transform_8, window_bounds = array<i64: 1000, 32>}, {transform_indices = @transform_9, window_bounds = array<i64: 1000, 64>}, {transform_indices = @transform_10, window_bounds = array<i64: 1000, 64>}, {pipeline_mode = #tpu.pipeline_mode<synchronous>, transform_indices = @transform_11, window_bounds = array<i64: 64, 64>}, {pipeline_mode = #tpu.pipeline_mode<synchronous>, transform_indices = @transform_12, window_bounds = array<i64: 32, 64>}, {pipeline_mode = #tpu.pipeline_mode<synchronous>, transform_indices = @transform_13, window_bounds = array<i64: 32, 64>}, {pipeline_mode = #tpu.pipeline_mode<synchronous>, transform_indices = @transform_14, window_bounds = array<i64: 64, 64>}, {pipeline_mode = #tpu.pipeline_mode<synchronous>, transform_indices = @transform_15, window_bounds = array<i64: 32, 64>}, {pipeline_mode = #tpu.pipeline_mode<synchronous>, transform_indices = @transform_16, window_bounds = array<i64: 32, 64>}, {pipeline_mode = #tpu.pipeline_mode<synchronous>, transform_indices = @transform_17, window_bounds = array<i64: 64, 64>}, {pipeline_mode = #tpu.pipeline_mode<synchronous>, transform_indices = @transform_18, window_bounds = array<i64: 32, 64>}, {pipeline_mode = #tpu.pipeline_mode<synchronous>, transform_indices = @transform_19, window_bounds = array<i64: 32, 64>}, {pipeline_mode = #tpu.pipeline_mode<synchronous>, transform_indices = @transform_20, window_bounds = array<i64: 1, 64>}, {transform_indices = @transform_21, window_bounds = array<i64: 1000, 64>}]} {
    %get3A = arith.constant 0 : index
    %get3A_0 = arith.constant 0 : index
    %get3A_1 = vector.load %arg21[%get3A, %get3A_0] : memref<1x64xf32, #tpu.memory_space<vmem>>, vector<1x64xf32>
    %get3A_2 = arith.constant 0 : index
    %get3A_3 = arith.constant 0 : index
    %get3A_4 = vector.load %arg1[%get3A_2, %get3A_3] : memref<1000x64xf32, #tpu.memory_space<vmem>>, vector<1000x64xf32>
    %get3A_5 = arith.constant 0 : index
    %get3A_6 = arith.constant 0 : index
    %get3A_7 = vector.load %arg12[%get3A_5, %get3A_6] : memref<64x64xf32, #tpu.memory_space<vmem>>, vector<64x64xf32>
    %dot_general3A = arith.constant dense<0.000000e+00> : vector<1000x64xf32>
    %dot_general3A_8 = tpu.matmul %get3A_4, %get3A_7, %dot_general3A {dimension_numbers = #tpu.dot_dimension_numbers<[1], [0], [0], [1], [0, 0, 1, 1], [], []>, transpose_lhs_hint = false} : vector<1000x64xf32>, vector<64x64xf32>, vector<1000x64xf32> -> vector<1000x64xf32>
    %add3A = vector.broadcast %get3A_1 : vector<1x64xf32> to vector<1000x64xf32>
    %add3A_9 = arith.addf %add3A, %dot_general3A_8 : vector<1000x64xf32>
    %get3A_10 = arith.constant 0 : index
    %get3A_11 = arith.constant 0 : index
    %get3A_12 = vector.load %arg2[%get3A_10, %get3A_11] : memref<1000x32xf32, #tpu.memory_space<vmem>>, vector<1000x32xf32>
    %get3A_13 = arith.constant 0 : index
    %get3A_14 = arith.constant 0 : index
    %get3A_15 = vector.load %arg13[%get3A_13, %get3A_14] : memref<32x64xf32, #tpu.memory_space<vmem>>, vector<32x64xf32>
    %dot_general3A_16 = arith.constant dense<0.000000e+00> : vector<1000x64xf32>
    %dot_general3A_17 = tpu.matmul %get3A_12, %get3A_15, %dot_general3A_16 {dimension_numbers = #tpu.dot_dimension_numbers<[1], [0], [0], [1], [0, 0, 1, 1], [], []>, transpose_lhs_hint = false} : vector<1000x32xf32>, vector<32x64xf32>, vector<1000x64xf32> -> vector<1000x64xf32>
    %add3A_18 = arith.addf %add3A_9, %dot_general3A_17 : vector<1000x64xf32>
    %get3A_19 = arith.constant 0 : index
    %get3A_20 = arith.constant 0 : index
    %get3A_21 = vector.load %arg3[%get3A_19, %get3A_20] : memref<1000x32xf32, #tpu.memory_space<vmem>>, vector<1000x32xf32>
    %get3A_22 = arith.constant 0 : index
    %get3A_23 = arith.constant 0 : index
    %get3A_24 = vector.load %arg14[%get3A_22, %get3A_23] : memref<32x64xf32, #tpu.memory_space<vmem>>, vector<32x64xf32>
    %dot_general3A_25 = arith.constant dense<0.000000e+00> : vector<1000x64xf32>
    %dot_general3A_26 = tpu.matmul %get3A_21, %get3A_24, %dot_general3A_25 {dimension_numbers = #tpu.dot_dimension_numbers<[1], [0], [0], [1], [0, 0, 1, 1], [], []>, transpose_lhs_hint = false} : vector<1000x32xf32>, vector<32x64xf32>, vector<1000x64xf32> -> vector<1000x64xf32>
    %add3A_27 = arith.addf %add3A_18, %dot_general3A_26 : vector<1000x64xf32>
    %get3A_28 = arith.constant 0 : index
    %get3A_29 = arith.constant 0 : index
    %get3A_30 = vector.load %arg4[%get3A_28, %get3A_29] : memref<1000x64xf32, #tpu.memory_space<vmem>>, vector<1000x64xf32>
    %get3A_31 = arith.constant 0 : index
    %get3A_32 = arith.constant 0 : index
    %get3A_33 = vector.load %arg15[%get3A_31, %get3A_32] : memref<64x64xf32, #tpu.memory_space<vmem>>, vector<64x64xf32>
    %dot_general3A_34 = arith.constant dense<0.000000e+00> : vector<1000x64xf32>
    %dot_general3A_35 = tpu.matmul %get3A_30, %get3A_33, %dot_general3A_34 {dimension_numbers = #tpu.dot_dimension_numbers<[1], [0], [0], [1], [0, 0, 1, 1], [], []>, transpose_lhs_hint = false} : vector<1000x64xf32>, vector<64x64xf32>, vector<1000x64xf32> -> vector<1000x64xf32>
    %add3A_36 = arith.addf %add3A_27, %dot_general3A_35 : vector<1000x64xf32>
    %get3A_37 = arith.constant 0 : index
    %get3A_38 = arith.constant 0 : index
    %get3A_39 = vector.load %arg5[%get3A_37, %get3A_38] : memref<1000x32xf32, #tpu.memory_space<vmem>>, vector<1000x32xf32>
    %get3A_40 = arith.constant 0 : index
    %get3A_41 = arith.constant 0 : index
    %get3A_42 = vector.load %arg16[%get3A_40, %get3A_41] : memref<32x64xf32, #tpu.memory_space<vmem>>, vector<32x64xf32>
    %dot_general3A_43 = arith.constant dense<0.000000e+00> : vector<1000x64xf32>
    %dot_general3A_44 = tpu.matmul %get3A_39, %get3A_42, %dot_general3A_43 {dimension_numbers = #tpu.dot_dimension_numbers<[1], [0], [0], [1], [0, 0, 1, 1], [], []>, transpose_lhs_hint = false} : vector<1000x32xf32>, vector<32x64xf32>, vector<1000x64xf32> -> vector<1000x64xf32>
    %add3A_45 = arith.addf %add3A_36, %dot_general3A_44 : vector<1000x64xf32>
    %get3A_46 = arith.constant 0 : index
    %get3A_47 = arith.constant 0 : index
    %get3A_48 = vector.load %arg6[%get3A_46, %get3A_47] : memref<1000x32xf32, #tpu.memory_space<vmem>>, vector<1000x32xf32>
    %get3A_49 = arith.constant 0 : index
    %get3A_50 = arith.constant 0 : index
    %get3A_51 = vector.load %arg17[%get3A_49, %get3A_50] : memref<32x64xf32, #tpu.memory_space<vmem>>, vector<32x64xf32>
    %dot_general3A_52 = arith.constant dense<0.000000e+00> : vector<1000x64xf32>
    %dot_general3A_53 = tpu.matmul %get3A_48, %get3A_51, %dot_general3A_52 {dimension_numbers = #tpu.dot_dimension_numbers<[1], [0], [0], [1], [0, 0, 1, 1], [], []>, transpose_lhs_hint = false} : vector<1000x32xf32>, vector<32x64xf32>, vector<1000x64xf32> -> vector<1000x64xf32>
    %add3A_54 = arith.addf %add3A_45, %dot_general3A_53 : vector<1000x64xf32>
    %get3A_55 = arith.constant 0 : index
    %get3A_56 = arith.constant 0 : index
    %get3A_57 = vector.load %arg7[%get3A_55, %get3A_56] : memref<1000x64xf32, #tpu.memory_space<vmem>>, vector<1000x64xf32>
    %get3A_58 = arith.constant 0 : index
    %get3A_59 = arith.constant 0 : index
    %get3A_60 = vector.load %arg18[%get3A_58, %get3A_59] : memref<64x64xf32, #tpu.memory_space<vmem>>, vector<64x64xf32>
    %dot_general3A_61 = arith.constant dense<0.000000e+00> : vector<1000x64xf32>
    %dot_general3A_62 = tpu.matmul %get3A_57, %get3A_60, %dot_general3A_61 {dimension_numbers = #tpu.dot_dimension_numbers<[1], [0], [0], [1], [0, 0, 1, 1], [], []>, transpose_lhs_hint = false} : vector<1000x64xf32>, vector<64x64xf32>, vector<1000x64xf32> -> vector<1000x64xf32>
    %add3A_63 = arith.addf %add3A_54, %dot_general3A_62 : vector<1000x64xf32>
    %get3A_64 = arith.constant 0 : index
    %get3A_65 = arith.constant 0 : index
    %get3A_66 = vector.load %arg8[%get3A_64, %get3A_65] : memref<1000x32xf32, #tpu.memory_space<vmem>>, vector<1000x32xf32>
    %get3A_67 = arith.constant 0 : index
    %get3A_68 = arith.constant 0 : index
    %get3A_69 = vector.load %arg19[%get3A_67, %get3A_68] : memref<32x64xf32, #tpu.memory_space<vmem>>, vector<32x64xf32>
    %dot_general3A_70 = arith.constant dense<0.000000e+00> : vector<1000x64xf32>
    %dot_general3A_71 = tpu.matmul %get3A_66, %get3A_69, %dot_general3A_70 {dimension_numbers = #tpu.dot_dimension_numbers<[1], [0], [0], [1], [0, 0, 1, 1], [], []>, transpose_lhs_hint = false} : vector<1000x32xf32>, vector<32x64xf32>, vector<1000x64xf32> -> vector<1000x64xf32>
    %add3A_72 = arith.addf %add3A_63, %dot_general3A_71 : vector<1000x64xf32>
    %get3A_73 = arith.constant 0 : index
    %get3A_74 = arith.constant 0 : index
    %get3A_75 = vector.load %arg9[%get3A_73, %get3A_74] : memref<1000x32xf32, #tpu.memory_space<vmem>>, vector<1000x32xf32>
    %get3A_76 = arith.constant 0 : index
    %get3A_77 = arith.constant 0 : index
    %get3A_78 = vector.load %arg20[%get3A_76, %get3A_77] : memref<32x64xf32, #tpu.memory_space<vmem>>, vector<32x64xf32>
    %dot_general3A_79 = arith.constant dense<0.000000e+00> : vector<1000x64xf32>
    %dot_general3A_80 = tpu.matmul %get3A_75, %get3A_78, %dot_general3A_79 {dimension_numbers = #tpu.dot_dimension_numbers<[1], [0], [0], [1], [0, 0, 1, 1], [], []>, transpose_lhs_hint = false} : vector<1000x32xf32>, vector<32x64xf32>, vector<1000x64xf32> -> vector<1000x64xf32>
    %add3A_81 = arith.addf %add3A_72, %dot_general3A_80 : vector<1000x64xf32>
    %tanh3A = math.tanh %add3A_81 : vector<1000x64xf32>
    %get3A_82 = arith.constant 0 : index
    %get3A_83 = arith.constant 0 : index
    %get3A_84 = vector.load %arg11[%get3A_82, %get3A_83] : memref<1000x64xf32, #tpu.memory_space<vmem>>, vector<1000x64xf32>
    %get3A_85 = arith.constant 0 : index
    %get3A_86 = arith.constant 0 : index
    %get3A_87 = vector.load %arg10[%get3A_85, %get3A_86] : memref<1000x64xf32, #tpu.memory_space<vmem>>, vector<1000x64xf32>
    %mul3A = arith.mulf %get3A_84, %get3A_87 : vector<1000x64xf32>
    %sub3A = arith.constant 1.000000e+00 : f32
    %sub3A_88 = vector.broadcast %sub3A : f32 to vector<1000x64xf32>
    %sub3A_89 = arith.subf %sub3A_88, %get3A_84 : vector<1000x64xf32>
    %mul3A_90 = arith.mulf %sub3A_89, %tanh3A : vector<1000x64xf32>
    %add3A_91 = arith.addf %mul3A, %mul3A_90 : vector<1000x64xf32>
    %swap3A = arith.constant 0 : index
    %swap3A_92 = arith.constant 0 : index
    %swap3A_93 = vector.load %arg22[%swap3A, %swap3A_92] : memref<1000x64xf32, #tpu.memory_space<vmem>>, vector<1000x64xf32>
    tpu.vector_store %arg22[%swap3A, %swap3A_92], %add3A_91 {strides = array<i32>} : memref<1000x64xf32, #tpu.memory_space<vmem>>, vector<1000x64xf32>,
    return
  }
  func.func @transform_0(%arg0: i32) -> (i32, i32) {
    %c0_i32 = arith.constant 0 : i32
    %c0_i32_0 = arith.constant 0 : i32
    return %arg0, %c0_i32 : i32, i32
  }
  func.func @transform_1(%arg0: i32) -> (i32, i32) {
    %c0_i32 = arith.constant 0 : i32
    %c0_i32_0 = arith.constant 0 : i32
    return %arg0, %c0_i32 : i32, i32
  }
  func.func @transform_2(%arg0: i32) -> (i32, i32) {
    %c0_i32 = arith.constant 0 : i32
    %c0_i32_0 = arith.constant 0 : i32
    return %arg0, %c0_i32 : i32, i32
  }
  func.func @transform_3(%arg0: i32) -> (i32, i32) {
    %c0_i32 = arith.constant 0 : i32
    %c0_i32_0 = arith.constant 0 : i32
    return %arg0, %c0_i32 : i32, i32
  }
  func.func @transform_4(%arg0: i32) -> (i32, i32) {
    %c0_i32 = arith.constant 0 : i32
    %c0_i32_0 = arith.constant 0 : i32
    return %arg0, %c0_i32 : i32, i32
  }
  func.func @transform_5(%arg0: i32) -> (i32, i32) {
    %c0_i32 = arith.constant 0 : i32
    %c0_i32_0 = arith.constant 0 : i32
    return %arg0, %c0_i32 : i32, i32
  }
  func.func @transform_6(%arg0: i32) -> (i32, i32) {
    %c0_i32 = arith.constant 0 : i32
    %c0_i32_0 = arith.constant 0 : i32
    return %arg0, %c0_i32 : i32, i32
  }
  func.func @transform_7(%arg0: i32) -> (i32, i32) {
    %c0_i32 = arith.constant 0 : i32
    %c0_i32_0 = arith.constant 0 : i32
    return %arg0, %c0_i32 : i32, i32
  }
  func.func @transform_8(%arg0: i32) -> (i32, i32) {
    %c0_i32 = arith.constant 0 : i32
    %c0_i32_0 = arith.constant 0 : i32
    return %arg0, %c0_i32 : i32, i32
  }
  func.func @transform_9(%arg0: i32) -> (i32, i32) {
    %c0_i32 = arith.constant 0 : i32
    %c0_i32_0 = arith.constant 0 : i32
    return %arg0, %c0_i32 : i32, i32
  }
  func.func @transform_10(%arg0: i32) -> (i32, i32) {
    %c0_i32 = arith.constant 0 : i32
    %c0_i32_0 = arith.constant 0 : i32
    return %arg0, %c0_i32 : i32, i32
  }
  func.func @transform_11(%arg0: i32) -> (i32, i32) {
    %c0_i32 = arith.constant 0 : i32
    %c0_i32_0 = arith.constant 0 : i32
    %c0_i32_1 = arith.constant 0 : i32
    return %c0_i32, %c0_i32_0 : i32, i32
  }
  func.func @transform_12(%arg0: i32) -> (i32, i32) {
    %c0_i32 = arith.constant 0 : i32
    %c0_i32_0 = arith.constant 0 : i32
    %c0_i32_1 = arith.constant 0 : i32
    return %c0_i32, %c0_i32_0 : i32, i32
  }
  func.func @transform_13(%arg0: i32) -> (i32, i32) {
    %c0_i32 = arith.constant 0 : i32
    %c0_i32_0 = arith.constant 0 : i32
    %c0_i32_1 = arith.constant 0 : i32
    return %c0_i32, %c0_i32_0 : i32, i32
  }
  func.func @transform_14(%arg0: i32) -> (i32, i32) {
    %c0_i32 = arith.constant 0 : i32
    %c0_i32_0 = arith.constant 0 : i32
    %c0_i32_1 = arith.constant 0 : i32
    return %c0_i32, %c0_i32_0 : i32, i32
  }
  func.func @transform_15(%arg0: i32) -> (i32, i32) {
    %c0_i32 = arith.constant 0 : i32
    %c0_i32_0 = arith.constant 0 : i32
    %c0_i32_1 = arith.constant 0 : i32
    return %c0_i32, %c0_i32_0 : i32, i32
  }
  func.func @transform_16(%arg0: i32) -> (i32, i32) {
    %c0_i32 = arith.constant 0 : i32
    %c0_i32_0 = arith.constant 0 : i32
    %c0_i32_1 = arith.constant 0 : i32
    return %c0_i32, %c0_i32_0 : i32, i32
  }
  func.func @transform_17(%arg0: i32) -> (i32, i32) {
    %c0_i32 = arith.constant 0 : i32
    %c0_i32_0 = arith.constant 0 : i32
    %c0_i32_1 = arith.constant 0 : i32
    return %c0_i32, %c0_i32_0 : i32, i32
  }
  func.func @transform_18(%arg0: i32) -> (i32, i32) {
    %c0_i32 = arith.constant 0 : i32
    %c0_i32_0 = arith.constant 0 : i32
    %c0_i32_1 = arith.constant 0 : i32
    return %c0_i32, %c0_i32_0 : i32, i32
  }
  func.func @transform_19(%arg0: i32) -> (i32, i32) {
    %c0_i32 = arith.constant 0 : i32
    %c0_i32_0 = arith.constant 0 : i32
    %c0_i32_1 = arith.constant 0 : i32
    return %c0_i32, %c0_i32_0 : i32, i32
  }
  func.func @transform_20(%arg0: i32) -> (i32, i32) {
    %c0_i32 = arith.constant 0 : i32
    %c0_i32_0 = arith.constant 0 : i32
    %c0_i32_1 = arith.constant 0 : i32
    return %c0_i32, %c0_i32_0 : i32, i32
  }
  func.func @transform_21(%arg0: i32) -> (i32, i32) {
    %c0_i32 = arith.constant 0 : i32
    %c0_i32_0 = arith.constant 0 : i32
    return %arg0, %c0_i32 : i32, i32
  }
}

</mosaic_0001>

<sc_bundles>
// kernel: kernel.6.cloned.1.call-start
scs
__scs_entry_jumppad:
0x0: {  	(pc) =	sbr.rel $0x88, $3  }
0x1: {  	(tag) =	ssettag $0x0;
	lr =	simm.s32 $0x1  }
0x2: {  	[smem:$0x3F91] =	sst lr;
	_ =	strace $0xD0000000  }
0x3: {  	_ = 	snop  }
0x4: {  	_ = 	snop  }
0x5: {  	_ = 	snop  }
0x6: {  	_ = 	snop  }
0x7: {  	_ = 	snop  }
__scs_overlays_trampoline_lowered:
0x8: {  	[smem:$0x3FA0] =	sst s0  }
0x9: {  	[smem:$0x3FA1] =	sst s1  }
0xa: {  	[smem:$0x3FA2] =	sst s2  }
0xb: {  	[smem:$0x3FA3] =	sst s3  }
0xc: {  	[smem:$0x3FA4] =	sst s4  }
0xd: {  	[smem:$0x3FA5] =	sst s5  }
0xe: {  	[smem:$0x3FA6] =	sst s6  }
0xf: {  	[smem:$0x3FA7] =	sst s7  }
0x10: {  	[smem:$0x3FA8] =	sst s8  }
0x11: {  	[smem:$0x3FA9] =	sst s9;
	s0 =	simm.s32 @!p0 $0x0  }
0x12: {  	s1 =	sld [smem:$0x3F8F];
	s0 =	simm.s32 @p0 $0x1  }
0x13: {  	[smem:$0x3FAA] =	sst s0;
	s0 =	simm.s32 @!p1 $0x0  }
0x14: {  	s2 =	sld [smem:$0x3F8E];
	s0 =	simm.s32 @p1 $0x1  }
0x15: {  	[smem:$0x3FAB] =	sst s0;
	s0 =	simm.s32 @!p2 $0x0  }
0x16: {  	s3 =	sld [smem:$0x3FDB];
	s0 =	simm.s32 @p2 $0x1  }
0x17: {  	s4 =	simm.s32 $0x1BF5;
	[smem:$0x3FAD] =	sst s0  }
0x18: {  	s0 =	sld [smem:$0x3F90];
	_ =	swait.ge [sflag:s4], $0x0  }
0x19: {  	s7 =	sld [smem:$0x3F91]  }
0x1a: {  	s8 =	sadd.s32 $0xFFFFE003, lr  }
0x1b: {  	s9 =	sadd.s32 $0xFFFFFEF7, lr;
	s5 =	simm.s32 $0xFFFFFFFF;
	p2 =	slt.u32 s8, $0xFFFFF086  }
0x1c: {  	p1 =	slt.u32 s9, $0xF7A;
	s5 =	simm.s32 @!p2 $0x0  }
0x1d: {  	s5 =	simm.s32 @p1 $0x1;
	p0 =	seq.s32 s7, s2  }
0x1e: {  	s7 =	smul.u32 @!p0 $0xF7A, s2;
	p2 =	seq.s32 @!p0 s5, $0x0  }
0x1f: {  	s9 =	smul.u32 $0xF7A, s1;
	s8 =	simm.s32 @!p0 $0x1BF5;
	p2 =	por !p2, p0  }
0x20: {  	[sflag:s8] =	ssyncset.s32 @!p0 $0xFFFFF086;
	s6 =	sadd.s32 @!p0 s3, s7;
	s7 =	simm.s32 @!p0 $0x108  }
0x21: {  	s3 =	sadd.s32 s3, s9;
	s6 =	sadd.s32 @!p0 $0x88, s6;
	s7 =	simm.s32 @p2 $0x1082  }
0x22: {  	[simem:s7], [sflag:s8] =	dma.local @!p0 [hbm:s6], $0xF7A  }
0x23: {  	s9 =	sor.u32 $0xD0000000, s2;
	s6 =	simm.s32 $0x108;
	_ =	swait.ge @!p0 [sflag:s8], $0x0  }
0x24: {  	s3 =	sadd.s32 $0x88, s3;
	s6 =	simm.s32 @!p1 $0x1082;
	[sflag:s4] =	ssyncset.s32 $0xFFFFF086  }
0x25: {  	[simem:s6], [sflag:s4] =	dma.local [hbm:s3], $0xF7A  }
0x26: {  	[smem:$0x3F91] =	sst s1;
	(tag) =	ssettag s2;
	_ =	strace s9  }
0x27: {  	s1 =	sld [smem:$0x3FA1]  }
0x28: {  	s2 =	sld [smem:$0x3FA2]  }
0x29: {  	s4 =	sld [smem:$0x3FA4]  }
0x2a: {  	p0 =	seq.s32 s5, $0x0;
	s5 =	sld [smem:$0x3FA5]  }
0x2b: {  	s6 =	sld [smem:$0x3FA6]  }
0x2c: {  	s7 =	sld [smem:$0x3FA7]  }
0x2d: {  	s3 =	simm.s32 $0x108;
	s8 =	sld [smem:$0x3FA8]  }
0x2e: {  	s3 =	simm.s32 @!p0 $0x1082;
	s9 =	sld [smem:$0x3FA9]  }
0x2f: {  	lr =	sadd.s32 s0, s3;
	s0 =	sld [smem:$0x3FA0]  }
0x30: {  	s3 =	sld [smem:$0x3FA3]  }
0x31: {  	[smem:$0x3FAC] =	sst s10  }
0x32: {  	s10 =	sld [smem:$0x3FAA];
	_ =	sdelay $0x3  }
0x33: {  	p0 =	seq.s32 s10, $0x1;
	s10 =	sld [smem:$0x3FAC];
	_ =	sdelay $0x3  }
0x34: {  	[smem:$0x3FAC] =	sst s10  }
0x35: {  	s10 =	sld [smem:$0x3FAB];
	_ =	sdelay $0x3  }
0x36: {  	p1 =	seq.s32 s10, $0x1;
	s10 =	sld [smem:$0x3FAC];
	_ =	sdelay $0x3  }
0x37: {  	[smem:$0x3FAC] =	sst s10  }
0x38: {  	s10 =	sld [smem:$0x3FAD]  }
0x39: {  	_ = 	snop;
	(pc) =	sbr.ind lr, $3  }
0x3a: {  	_ = 	snop  }
0x3b: {  	_ = 	snop  }
0x3c: {  	p2 =	seq.s32 s10, $0x1;
	s10 =	sld [smem:$0x3FAC]  }
0x3d: {  	_ =	shalt  }
0x3e: {  	_ =	shalt  }
0x3f: {  	_ =	shalt  }
0x40: {  	_ =	shalt  }
0x41: {  	_ =	shalt  }
0x42: {  	_ =	shalt  }
0x43: {  	_ =	shalt  }
0x44: {  	_ =	shalt  }
0x45: {  	_ =	shalt  }
0x46: {  	_ =	shalt  }
0x47: {  	_ =	shalt  }
0x48: {  	_ =	shalt  }
0x49: {  	_ =	shalt  }
0x4a: {  	_ =	shalt  }
0x4b: {  	_ =	shalt  }
0x4c: {  	_ =	shalt  }
0x4d: {  	_ =	shalt  }
0x4e: {  	_ =	shalt  }
0x4f: {  	_ =	shalt  }
0x50: {  	_ =	shalt  }
0x51: {  	_ =	shalt  }
0x52: {  	_ =	shalt  }
0x53: {  	_ =	shalt  }
0x54: {  	_ =	shalt  }
0x55: {  	_ =	shalt  }
0x56: {  	_ =	shalt  }
0x57: {  	_ =	shalt  }
0x58: {  	_ =	shalt  }
0x59: {  	_ =	shalt  }
0x5a: {  	_ =	shalt  }
0x5b: {  	_ =	shalt  }
0x5c: {  	_ =	shalt  }
0x5d: {  	_ =	shalt  }
0x5e: {  	_ =	shalt  }
0x5f: {  	_ =	shalt  }
0x60: {  	_ =	shalt  }
0x61: {  	_ =	shalt  }
0x62: {  	_ =	shalt  }
0x63: {  	_ =	shalt  }
0x64: {  	_ =	shalt  }
0x65: {  	_ =	shalt  }
0x66: {  	_ =	shalt  }
0x67: {  	_ =	shalt  }
0x68: {  	_ =	shalt  }
0x69: {  	_ =	shalt  }
0x6a: {  	_ =	shalt  }
0x6b: {  	_ =	shalt  }
0x6c: {  	_ =	shalt  }
0x6d: {  	_ =	shalt  }
0x6e: {  	_ =	shalt  }
0x6f: {  	_ =	shalt  }
0x70: {  	_ =	shalt  }
0x71: {  	_ =	shalt  }
0x72: {  	_ =	shalt  }
0x73: {  	_ =	shalt  }
0x74: {  	_ =	shalt  }
0x75: {  	_ =	shalt  }
0x76: {  	_ =	shalt  }
0x77: {  	_ =	shalt  }
0x78: {  	_ =	shalt  }
0x79: {  	_ =	shalt  }
0x7a: {  	_ =	shalt  }
0x7b: {  	_ =	shalt  }
0x7c: {  	_ =	shalt  }
0x7d: {  	_ =	shalt  }
0x7e: {  	_ =	shalt  }
0x7f: {  	_ =	shalt  }
0x80: {  	_ =	shalt  }
0x81: {  	_ =	shalt  }
0x82: {  	_ =	shalt  }
0x83: {  	_ =	shalt  }
0x84: {  	_ =	shalt  }
0x85: {  	_ =	shalt  }
0x86: {  	_ =	shalt  }
0x87: {  	_ =	shalt  }
.Lfunc_end0:
.L_simem_size_0:
called_computation_lowered:
.L_overlay_start_0:
0x88: {  	s2 =	sld [smem:$0x3FD9]  }
0x89: {  	s3 =	sld [smem:$0x3FFE];
	_ =	sdelay $0x1  }
0x8a: {  	s1 =	srdreg.scid  }
0x8b: {  	s0 =	sand.u32 $0x1, s1  }
0x8c: {  	s17 =	sshll.u32 s0, $0xA;
	s2 =	sadd.s32 s3, s2  }
0x8d: {  	s2 =	sadd.s32 s2, s17  }
0x8e: {  	[smem:$0x3FB8] =	sst s2  }
0x8f: {  	_ = 	snop  }
0x90: {  	s2 =	sld [smem:$0x3FD0];
	(tm) =	ssettm $0x1  }
0x91: {  	s18 =	sld [smem:$0x3FFB];
	_ =	sdelay $0x3  }
0x92: {  	_ =	strace s18  }
0x93: {  	s3 =	sld [smem:$0x3FFC];
	_ =	sdelay $0x3  }
0x94: {  	_ =	strace s3  }
0x95: {  	s3 =	sld [smem:$0x3FFD];
	_ =	sdelay $0x3  }
0x96: {  	_ =	strace s3  }
0x97: {  	_ =	strace $0x8FFFFFFF  }
0x98: {  	s19 =	sld [smem:$0x3FDB];
	_ =	sdelay $0x1  }
0x99: {  	s4 =	simm.s32 $_scs_section_size  }
0x9a: {  	s5 =	simm.s32 $_size__tile_overlayer_lowered;
	s6 =	simm.s32 $_tile_overlayer_lowered  }
0x9b: {  	s22 =	simm.s32 $0x1BFF;
	s21 =	sshll.u32 s6, $0x1;
	s3 =	sadd.s32 s4, s19  }
0x9c: {  	s7 =	simm.s32 $0x0;
	s20 =	sshll.u32 s5, $0x1;
	s5 =	sadd.s32 s21, s3  }
0x9d: {  	[timem:s7], [sflag:s22] =	dma.local [hbm:s5], s20  }
0x9e: {  	_ =	swait.ge [sflag:s22], s20  }
0x9f: {  	s4 =	ssub.s32 $0x0, s20;
	[sflag:s22] =	ssyncset.done $0x0  }
0xa0: {  	[sflag:s22] =	ssyncadd.s32 s4;
	_ =	sdelay $0x1  }
0xa1: {  	s23 =	simm.s32 $0x1B8B  }
0xa2: {  	_ =	swait.ge [sflag:s23], $0x1  }
0xa3: {  	[sflag:s23] =	ssyncset.done $0x0  }
0xa4: {  	s25 =	simm.s32 $0x1B8E;
	s24 =	sld [smem:$0x3FFE];
	[sflag:s23] =	ssyncadd.s32 $0xFFFFFFFF  }
0xa5: {  	s26 =	simm.s32 $execute0_lowered;
	[smem:$0x3FD2] =	sst s25  }
0xa6: {  	s5 =	sshll.u32 s26, $0x1;
	_ =	strace $0x80000046;
	[dreg:$0x1] =	wrdreg $0xFFFFFFFF  }
0xa7: {  	s28 =	simm.s32 $_size_execute0_lowered;
	s3 =	sadd.s32 s3, s5;
	[dreg:$0x0] =	wrdreg $0x0  }
0xa8: {  	s5 =	sshll.u32 s28, $0x1;
	[dreg:$0x2] =	wrdreg s3  }
0xa9: {  	[dreg:$0x3] =	wrdreg s5  }
0xaa: {  	[dreg:$0x4] =	wrdreg $0xC0  }
0xab: {  	_ =	task [dreg:s7], $0x5FFFF  }
0xac: {  	[dreg:$0x1] =	wrdreg $0xFFFFFFFF  }
0xad: {  	[dreg:$0x0] =	wrdreg $0x60  }
0xae: {  	[dreg:$0x2] =	wrdreg s24  }
0xaf: {  	[dreg:$0x3] =	wrdreg s2  }
0xb0: {  	[dreg:$0x4] =	wrdreg $0x15B000  }
0xb1: {  	[dreg:$0x5] =	wrdreg $0x158800  }
0xb2: {  	[dreg:$0x6] =	wrdreg $0x9  }
0xb3: {  	_ =	task.clear_ibuf [dreg:s7], $0x7FFFF;
	_ =	strace $0x90000046  }
0xb4: {  	s29 =	simm.s32 $0x9;
	_ =	strace $0x80000048  }
0xb5: {  	_ =	swait.ge [sflag:s29], $0x1  }
0xb6: {  	[sflag:s29] =	ssyncadd.s32 $0xFFFFFFFF  }
0xb7: {  	_ =	strace $0x90000048  }
0xb8: {  	_ =	sfence  }
0xb9: {  	s30 =	sld [smem:$0x0];
	_ =	sdelay $0x2  }
0xba: {  	s31 =	sshll.u32 s1, $0xD;
	s1 =	sshrl.u32 s1, $0x2  }
0xbb: {  	s3 =	sand.u32 $0x4000, s31;
	s1 =	sadd.s32 s1, s30  }
0xbc: {  	s0 =	sor.u32 s3, s0;
	s1 =	sshll.u32 s1, $0x11  }
0xbd: {  	s0 =	sor.u32 s1, s0  }
0xbe: {  	s0 =	sadd.s32 $0x8F2B, s0  }
0xbf: {  	[sflag:s0] =	ssyncadd.remote.s32 $0x1  }
0xc0: {  	_ =	sfence.sel $0xFFFF  }
0xc1: {  	[dreg:$0x0] =	wrdreg $0xFFFFFFFF;
	(pc) =	sbr.abs _section_cstart, $3  }
0xc2: {  	[dreg:$0x1] =	wrdreg $0xFFFFFFFF  }
0xc3: {  	_ =	task.clear_ibuf [dreg:s7], $0x2FFFF;
	_ =	strace $0x9FFFFFFF  }
0xc4: {  	(tm) =	ssettm $0x7FFFFFFF  }
0xc5: {  	_ =	shalt  }
tec
execute0_lowered:
.L_overlay_start_1:
0x0: {  	(tag) =	ssettag $0x1  }
0x1: {  	s0 =	rddreg [dreg:$0x0]  }
0x2: {  	s1 =	rddreg [dreg:$0x1]  }
0x3: {  	s2 =	rddreg [dreg:$0x2]  }
0x4: {  	s3 =	rddreg [dreg:$0x3]  }
0x5: {  	s5 =	srdreg.scid;
	s13 =	stileid.u32  }
0x6: {  	s4 =	simm.s32 $0x0;
	s28 =	simm.s32 $0x15800;
	s29 =	simm.s32 $0xF000  }
0x7: {  	s30 =	simm.s32 $0x13800;
	s8 =	sand.u32 $0x1, s5;
	s5 =	smul.u32 $0x280, s13  }
0x8: {  	s31 =	simm.s32 $0x1;
	[smem:$0x7FF] =	sst s4;
	s11 =	smul.u32 $0xA00, s13  }
0x9: {  	s6 =	sadd.s32 $0x54C00, s0;
	s7 =	sadd.s32 $0xB8C00, s0;
	s13 =	smul.u32 $0x28000, s13  }
0xa: {  	s9 =	smul.u32 $0x2800, s8;
	_ =	strace $0x80000047;
	s12 =	ssub.s32 $0x2, s8  }
0xb: {  	p0 =	sne.s32 s8, $0x0;
	s15 =	sshrl.u32 s12, $0x1;
	s1 =	sadd.s32 s1, s11  }
0xc: {  	s20 =	sshrl.u32 s13, $0x2;
	s23 =	sadd.s32 $0xF000, s5;
	[dreg:$0x5] =	wrdreg s1  }
0xd: {  	s24 =	sadd.s32 s5, s3;
	s10 =	sadd.s32 s5, s9;
	[dreg:$0x8] =	wrdreg s23  }
0xe: {  	s12 =	ssub.s32 s12, s15;
	[dreg:$0x9] =	wrdreg s24;
	s10 =	sshll.u32 s10, $0x3  }
0xf: {  	s24 =	simm.s32 $0xA000;
	s17 =	smax.u32 s12, $0x1;
	s14 =	sadd.s32 s10, s0  }
0x10: {  	s0 =	sadd.s32 s11, s0;
	s11 =	sadd.s32 s20, s2;
	s25 =	sadd.s32 s7, s10  }
0x11: {  	s21 =	sadd.s32 $0x7CC00, s0;
	s22 =	sadd.s32 $0x86C00, s0;
	[dreg:$0xb] =	wrdreg s25  }
.Ltmp0:
0x12: {  	s0 =	sadd.s32 $0xE0C00, s0;
	[dreg:$0x6] =	wrdreg s21;
	(pc) =	sbr.rel .LBB2_1-.Ltmp0, $4  }
0x13: {  	s26 =	sadd.s32 $0x90C00, s14;
	s18 =	sadd.s32 $0x2000, s11;
	[dreg:$0x7] =	wrdreg s22  }
0x14: {  	s19 =	sadd.s32 $0x4000, s11;
	s20 =	sadd.s32 $0x6000, s11;
	[dreg:$0xa] =	wrdreg s0  }
0x15: {  	s25 =	simm.s32 $0x11800;
	[dreg:$0xc] =	wrdreg s26;
	s21 =	sadd.s32 $0x8000, s11  }
0x16: {  	v1 =	vimm.f32 $0.0e+00;
	v2 =	vimm.f32 $1.000000000e+00;
	v0 =	vmov s9;
	s22 =	simm.s32 $0x2;
	s26 =	simm.s32 $0x80;
	s0 =	simm.s32 $0x0  }
.LBB2_23:
0x17: {  	s0 =	sadd.s32 $0x1, s0  }
0x18: {  	[bflag:$0x0] =	sbarrier.arrive $0xFFFF;
	p1 =	sne.s32 s0, s17  }
.Ltmp1:
0x19: {  	s8 =	rddreg [dreg:$0xc];
	(pc) =	sbr.rel @!p1 .LBB2_24-.Ltmp1, $4  }
0x1a: {  	[hbm:s8], [sflag:s23] =	dma.local [spmem:s1], $0x1400  }
0x1b: {  	_ =	swait.ge [sflag:s22], $0x1400  }
0x1c: {  	[sflag:s22] =	ssyncset.done $0x0  }
0x1d: {  	[sflag:s22] =	ssyncadd.s32 $0xFFFFEC00  }
.LBB2_1:
0x1e: {  	s1 =	rddreg [dreg:$0x5]  }
0x1f: {  	[tilespmem:s4], [sflag:$0x2] =	stream.linear.gather [hbm4b:s1+s4], $0x5000, $0x38;
	[tilespmem:$0x1FB00] =	vst v63  }
0x20: {  	_ =	swait.ge [sflag:s22], $0x5000  }
0x21: {  	[sflag:s22] =	ssyncset.done $0x0  }
0x22: {  	s8 =	simm.s32 $0x5000;
	s16 =	rddreg [dreg:$0x6];
	[sflag:s22] =	ssyncadd.s32 $0xFFFFB000  }
0x23: {  	[tilespmem:s8], [sflag:$0x2] =	stream.linear.gather [hbm4b:s16+s4], $0x5000, $0x38;
	[tilespmem:$0x1FB00] =	vst v63  }
0x24: {  	_ =	swait.ge [sflag:s22], $0x5000  }
0x25: {  	[sflag:s22] =	ssyncset.done $0x0  }
0x26: {  	s23 =	rddreg [dreg:$0x7];
	[sflag:s22] =	ssyncadd.s32 $0xFFFFB000  }
0x27: {  	[tilespmem:s24], [sflag:$0x2] =	stream.linear.gather [hbm4b:s23+s4], $0x5000, $0x38;
	[tilespmem:$0x1FB00] =	vst v63  }
0x28: {  	_ =	swait.ge [sflag:s22], $0x5000  }
0x29: {  	[sflag:s22] =	ssyncset.done $0x0  }
0x2a: {  	s1 =	simm.s32 $0x0;
	s8 =	simm.s32 $0x100;
	[sflag:s22] =	ssyncadd.s32 $0xFFFFB000  }
.LBB2_2:
0x2b: {  	p1 =	sne.s32 s8, $0x7F00;
	[tilespmem:s1+$0x11830] =	vst v1;
	s9 =	smov.u32 s8;
	s8 =	sadd.s32 $0x100, s8  }
.Ltmp2:
0x2c: {  	[tilespmem:s1+$0x11820] =	vst v1;
	(pc) =	sbr.rel @p1 .LBB2_2-.Ltmp2, $3  }
0x2d: {  	[tilespmem:s1+$0x11800] =	vst v1  }
0x2e: {  	[tilespmem:s1+$0x11810] =	vst v1;
	_ =	sdelay $0x1  }
0x2f: {  	s1 =	sshra.s32 s9, $0x2  }
0x30: {  	[tilespmem:s1+$0x11830] =	vst v1  }
0x31: {  	[tilespmem:s1+$0x11820] =	vst v1  }
0x32: {  	[tilespmem:s1+$0x11800] =	vst v1  }
0x33: {  	[tilespmem:s1+$0x11810] =	vst v1  }
0x34: {  	[spmem:s11] =	stream.linear.scatter [tilespmem:s25], [sflag:$0x2], $0x2000, $0x38;
	[tilespmem:$0x1FB00] =	vst v63  }
0x35: {  	_ =	swait.ge [sflag:s22], $0x2000  }
0x36: {  	[sflag:s22] =	ssyncset.done $0x0  }
0x37: {  	[sflag:s22] =	ssyncadd.s32 $0xFFFFE000  }
0x38: {  	[spmem:s18] =	stream.linear.scatter [tilespmem:s25], [sflag:$0x2], $0x2000, $0x38;
	[tilespmem:$0x1FB00] =	vst v63  }
0x39: {  	_ =	swait.ge [sflag:s22], $0x2000  }
0x3a: {  	[sflag:s22] =	ssyncset.done $0x0  }
0x3b: {  	[sflag:s22] =	ssyncadd.s32 $0xFFFFE000  }
0x3c: {  	[spmem:s19] =	stream.linear.scatter [tilespmem:s25], [sflag:$0x2], $0x2000, $0x38;
	[tilespmem:$0x1FB00] =	vst v63  }
0x3d: {  	_ =	swait.ge [sflag:s22], $0x2000  }
0x3e: {  	[sflag:s22] =	ssyncset.done $0x0  }
0x3f: {  	[sflag:s22] =	ssyncadd.s32 $0xFFFFE000  }
0x40: {  	[spmem:s20] =	stream.linear.scatter [tilespmem:s25], [sflag:$0x2], $0x2000, $0x38;
	[tilespmem:$0x1FB00] =	vst v63  }
0x41: {  	_ =	swait.ge [sflag:s22], $0x2000  }
0x42: {  	[sflag:s22] =	ssyncset.done $0x0  }
0x43: {  	[sflag:s22] =	ssyncadd.s32 $0xFFFFE000  }
0x44: {  	[spmem:s21] =	stream.linear.scatter [tilespmem:s25], [sflag:$0x2], $0x2000, $0x38;
	[tilespmem:$0x1FB00] =	vst v63  }
0x45: {  	_ =	swait.ge [sflag:s22], $0x2000  }
0x46: {  	[sflag:s22] =	ssyncset.done $0x0  }
0x47: {  	[sflag:s22] =	ssyncadd.s32 $0xFFFFE000  }
0x48: {  	[tilespmem:s5+$0xF000] =	vst v1  }
0x49: {  	[tilespmem:s5+$0xF010] =	vst v1  }
0x4a: {  	[tilespmem:s5+$0xF020] =	vst v1  }
0x4b: {  	[tilespmem:s5+$0xF030] =	vst v1  }
0x4c: {  	[tilespmem:s5+$0xF040] =	vst v1  }
0x4d: {  	[tilespmem:s5+$0xF050] =	vst v1  }
0x4e: {  	[tilespmem:s5+$0xF060] =	vst v1  }
0x4f: {  	[tilespmem:s5+$0xF070] =	vst v1  }
0x50: {  	[tilespmem:s5+$0xF080] =	vst v1  }
0x51: {  	[tilespmem:s5+$0xF090] =	vst v1  }
0x52: {  	[tilespmem:s5+$0xF0A0] =	vst v1  }
0x53: {  	[tilespmem:s5+$0xF0B0] =	vst v1  }
0x54: {  	[tilespmem:s5+$0xF0C0] =	vst v1  }
0x55: {  	[tilespmem:s5+$0xF0D0] =	vst v1  }
0x56: {  	[tilespmem:s5+$0xF0E0] =	vst v1  }
0x57: {  	[tilespmem:s5+$0xF0F0] =	vst v1  }
0x58: {  	[tilespmem:s5+$0xF100] =	vst v1  }
0x59: {  	[tilespmem:s5+$0xF110] =	vst v1  }
0x5a: {  	[tilespmem:s5+$0xF120] =	vst v1  }
0x5b: {  	[tilespmem:s5+$0xF130] =	vst v1  }
0x5c: {  	[tilespmem:s5+$0xF140] =	vst v1  }
0x5d: {  	[tilespmem:s5+$0xF150] =	vst v1  }
0x5e: {  	[tilespmem:s5+$0xF160] =	vst v1  }
0x5f: {  	[tilespmem:s5+$0xF170] =	vst v1  }
0x60: {  	[tilespmem:s5+$0xF180] =	vst v1  }
0x61: {  	[tilespmem:s5+$0xF190] =	vst v1  }
0x62: {  	[tilespmem:s5+$0xF1A0] =	vst v1  }
0x63: {  	[tilespmem:s5+$0xF1B0] =	vst v1  }
0x64: {  	[tilespmem:s5+$0xF1C0] =	vst v1  }
0x65: {  	[tilespmem:s5+$0xF1D0] =	vst v1  }
0x66: {  	[tilespmem:s5+$0xF1E0] =	vst v1  }
0x67: {  	[tilespmem:s5+$0xF1F0] =	vst v1  }
0x68: {  	[tilespmem:s5+$0xF200] =	vst v1  }
0x69: {  	[tilespmem:s5+$0xF210] =	vst v1  }
0x6a: {  	[tilespmem:s5+$0xF220] =	vst v1  }
0x6b: {  	[tilespmem:s5+$0xF230] =	vst v1  }
0x6c: {  	[tilespmem:s5+$0xF240] =	vst v1  }
0x6d: {  	[tilespmem:s5+$0xF250] =	vst v1  }
0x6e: {  	s16 =	rddreg [dreg:$0x8];
	[tilespmem:s5+$0xF260] =	vst v1  }
0x6f: {  	s8 =	rddreg [dreg:$0x9];
	[tilespmem:s5+$0xF270] =	vst v1  }
0x70: {  	[spmem:s8] =	stream.linear.scatter [tilespmem:s16], [sflag:$0x2], $0x280, $0x38;
	[tilespmem:$0x1FB00] =	vst v63  }
0x71: {  	_ =	swait.ge [sflag:s22], $0x280  }
0x72: {  	[sflag:s22] =	ssyncset.done $0x0  }
0x73: {  	[sflag:s22] =	ssyncadd.s32 $0xFFFFFD80  }
0x74: {  	[tilespmem:$0x15800] =	vst v2  }
0x75: {  	[tilespmem:$0x15810] =	vst v2  }
0x76: {  	[tilespmem:$0x15820] =	vst v2  }
0x77: {  	[tilespmem:$0x15830] =	vst v2  }
0x78: {  	[tilespmem:$0x15840] =	vst v2  }
0x79: {  	[tilespmem:$0x15850] =	vst v2  }
0x7a: {  	[tilespmem:$0x15860] =	vst v2  }
0x7b: {  	[tilespmem:$0x15870] =	vst v2  }
0x7c: {  	s23 =	simm.s32 $0x0;
	[bflag:$0x0] =	sbarrier.arrive $0xFFFF  }
0x7d: {  	[spmem:s3] =	stream.indirect.scatter.add.f32 [tilespmem:s28], [sflag:$0x2], $0x1, s23, s26, $0xb8;
	[tilespmem:$0x1FB00] =	vst v63  }
0x7e: {  	_ =	swait.ge [sflag:s22], $0x80  }
0x7f: {  	s1 =	simm.s32 $0x200;
	[sflag:s22] =	ssyncset.done $0x0  }
.LBB2_4:
0x80: {  	s8 =	sshra.s32 s1, $0x2;
	[sflag:s22] =	ssyncadd.s32 $0xFFFFFF80;
	p1 =	sne.s32 s1, $0x13E00  }
0x81: {  	[spmem:s3] =	stream.indirect.scatter.add.f32 [tilespmem:s28], [sflag:$0x2], $0x1, s8, s26, $0xb8;
	[tilespmem:$0x1FB00] =	vst v63  }
.Ltmp3:
0x82: {  	_ = 	snop;
	(pc) =	sbr.rel @p1 .LBB2_4-.Ltmp3, $4  }
0x83: {  	_ = 	snop  }
0x84: {  	s1 =	sadd.s32 $0x200, s1  }
0x85: {  	_ =	swait.ge [sflag:s22], $0x80  }
0x86: {  	[sflag:s22] =	ssyncset.done $0x0  }
0x87: {  	[sflag:s22] =	ssyncadd.s32 $0xFFFFFF80  }
0x88: {  	[bflag:$0x0] =	sbarrier.arrive $0xFFFF  }
0x89: {  	[tilespmem:s29], [sflag:$0x2] =	stream.linear.gather [spmem:s3], $0x2800, $0x38;
	[tilespmem:$0x1FB00] =	vst v63  }
0x8a: {  	_ =	swait.ge [sflag:s22], $0x2800  }
0x8b: {  	[sflag:s22] =	ssyncset.done $0x0  }
0x8c: {  	s1 =	simm.s32 $0x0;
	[sflag:s22] =	ssyncadd.s32 $0xFFFFD800  }
0x8d: {  	v3 =	vld [tilespmem:s1+$0x0];
	_ =	sdelay $0x7  }
0x8e: {  	v4 =	vld.idx.msk [tilespmem:v3+s29+$0x0], $0xffff;
	_ =	sdelay $0x3  }
0x8f: {  	v3 =	vadd.s32 v0, v3  }
0x90: {  	[tilespmem:s1+$0x0] =	vst v3;
	v3 =	vmax.f32 v4, $1.000000000e+00  }
0x91: {  	(erf) = vrcp.f32 v3;
	_ =	sdelay $0x3  }
0x92: {  	s9 =	simm.s32 $0x10;
	s8 =	simm.s32 $0x80;
	v3 =	vld [tilespmem:s1+$0xA000]  }
.LBB2_6:
0x93: {  	p1 =	sne.s32 s8, $0x13FC0;
	v4 =	vld [tilespmem:s9+$0x0];
	_ =	sdelay $0x3  }
0x94: {  	v5 =	vpop (erf)  }
0x95: {  	v6 =	vadd.s32 v0, v4;
	v3 =	vmul.f32 v5, v3;
	_ =	sdelay $0x1  }
0x96: {  	[tilespmem:s1+$0xA000] =	vst v3;
	s1 =	smov.u32 s9  }
0x97: {  	v3 =	vld.idx.msk [tilespmem:v4+s29+$0x0], $0xffff;
	[tilespmem:s1+$0x0] =	vst v6;
	_ =	sdelay $0x5  }
0x98: {  	v3 =	vmax.f32 v3, $1.000000000e+00  }
.Ltmp4:
0x99: {  	(erf) = vrcp.f32 v3;
	(pc) =	sbr.rel @p1 .LBB2_6-.Ltmp4, $2  }
0x9a: {  	_ =	sdelay $0x2  }
0x9b: {  	s9 =	sshra.s32 s8, $0x2;
	s8 =	sadd.s32 $0x40, s8;
	v3 =	vld [tilespmem:s1+$0xA000]  }
0x9c: {  	v4 =	vld [tilespmem:s9+$0x0];
	_ =	sdelay $0x3  }
0x9d: {  	v5 =	vpop (erf)  }
0x9e: {  	v3 =	vmul.f32 v5, v3;
	_ =	sdelay $0x1  }
0x9f: {  	[tilespmem:s1+$0xA000] =	vst v3  }
0xa0: {  	v3 =	vld.idx.msk [tilespmem:v4+s29+$0x0], $0xffff;
	_ =	sdelay $0x4  }
0xa1: {  	v3 =	vmax.f32 v3, $1.000000000e+00  }
0xa2: {  	(erf) = vrcp.f32 v3;
	_ =	sdelay $0x3  }
0xa3: {  	v3 =	vadd.s32 v0, v4  }
0xa4: {  	[tilespmem:s9+$0x0] =	vst v3;
	v3 =	vld [tilespmem:s9+$0xA000];
	_ =	sdelay $0x3  }
0xa5: {  	v63 =	vpop (erf)  }
0xa6: {  	v3 =	vmul.f32 v63, v3;
	_ =	sdelay $0x1  }
0xa7: {  	s8 =	simm.s32 @!p0 $0xA000;
	s1 =	simm.s32 @!p0 $0x0;
	[tilespmem:s9+$0xA000] =	vst v3;
	s9 =	rddreg [dreg:$0xa]  }
0xa8: {  	[hbm4b:s9+s1] =	stream.linear.scatter @!p0 [tilespmem:s8], [sflag:$0x2], $0x5000, $0x38;
	[tilespmem:$0x1FB00] =	vst v63  }
0xa9: {  	s1 =	simm.s32 @!p0 $0x2  }
0xaa: {  	_ =	swait.ge @!p0 [sflag:s1], $0x5000  }
0xab: {  	[sflag:s1] =	ssyncset.done @!p0 $0x0  }
0xac: {  	[sflag:s1] =	ssyncadd.s32 @!p0 $0xFFFFB000;
	s1 =	simm.s32 $0x0  }
0xad: {  	[tilespmem:s25], [sflag:$0x1] =	stream.indirect.gather [hbm4b:s6+s26], $0x40, s1, s26, $0xb8;
	[tilespmem:$0x1FB00] =	vst v63  }
0xae: {  	s8 =	simm.s32 $0x0  }
0xaf: {  	[tilespmem:s30], [sflag:$0x1] =	stream.indirect.gather [hbm4b:s6+s26], $0x40, s26, s26, $0xb8;
	[tilespmem:$0x1FB00] =	vst v63  }
.LBB2_8:
0xb0: {  	s9 =	sshll.u32 s8, $0x8;
	v4 =	vmov s1  }
0xb1: {  	v3 =	vmov s9;
	v4 =	vand.u32 $0x7F, v4  }
0xb2: {  	v4 =	vor.u32 v3, v4  }
0xb3: {  	v4 =	vbroadcast v4, $0x0;
	_ =	sdelay $0x1  }
0xb4: {  	_ =	swait.ge [sflag:s31], $0x2000  }
0xb5: {  	[sflag:s31] =	ssyncset.done $0x0  }
0xb6: {  	s9 =	simm.s32 $0x11820;
	[sflag:s31] =	ssyncadd.s32 $0xFFFFE000  }
0xb7: {  	v7 =	vld [tilespmem:s9+$0x10]  }
0xb8: {  	v5 =	vld.idx.msk [tilespmem:v4+s24+$0x0], $0xffff;
	_ =	sdelay $0x1  }
0xb9: {  	v6 =	vld [tilespmem:s9+$0xFFFFFFF0]  }
0xba: {  	s10 =	simm.s32 $0x1;
	v9 =	vld [tilespmem:s9+$0x0]  }
0xbb: {  	v4 =	vmov s10  }
0xbc: {  	v4 =	vand.u32 $0x7F, v4;
	v8 =	vmul.f32 v7, v5;
	v7 =	vld [tilespmem:s9+$0xFFFFFFE0]  }
0xbd: {  	v4 =	vor.u32 v3, v4  }
0xbe: {  	v4 =	vbroadcast v4, $0x0  }
0xbf: {  	s13 =	simm.s32 $0x2;
	s12 =	simm.s32 $0x11820;
	s10 =	sshll.u32 s8, $0x1;
	v6 =	vmul.f32 v6, v5;
	v9 =	vmul.f32 v9, v5  }
.LBB2_9:
0xc0: {  	p1 =	sne.s32 s13, $0x7F  }
0xc1: {  	v5 =	vmul.f32 v7, v5;
	[tilespmem:s9+$0x10] =	vst v8;
	s12 =	sadd.s32 $0x40, s12;
	s14 =	smov.u32 s13;
	s13 =	sadd.s32 $0x1, s13  }
0xc2: {  	[tilespmem:s9+$0x0] =	vst v9  }
0xc3: {  	[tilespmem:s9+$0xFFFFFFE0] =	vst v5  }
0xc4: {  	v9 =	vld [tilespmem:s12+$0xFFFFFFF0];
	[tilespmem:s9+$0xFFFFFFF0] =	vst v6;
	s9 =	smov.u32 s12  }
0xc5: {  	v5 =	vld.idx.msk [tilespmem:v4+s24+$0x0], $0xffff  }
0xc6: {  	v6 =	vld [tilespmem:s12+$0x10]  }
0xc7: {  	v10 =	vld [tilespmem:s12+$0x0]  }
.Ltmp5:
0xc8: {  	v4 =	vmov s14;
	v7 =	vld [tilespmem:s12+$0xFFFFFFE0];
	(pc) =	sbr.rel @p1 .LBB2_9-.Ltmp5, $4  }
0xc9: {  	v4 =	vand.u32 $0x7F, v4  }
0xca: {  	v4 =	vor.u32 v3, v4  }
0xcb: {  	v4 =	vbroadcast v4, $0x0;
	v8 =	vmul.f32 v6, v5  }
0xcc: {  	v6 =	vmul.f32 v9, v5;
	v9 =	vmul.f32 v10, v5  }
0xcd: {  	v3 =	vmul.f32 v7, v5;
	[tilespmem:s9+$0x10] =	vst v8  }
0xce: {  	[tilespmem:s9+$0x0] =	vst v9  }
0xcf: {  	s12 =	sadd.s32 $0x40, s12;
	[tilespmem:s9+$0xFFFFFFE0] =	vst v3  }
0xd0: {  	v3 =	vld [tilespmem:s12+$0xFFFFFFF0];
	[tilespmem:s9+$0xFFFFFFF0] =	vst v6  }
0xd1: {  	v4 =	vld.idx.msk [tilespmem:v4+s24+$0x0], $0xffff  }
0xd2: {  	v5 =	vld [tilespmem:s12+$0x10]  }
0xd3: {  	v6 =	vld [tilespmem:s12+$0x0]  }
0xd4: {  	v7 =	vld [tilespmem:s12+$0xFFFFFFE0];
	_ =	sdelay $0x2  }
0xd5: {  	v5 =	vmul.f32 v5, v4  }
0xd6: {  	v6 =	vmul.f32 v6, v4  }
0xd7: {  	v7 =	vmul.f32 v7, v4;
	[tilespmem:s12+$0x10] =	vst v5  }
0xd8: {  	s13 =	sshll.u32 s8, $0xA;
	v3 =	vmul.f32 v3, v4;
	[tilespmem:s12+$0x0] =	vst v6  }
0xd9: {  	s10 =	sor.u32 $0x1, s10;
	s16 =	simm.s32 $0x0;
	s9 =	sshrl.u32 s13, $0x2;
	[tilespmem:s12+$0xFFFFFFE0] =	vst v7  }
0xda: {  	s10 =	sshll.u32 s10, $0x7;
	s15 =	sadd.s32 $0x5000, s9;
	v4 =	vmov s16;
	[tilespmem:s12+$0xFFFFFFF0] =	vst v3  }
0xdb: {  	v4 =	vand.u32 $0x7F, v4;
	v3 =	vmov s10;
	[spmem:s2] =	stream.indirect.scatter.add.f32 [tilespmem:s25], [sflag:$0x2], $0x40, s15, s26, $0xb8;
	[tilespmem:$0x1FB00] =	vst v63  }
0xdc: {  	p1 =	seq.s32 s8, $0x4F;
	v4 =	vor.u32 v3, v4;
	_ =	swait.ge [sflag:s22], $0x2000  }
0xdd: {  	s14 =	simm.s32 @!p1 $0x11800;
	s12 =	sshrl.u32 @!p1 s13, $0x2;
	v4 =	vbroadcast v4, $0x0;
	[sflag:s22] =	ssyncset.done $0x0  }
0xde: {  	s13 =	simm.s32 @!p1 $0x80;
	s12 =	sadd.s32 @!p1 $0x100, s12;
	[sflag:s22] =	ssyncadd.s32 $0xFFFFE000  }
0xdf: {  	[tilespmem:s14], [sflag:$0x1] =	stream.indirect.gather @!p1 [hbm4b:s6+s13], $0x40, s12, s13, $0xb8;
	[tilespmem:$0x1FB00] =	vst v63  }
0xe0: {  	_ =	swait.ge [sflag:s31], $0x2000  }
0xe1: {  	[sflag:s31] =	ssyncset.done $0x0  }
0xe2: {  	[sflag:s31] =	ssyncadd.s32 $0xFFFFE000  }
0xe3: {  	s12 =	simm.s32 $0x13820;
	v5 =	vld.idx.msk [tilespmem:v4+s24+$0x0], $0xffff  }
0xe4: {  	v7 =	vld [tilespmem:s12+$0x10];
	_ =	sdelay $0x1  }
0xe5: {  	v6 =	vld [tilespmem:s12+$0xFFFFFFF0]  }
0xe6: {  	s23 =	simm.s32 $0x1;
	v9 =	vld [tilespmem:s12+$0x0]  }
0xe7: {  	v4 =	vmov s23  }
0xe8: {  	v4 =	vand.u32 $0x7F, v4;
	v8 =	vmul.f32 v7, v5;
	v7 =	vld [tilespmem:s12+$0xFFFFFFE0]  }
0xe9: {  	v4 =	vor.u32 v3, v4  }
0xea: {  	v4 =	vbroadcast v4, $0x0  }
0xeb: {  	s14 =	simm.s32 $0x2;
	s13 =	simm.s32 $0x13820;
	v6 =	vmul.f32 v6, v5;
	v9 =	vmul.f32 v9, v5  }
.LBB2_11:
0xec: {  	p2 =	sne.s32 s14, $0x7F  }
0xed: {  	v5 =	vmul.f32 v7, v5;
	[tilespmem:s12+$0x10] =	vst v8;
	s13 =	sadd.s32 $0x40, s13;
	s15 =	smov.u32 s14;
	s14 =	sadd.s32 $0x1, s14  }
0xee: {  	[tilespmem:s12+$0x0] =	vst v9  }
0xef: {  	[tilespmem:s12+$0xFFFFFFE0] =	vst v5  }
0xf0: {  	v9 =	vld [tilespmem:s13+$0xFFFFFFF0];
	[tilespmem:s12+$0xFFFFFFF0] =	vst v6;
	s12 =	smov.u32 s13  }
0xf1: {  	v5 =	vld.idx.msk [tilespmem:v4+s24+$0x0], $0xffff  }
0xf2: {  	v6 =	vld [tilespmem:s13+$0x10]  }
0xf3: {  	v10 =	vld [tilespmem:s13+$0x0]  }
.Ltmp6:
0xf4: {  	v4 =	vmov s15;
	v7 =	vld [tilespmem:s13+$0xFFFFFFE0];
	(pc) =	sbr.rel @p2 .LBB2_11-.Ltmp6, $4  }
0xf5: {  	v4 =	vand.u32 $0x7F, v4  }
0xf6: {  	v4 =	vor.u32 v3, v4  }
0xf7: {  	v4 =	vbroadcast v4, $0x0;
	v8 =	vmul.f32 v6, v5  }
0xf8: {  	v6 =	vmul.f32 v9, v5;
	v9 =	vmul.f32 v10, v5  }
0xf9: {  	v3 =	vmul.f32 v7, v5;
	[tilespmem:s12+$0x10] =	vst v8  }
0xfa: {  	[tilespmem:s12+$0x0] =	vst v9  }
0xfb: {  	s13 =	sadd.s32 $0x40, s13;
	[tilespmem:s12+$0xFFFFFFE0] =	vst v3  }
0xfc: {  	v3 =	vld [tilespmem:s13+$0xFFFFFFF0];
	[tilespmem:s12+$0xFFFFFFF0] =	vst v6  }
0xfd: {  	v4 =	vld.idx.msk [tilespmem:v4+s24+$0x0], $0xffff  }
0xfe: {  	v62 =	vld [tilespmem:s13+$0x10]  }
0xff: {  	v6 =	vld [tilespmem:s13+$0x0]  }
0x100: {  	v63 =	vld [tilespmem:s13+$0xFFFFFFE0];
	_ =	sdelay $0x2  }
0x101: {  	v5 =	vmul.f32 v62, v4  }
0x102: {  	v6 =	vmul.f32 v6, v4  }
0x103: {  	v7 =	vmul.f32 v63, v4;
	[tilespmem:s13+$0x10] =	vst v5  }
0x104: {  	v3 =	vmul.f32 v3, v4;
	[tilespmem:s13+$0x0] =	vst v6  }
0x105: {  	s10 =	sand.u32 $0x3FFFFF80, s10;
	[tilespmem:s13+$0xFFFFFFE0] =	vst v7  }
.Ltmp7:
0x106: {  	s10 =	sadd.s32 $0x5000, s10;
	[tilespmem:s13+$0xFFFFFFF0] =	vst v3;
	(pc) =	sbr.rel @p1 .LBB2_14-.Ltmp7, $4  }
0x107: {  	[spmem:s2] =	stream.indirect.scatter.add.f32 [tilespmem:s30], [sflag:$0x2], $0x40, s10, s26, $0xb8;
	[tilespmem:$0x1FB00] =	vst v63  }
0x108: {  	_ =	swait.ge [sflag:s22], $0x2000  }
0x109: {  	[sflag:s22] =	ssyncset.done $0x0  }
0x10a: {  	[sflag:s22] =	ssyncadd.s32 $0xFFFFE000  }
.Ltmp8:
0x10b: {  	(pc) =	sbr.rel .LBB2_8-.Ltmp8, $3  }
0x10c: {  	_ =	sdelay $0x1  }
0x10d: {  	s9 =	sadd.s32 $0x180, s9;
	s8 =	sadd.s32 $0x1, s8  }
0x10e: {  	[tilespmem:s30], [sflag:$0x1] =	stream.indirect.gather [hbm4b:s6+s26], $0x40, s9, s26, $0xb8;
	[tilespmem:$0x1FB00] =	vst v63  }
.LBB2_14:
0x10f: {  	s1 =	stileid.u32  }
0x110: {  	[bflag:$0x0] =	sbarrier.arrive $0xFFFF;
	s1 =	sshll.u32 s1, $0x6  }
0x111: {  	s8 =	rddreg [dreg:$0xb];
	s23 =	sor.u32 $0x1C02, s1;
	s1 =	sshrl.u32 s11, $0x3  }
0x112: {  	[hbm:s8], [sflag:s23] =	dma.local [spmem:s1], $0x1400  }
0x113: {  	_ =	swait.ge [sflag:s22], $0x1400  }
0x114: {  	[sflag:s22] =	ssyncset.done $0x0  }
0x115: {  	s9 =	simm.s32 $0x100;
	s8 =	simm.s32 $0x0;
	[sflag:s22] =	ssyncadd.s32 $0xFFFFEC00  }
.LBB2_15:
0x116: {  	p1 =	sne.s32 s9, $0x7F00;
	[tilespmem:s8+$0x11830] =	vst v1;
	s10 =	smov.u32 s9;
	s9 =	sadd.s32 $0x100, s9  }
.Ltmp9:
0x117: {  	[tilespmem:s8+$0x11820] =	vst v1;
	(pc) =	sbr.rel @p1 .LBB2_15-.Ltmp9, $3  }
0x118: {  	[tilespmem:s8+$0x11800] =	vst v1  }
0x119: {  	[tilespmem:s8+$0x11810] =	vst v1;
	_ =	sdelay $0x1  }
0x11a: {  	s8 =	sshra.s32 s10, $0x2  }
0x11b: {  	[tilespmem:s8+$0x11830] =	vst v1  }
0x11c: {  	[tilespmem:s8+$0x11820] =	vst v1  }
0x11d: {  	[tilespmem:s8+$0x11800] =	vst v1  }
0x11e: {  	[tilespmem:s8+$0x11810] =	vst v1  }
0x11f: {  	[spmem:s11] =	stream.linear.scatter [tilespmem:s25], [sflag:$0x2], $0x2000, $0x38;
	[tilespmem:$0x1FB00] =	vst v63  }
0x120: {  	_ =	swait.ge [sflag:s22], $0x2000  }
0x121: {  	[sflag:s22] =	ssyncset.done $0x0  }
0x122: {  	[sflag:s22] =	ssyncadd.s32 $0xFFFFE000  }
0x123: {  	[spmem:s18] =	stream.linear.scatter [tilespmem:s25], [sflag:$0x2], $0x2000, $0x38;
	[tilespmem:$0x1FB00] =	vst v63  }
0x124: {  	_ =	swait.ge [sflag:s22], $0x2000  }
0x125: {  	[sflag:s22] =	ssyncset.done $0x0  }
0x126: {  	[sflag:s22] =	ssyncadd.s32 $0xFFFFE000  }
0x127: {  	[spmem:s19] =	stream.linear.scatter [tilespmem:s25], [sflag:$0x2], $0x2000, $0x38;
	[tilespmem:$0x1FB00] =	vst v63  }
0x128: {  	_ =	swait.ge [sflag:s22], $0x2000  }
0x129: {  	[sflag:s22] =	ssyncset.done $0x0  }
0x12a: {  	[sflag:s22] =	ssyncadd.s32 $0xFFFFE000  }
0x12b: {  	[spmem:s20] =	stream.linear.scatter [tilespmem:s25], [sflag:$0x2], $0x2000, $0x38;
	[tilespmem:$0x1FB00] =	vst v63  }
0x12c: {  	_ =	swait.ge [sflag:s22], $0x2000  }
0x12d: {  	[sflag:s22] =	ssyncset.done $0x0  }
0x12e: {  	[sflag:s22] =	ssyncadd.s32 $0xFFFFE000  }
0x12f: {  	[spmem:s21] =	stream.linear.scatter [tilespmem:s25], [sflag:$0x2], $0x2000, $0x38;
	[tilespmem:$0x1FB00] =	vst v63  }
0x130: {  	_ =	swait.ge [sflag:s22], $0x2000  }
0x131: {  	[sflag:s22] =	ssyncset.done $0x0  }
0x132: {  	[sflag:s22] =	ssyncadd.s32 $0xFFFFE000  }
0x133: {  	s8 =	simm.s32 $0x0;
	[bflag:$0x0] =	sbarrier.arrive $0xFFFF  }
0x134: {  	[tilespmem:s25], [sflag:$0x1] =	stream.indirect.gather [hbm4b:s7+s26], $0x40, s8, s26, $0xb8;
	[tilespmem:$0x1FB00] =	vst v63  }
0x135: {  	s9 =	simm.s32 $0x0  }
0x136: {  	[tilespmem:s30], [sflag:$0x1] =	stream.indirect.gather [hbm4b:s7+s26], $0x40, s26, s26, $0xb8;
	[tilespmem:$0x1FB00] =	vst v63  }
.LBB2_17:
0x137: {  	s10 =	sshll.u32 s9, $0x8;
	v4 =	vmov s8  }
0x138: {  	v3 =	vmov s10;
	v4 =	vand.u32 $0x7F, v4  }
0x139: {  	v4 =	vor.u32 v3, v4  }
0x13a: {  	v4 =	vbroadcast v4, $0x0;
	_ =	sdelay $0x1  }
0x13b: {  	_ =	swait.ge [sflag:s31], $0x2000  }
0x13c: {  	[sflag:s31] =	ssyncset.done $0x0  }
0x13d: {  	s10 =	simm.s32 $0x11820;
	[sflag:s31] =	ssyncadd.s32 $0xFFFFE000  }
0x13e: {  	v7 =	vld [tilespmem:s10+$0x10]  }
0x13f: {  	v5 =	vld.idx.msk [tilespmem:v4+s24+$0x0], $0xffff;
	_ =	sdelay $0x1  }
0x140: {  	v6 =	vld [tilespmem:s10+$0xFFFFFFF0]  }
0x141: {  	s12 =	simm.s32 $0x1;
	v9 =	vld [tilespmem:s10+$0x0]  }
0x142: {  	v4 =	vmov s12  }
0x143: {  	v4 =	vand.u32 $0x7F, v4;
	v8 =	vmul.f32 v7, v5;
	v7 =	vld [tilespmem:s10+$0xFFFFFFE0]  }
0x144: {  	v4 =	vor.u32 v3, v4  }
0x145: {  	v4 =	vbroadcast v4, $0x0  }
0x146: {  	s14 =	simm.s32 $0x2;
	s13 =	simm.s32 $0x11820;
	s12 =	sshll.u32 s9, $0x1;
	v6 =	vmul.f32 v6, v5;
	v9 =	vmul.f32 v9, v5  }
.LBB2_18:
0x147: {  	p1 =	sne.s32 s14, $0x7F  }
0x148: {  	v5 =	vmul.f32 v7, v5;
	[tilespmem:s10+$0x10] =	vst v8;
	s13 =	sadd.s32 $0x40, s13;
	s15 =	smov.u32 s14;
	s14 =	sadd.s32 $0x1, s14  }
0x149: {  	[tilespmem:s10+$0x0] =	vst v9  }
0x14a: {  	[tilespmem:s10+$0xFFFFFFE0] =	vst v5  }
0x14b: {  	v9 =	vld [tilespmem:s13+$0xFFFFFFF0];
	[tilespmem:s10+$0xFFFFFFF0] =	vst v6;
	s10 =	smov.u32 s13  }
0x14c: {  	v5 =	vld.idx.msk [tilespmem:v4+s24+$0x0], $0xffff  }
0x14d: {  	v6 =	vld [tilespmem:s13+$0x10]  }
0x14e: {  	v10 =	vld [tilespmem:s13+$0x0]  }
.Ltmp10:
0x14f: {  	v4 =	vmov s15;
	v7 =	vld [tilespmem:s13+$0xFFFFFFE0];
	(pc) =	sbr.rel @p1 .LBB2_18-.Ltmp10, $4  }
0x150: {  	v4 =	vand.u32 $0x7F, v4  }
0x151: {  	v4 =	vor.u32 v3, v4  }
0x152: {  	v4 =	vbroadcast v4, $0x0;
	v8 =	vmul.f32 v6, v5  }
0x153: {  	v6 =	vmul.f32 v9, v5;
	v9 =	vmul.f32 v10, v5  }
0x154: {  	v3 =	vmul.f32 v7, v5;
	[tilespmem:s10+$0x10] =	vst v8  }
0x155: {  	[tilespmem:s10+$0x0] =	vst v9  }
0x156: {  	s13 =	sadd.s32 $0x40, s13;
	[tilespmem:s10+$0xFFFFFFE0] =	vst v3  }
0x157: {  	v3 =	vld [tilespmem:s13+$0xFFFFFFF0];
	[tilespmem:s10+$0xFFFFFFF0] =	vst v6  }
0x158: {  	v4 =	vld.idx.msk [tilespmem:v4+s24+$0x0], $0xffff  }
0x159: {  	v5 =	vld [tilespmem:s13+$0x10]  }
0x15a: {  	v6 =	vld [tilespmem:s13+$0x0]  }
0x15b: {  	v7 =	vld [tilespmem:s13+$0xFFFFFFE0];
	_ =	sdelay $0x2  }
0x15c: {  	v5 =	vmul.f32 v5, v4  }
0x15d: {  	v6 =	vmul.f32 v6, v4  }
0x15e: {  	v7 =	vmul.f32 v7, v4;
	[tilespmem:s13+$0x10] =	vst v5  }
0x15f: {  	s14 =	sshll.u32 s9, $0xA;
	v3 =	vmul.f32 v3, v4;
	[tilespmem:s13+$0x0] =	vst v6  }
0x160: {  	s12 =	sor.u32 $0x1, s12;
	s15 =	simm.s32 $0x0;
	s10 =	sshrl.u32 s14, $0x2;
	[tilespmem:s13+$0xFFFFFFE0] =	vst v7  }
0x161: {  	s12 =	sshll.u32 s12, $0x7;
	s16 =	sadd.s32 $0x5000, s10;
	v4 =	vmov s15;
	[tilespmem:s13+$0xFFFFFFF0] =	vst v3  }
0x162: {  	v4 =	vand.u32 $0x7F, v4;
	v3 =	vmov s12;
	[spmem:s2] =	stream.indirect.scatter.add.f32 [tilespmem:s25], [sflag:$0x2], $0x40, s16, s26, $0xb8;
	[tilespmem:$0x1FB00] =	vst v63  }
0x163: {  	p1 =	seq.s32 s9, $0x4F;
	v4 =	vor.u32 v3, v4;
	_ =	swait.ge [sflag:s22], $0x2000  }
0x164: {  	s15 =	simm.s32 @!p1 $0x11800;
	s13 =	sshrl.u32 @!p1 s14, $0x2;
	v4 =	vbroadcast v4, $0x0;
	[sflag:s22] =	ssyncset.done $0x0  }
0x165: {  	s14 =	simm.s32 @!p1 $0x80;
	s13 =	sadd.s32 @!p1 $0x100, s13;
	[sflag:s22] =	ssyncadd.s32 $0xFFFFE000  }
0x166: {  	[tilespmem:s15], [sflag:$0x1] =	stream.indirect.gather @!p1 [hbm4b:s7+s14], $0x40, s13, s14, $0xb8;
	[tilespmem:$0x1FB00] =	vst v63  }
0x167: {  	_ =	swait.ge [sflag:s31], $0x2000  }
0x168: {  	[sflag:s31] =	ssyncset.done $0x0  }
0x169: {  	[sflag:s31] =	ssyncadd.s32 $0xFFFFE000  }
0x16a: {  	s13 =	simm.s32 $0x13820;
	v5 =	vld.idx.msk [tilespmem:v4+s24+$0x0], $0xffff  }
0x16b: {  	v7 =	vld [tilespmem:s13+$0x10];
	_ =	sdelay $0x1  }
0x16c: {  	v6 =	vld [tilespmem:s13+$0xFFFFFFF0]  }
0x16d: {  	s16 =	simm.s32 $0x1;
	v9 =	vld [tilespmem:s13+$0x0]  }
0x16e: {  	v4 =	vmov s16  }
0x16f: {  	v4 =	vand.u32 $0x7F, v4;
	v8 =	vmul.f32 v7, v5;
	v7 =	vld [tilespmem:s13+$0xFFFFFFE0]  }
0x170: {  	v4 =	vor.u32 v3, v4  }
0x171: {  	v4 =	vbroadcast v4, $0x0  }
0x172: {  	s15 =	simm.s32 $0x2;
	s14 =	simm.s32 $0x13820;
	v6 =	vmul.f32 v6, v5;
	v9 =	vmul.f32 v9, v5  }
.LBB2_20:
0x173: {  	p2 =	sne.s32 s15, $0x7F  }
0x174: {  	v5 =	vmul.f32 v7, v5;
	[tilespmem:s13+$0x10] =	vst v8;
	s14 =	sadd.s32 $0x40, s14;
	s16 =	smov.u32 s15;
	s15 =	sadd.s32 $0x1, s15  }
0x175: {  	[tilespmem:s13+$0x0] =	vst v9  }
0x176: {  	[tilespmem:s13+$0xFFFFFFE0] =	vst v5  }
0x177: {  	v9 =	vld [tilespmem:s14+$0xFFFFFFF0];
	[tilespmem:s13+$0xFFFFFFF0] =	vst v6;
	s13 =	smov.u32 s14  }
0x178: {  	v5 =	vld.idx.msk [tilespmem:v4+s24+$0x0], $0xffff  }
0x179: {  	v6 =	vld [tilespmem:s14+$0x10]  }
0x17a: {  	v10 =	vld [tilespmem:s14+$0x0]  }
.Ltmp11:
0x17b: {  	v4 =	vmov s16;
	v7 =	vld [tilespmem:s14+$0xFFFFFFE0];
	(pc) =	sbr.rel @p2 .LBB2_20-.Ltmp11, $4  }
0x17c: {  	v4 =	vand.u32 $0x7F, v4  }
0x17d: {  	v4 =	vor.u32 v3, v4  }
0x17e: {  	v4 =	vbroadcast v4, $0x0;
	v8 =	vmul.f32 v6, v5  }
0x17f: {  	v6 =	vmul.f32 v9, v5;
	v9 =	vmul.f32 v10, v5  }
0x180: {  	v3 =	vmul.f32 v7, v5;
	[tilespmem:s13+$0x10] =	vst v8  }
0x181: {  	[tilespmem:s13+$0x0] =	vst v9  }
0x182: {  	s14 =	sadd.s32 $0x40, s14;
	[tilespmem:s13+$0xFFFFFFE0] =	vst v3  }
0x183: {  	v3 =	vld [tilespmem:s14+$0xFFFFFFF0];
	[tilespmem:s13+$0xFFFFFFF0] =	vst v6  }
0x184: {  	v4 =	vld.idx.msk [tilespmem:v4+s24+$0x0], $0xffff  }
0x185: {  	v62 =	vld [tilespmem:s14+$0x10]  }
0x186: {  	v6 =	vld [tilespmem:s14+$0x0]  }
0x187: {  	v63 =	vld [tilespmem:s14+$0xFFFFFFE0];
	_ =	sdelay $0x2  }
0x188: {  	v5 =	vmul.f32 v62, v4  }
0x189: {  	v6 =	vmul.f32 v6, v4  }
0x18a: {  	v7 =	vmul.f32 v63, v4;
	[tilespmem:s14+$0x10] =	vst v5  }
0x18b: {  	v3 =	vmul.f32 v3, v4;
	[tilespmem:s14+$0x0] =	vst v6  }
0x18c: {  	s12 =	sand.u32 $0x3FFFFF80, s12;
	[tilespmem:s14+$0xFFFFFFE0] =	vst v7  }
.Ltmp12:
0x18d: {  	s12 =	sadd.s32 $0x5000, s12;
	[tilespmem:s14+$0xFFFFFFF0] =	vst v3;
	(pc) =	sbr.rel @p1 .LBB2_23-.Ltmp12, $4  }
0x18e: {  	[spmem:s2] =	stream.indirect.scatter.add.f32 [tilespmem:s30], [sflag:$0x2], $0x40, s12, s26, $0xb8;
	[tilespmem:$0x1FB00] =	vst v63  }
0x18f: {  	_ =	swait.ge [sflag:s22], $0x2000  }
0x190: {  	[sflag:s22] =	ssyncset.done $0x0  }
0x191: {  	[sflag:s22] =	ssyncadd.s32 $0xFFFFE000  }
.Ltmp13:
0x192: {  	(pc) =	sbr.rel .LBB2_17-.Ltmp13, $3  }
0x193: {  	_ =	sdelay $0x1  }
0x194: {  	s10 =	sadd.s32 $0x180, s10;
	s9 =	sadd.s32 $0x1, s9  }
0x195: {  	[tilespmem:s30], [sflag:$0x1] =	stream.indirect.gather [hbm4b:s7+s26], $0x40, s10, s26, $0xb8;
	[tilespmem:$0x1FB00] =	vst v63  }
.LBB2_24:
0x196: {  	_ =	sfence.sel $0x180000  }
0x197: {  	[bflag:$0x0] =	sbarrier.arrive $0xFFFF  }
0x198: {  	_ =	strace $0x90000047  }
0x199: {  	s0 =	stileid.u32;
	[bflag:$0x2] =	sbarrier.arrive $0xFFFF  }
0x19a: {  	p0 =	sne.s32 s0, $0x0;
	s0 =	rddreg [dreg:$0x4]  }
0x19b: {  	s0 =	sadd.s32 @!p0 $0x100000, s0  }
0x19c: {  	[sflag:s0] =	ssyncadd.tile.s32 @!p0 $0x1;
	_ =	shalt  }
.Lfunc_end2:
_tile_overlayer_lowered:
.L_overlay_start_2:
0x19d: {  	(tag) =	ssettag $0x2  }
0x19e: {  	s0 =	rddreg [dreg:$0x0];
	s2 =	stileid.u32  }
0x19f: {  	s1 =	rddreg [dreg:$0x1];
	p0 =	sne.s32 s2, $0x0  }
0x1a0: {  	s3 =	rddreg [dreg:$0x2];
	[bflag:$0x3] =	sbarrier.arrive $0xFFFF;
	s2 =	simm.s32 @!p0 $0x1C02  }
0x1a1: {  	[timem:s3], [sflag:s2] =	dma.local @!p0 [hbm:s0], s1  }
0x1a2: {  	s0 =	simm.s32 @!p0 $0x2  }
0x1a3: {  	_ =	swait.ge @!p0 [sflag:s0], s1  }
0x1a4: {  	s1 =	ssub.s32 @!p0 $0x0, s1;
	[sflag:s0] =	ssyncset.done @!p0 $0x0  }
0x1a5: {  	[sflag:s0] =	ssyncadd.s32 @!p0 s1  }
0x1a6: {  	[bflag:$0x3] =	sbarrier.arrive $0xFFFF  }
0x1a7: {  	_ =	shalt  }

// kernel: kernel.9.cloned.1.call-start
scs
__scs_entry_jumppad:
0x0: {  	(pc) =	sbr.rel $0x88, $3  }
0x1: {  	(tag) =	ssettag $0x0;
	lr =	simm.s32 $0x1  }
0x2: {  	[smem:$0x3F91] =	sst lr;
	_ =	strace $0xD0000000  }
0x3: {  	_ = 	snop  }
0x4: {  	_ = 	snop  }
0x5: {  	_ = 	snop  }
0x6: {  	_ = 	snop  }
0x7: {  	_ = 	snop  }
__scs_overlays_trampoline_lowered:
0x8: {  	[smem:$0x3FA0] =	sst s0  }
0x9: {  	[smem:$0x3FA1] =	sst s1  }
0xa: {  	[smem:$0x3FA2] =	sst s2  }
0xb: {  	[smem:$0x3FA3] =	sst s3  }
0xc: {  	[smem:$0x3FA4] =	sst s4  }
0xd: {  	[smem:$0x3FA5] =	sst s5  }
0xe: {  	[smem:$0x3FA6] =	sst s6  }
0xf: {  	[smem:$0x3FA7] =	sst s7  }
0x10: {  	[smem:$0x3FA8] =	sst s8  }
0x11: {  	[smem:$0x3FA9] =	sst s9;
	s0 =	simm.s32 @!p0 $0x0  }
0x12: {  	s1 =	sld [smem:$0x3F8F];
	s0 =	simm.s32 @p0 $0x1  }
0x13: {  	[smem:$0x3FAA] =	sst s0;
	s0 =	simm.s32 @!p1 $0x0  }
0x14: {  	s2 =	sld [smem:$0x3F8E];
	s0 =	simm.s32 @p1 $0x1  }
0x15: {  	[smem:$0x3FAB] =	sst s0;
	s0 =	simm.s32 @!p2 $0x0  }
0x16: {  	s3 =	sld [smem:$0x3FDB];
	s0 =	simm.s32 @p2 $0x1  }
0x17: {  	s4 =	simm.s32 $0x1BF5;
	[smem:$0x3FAD] =	sst s0  }
0x18: {  	s0 =	sld [smem:$0x3F90];
	_ =	swait.ge [sflag:s4], $0x0  }
0x19: {  	s7 =	sld [smem:$0x3F91]  }
0x1a: {  	s8 =	sadd.s32 $0xFFFFE003, lr  }
0x1b: {  	s9 =	sadd.s32 $0xFFFFFEF7, lr;
	s5 =	simm.s32 $0xFFFFFFFF;
	p2 =	slt.u32 s8, $0xFFFFF086  }
0x1c: {  	p1 =	slt.u32 s9, $0xF7A;
	s5 =	simm.s32 @!p2 $0x0  }
0x1d: {  	s5 =	simm.s32 @p1 $0x1;
	p0 =	seq.s32 s7, s2  }
0x1e: {  	s7 =	smul.u32 @!p0 $0xF7A, s2;
	p2 =	seq.s32 @!p0 s5, $0x0  }
0x1f: {  	s9 =	smul.u32 $0xF7A, s1;
	s8 =	simm.s32 @!p0 $0x1BF5;
	p2 =	por !p2, p0  }
0x20: {  	[sflag:s8] =	ssyncset.s32 @!p0 $0xFFFFF086;
	s6 =	sadd.s32 @!p0 s3, s7;
	s7 =	simm.s32 @!p0 $0x108  }
0x21: {  	s3 =	sadd.s32 s3, s9;
	s6 =	sadd.s32 @!p0 $0x88, s6;
	s7 =	simm.s32 @p2 $0x1082  }
0x22: {  	[simem:s7], [sflag:s8] =	dma.local @!p0 [hbm:s6], $0xF7A  }
0x23: {  	s9 =	sor.u32 $0xD0000000, s2;
	s6 =	simm.s32 $0x108;
	_ =	swait.ge @!p0 [sflag:s8], $0x0  }
0x24: {  	s3 =	sadd.s32 $0x88, s3;
	s6 =	simm.s32 @!p1 $0x1082;
	[sflag:s4] =	ssyncset.s32 $0xFFFFF086  }
0x25: {  	[simem:s6], [sflag:s4] =	dma.local [hbm:s3], $0xF7A  }
0x26: {  	[smem:$0x3F91] =	sst s1;
	(tag) =	ssettag s2;
	_ =	strace s9  }
0x27: {  	s1 =	sld [smem:$0x3FA1]  }
0x28: {  	s2 =	sld [smem:$0x3FA2]  }
0x29: {  	s4 =	sld [smem:$0x3FA4]  }
0x2a: {  	p0 =	seq.s32 s5, $0x0;
	s5 =	sld [smem:$0x3FA5]  }
0x2b: {  	s6 =	sld [smem:$0x3FA6]  }
0x2c: {  	s7 =	sld [smem:$0x3FA7]  }
0x2d: {  	s3 =	simm.s32 $0x108;
	s8 =	sld [smem:$0x3FA8]  }
0x2e: {  	s3 =	simm.s32 @!p0 $0x1082;
	s9 =	sld [smem:$0x3FA9]  }
0x2f: {  	lr =	sadd.s32 s0, s3;
	s0 =	sld [smem:$0x3FA0]  }
0x30: {  	s3 =	sld [smem:$0x3FA3]  }
0x31: {  	[smem:$0x3FAC] =	sst s10  }
0x32: {  	s10 =	sld [smem:$0x3FAA];
	_ =	sdelay $0x3  }
0x33: {  	p0 =	seq.s32 s10, $0x1;
	s10 =	sld [smem:$0x3FAC];
	_ =	sdelay $0x3  }
0x34: {  	[smem:$0x3FAC] =	sst s10  }
0x35: {  	s10 =	sld [smem:$0x3FAB];
	_ =	sdelay $0x3  }
0x36: {  	p1 =	seq.s32 s10, $0x1;
	s10 =	sld [smem:$0x3FAC];
	_ =	sdelay $0x3  }
0x37: {  	[smem:$0x3FAC] =	sst s10  }
0x38: {  	s10 =	sld [smem:$0x3FAD]  }
0x39: {  	_ = 	snop;
	(pc) =	sbr.ind lr, $3  }
0x3a: {  	_ = 	snop  }
0x3b: {  	_ = 	snop  }
0x3c: {  	p2 =	seq.s32 s10, $0x1;
	s10 =	sld [smem:$0x3FAC]  }
0x3d: {  	_ =	shalt  }
0x3e: {  	_ =	shalt  }
0x3f: {  	_ =	shalt  }
0x40: {  	_ =	shalt  }
0x41: {  	_ =	shalt  }
0x42: {  	_ =	shalt  }
0x43: {  	_ =	shalt  }
0x44: {  	_ =	shalt  }
0x45: {  	_ =	shalt  }
0x46: {  	_ =	shalt  }
0x47: {  	_ =	shalt  }
0x48: {  	_ =	shalt  }
0x49: {  	_ =	shalt  }
0x4a: {  	_ =	shalt  }
0x4b: {  	_ =	shalt  }
0x4c: {  	_ =	shalt  }
0x4d: {  	_ =	shalt  }
0x4e: {  	_ =	shalt  }
0x4f: {  	_ =	shalt  }
0x50: {  	_ =	shalt  }
0x51: {  	_ =	shalt  }
0x52: {  	_ =	shalt  }
0x53: {  	_ =	shalt  }
0x54: {  	_ =	shalt  }
0x55: {  	_ =	shalt  }
0x56: {  	_ =	shalt  }
0x57: {  	_ =	shalt  }
0x58: {  	_ =	shalt  }
0x59: {  	_ =	shalt  }
0x5a: {  	_ =	shalt  }
0x5b: {  	_ =	shalt  }
0x5c: {  	_ =	shalt  }
0x5d: {  	_ =	shalt  }
0x5e: {  	_ =	shalt  }
0x5f: {  	_ =	shalt  }
0x60: {  	_ =	shalt  }
0x61: {  	_ =	shalt  }
0x62: {  	_ =	shalt  }
0x63: {  	_ =	shalt  }
0x64: {  	_ =	shalt  }
0x65: {  	_ =	shalt  }
0x66: {  	_ =	shalt  }
0x67: {  	_ =	shalt  }
0x68: {  	_ =	shalt  }
0x69: {  	_ =	shalt  }
0x6a: {  	_ =	shalt  }
0x6b: {  	_ =	shalt  }
0x6c: {  	_ =	shalt  }
0x6d: {  	_ =	shalt  }
0x6e: {  	_ =	shalt  }
0x6f: {  	_ =	shalt  }
0x70: {  	_ =	shalt  }
0x71: {  	_ =	shalt  }
0x72: {  	_ =	shalt  }
0x73: {  	_ =	shalt  }
0x74: {  	_ =	shalt  }
0x75: {  	_ =	shalt  }
0x76: {  	_ =	shalt  }
0x77: {  	_ =	shalt  }
0x78: {  	_ =	shalt  }
0x79: {  	_ =	shalt  }
0x7a: {  	_ =	shalt  }
0x7b: {  	_ =	shalt  }
0x7c: {  	_ =	shalt  }
0x7d: {  	_ =	shalt  }
0x7e: {  	_ =	shalt  }
0x7f: {  	_ =	shalt  }
0x80: {  	_ =	shalt  }
0x81: {  	_ =	shalt  }
0x82: {  	_ =	shalt  }
0x83: {  	_ =	shalt  }
0x84: {  	_ =	shalt  }
0x85: {  	_ =	shalt  }
0x86: {  	_ =	shalt  }
0x87: {  	_ =	shalt  }
.Lfunc_end0:
.L_simem_size_0:
called_computation.1_lowered:
.L_overlay_start_0:
0x88: {  	s2 =	sld [smem:$0x3FD9]  }
0x89: {  	s3 =	sld [smem:$0x3FFE];
	_ =	sdelay $0x1  }
0x8a: {  	s1 =	srdreg.scid  }
0x8b: {  	s0 =	sand.u32 $0x1, s1  }
0x8c: {  	s17 =	sshll.u32 s0, $0xA;
	s2 =	sadd.s32 s3, s2  }
0x8d: {  	s2 =	sadd.s32 s2, s17  }
0x8e: {  	[smem:$0x3FB8] =	sst s2  }
0x8f: {  	_ = 	snop  }
0x90: {  	s2 =	sld [smem:$0x3FD0];
	(tm) =	ssettm $0x1  }
0x91: {  	s18 =	sld [smem:$0x3FFB];
	_ =	sdelay $0x3  }
0x92: {  	_ =	strace s18  }
0x93: {  	s3 =	sld [smem:$0x3FFC];
	_ =	sdelay $0x3  }
0x94: {  	_ =	strace s3  }
0x95: {  	s3 =	sld [smem:$0x3FFD];
	_ =	sdelay $0x3  }
0x96: {  	_ =	strace s3  }
0x97: {  	_ =	strace $0x8FFFFFFF  }
0x98: {  	s19 =	sld [smem:$0x3FDB];
	_ =	sdelay $0x1  }
0x99: {  	s4 =	simm.s32 $_scs_section_size  }
0x9a: {  	s5 =	simm.s32 $_size__tile_overlayer_lowered;
	s6 =	simm.s32 $_tile_overlayer_lowered  }
0x9b: {  	s22 =	simm.s32 $0x1BFF;
	s21 =	sshll.u32 s6, $0x1;
	s3 =	sadd.s32 s4, s19  }
0x9c: {  	s7 =	simm.s32 $0x0;
	s20 =	sshll.u32 s5, $0x1;
	s5 =	sadd.s32 s21, s3  }
0x9d: {  	[timem:s7], [sflag:s22] =	dma.local [hbm:s5], s20  }
0x9e: {  	_ =	swait.ge [sflag:s22], s20  }
0x9f: {  	s4 =	ssub.s32 $0x0, s20;
	[sflag:s22] =	ssyncset.done $0x0  }
0xa0: {  	[sflag:s22] =	ssyncadd.s32 s4;
	_ =	sdelay $0x1  }
0xa1: {  	s23 =	simm.s32 $0x1B8B  }
0xa2: {  	_ =	swait.ge [sflag:s23], $0x1  }
0xa3: {  	[sflag:s23] =	ssyncset.done $0x0  }
0xa4: {  	s25 =	simm.s32 $0x1B8E;
	s24 =	sld [smem:$0x3FFE];
	[sflag:s23] =	ssyncadd.s32 $0xFFFFFFFF  }
0xa5: {  	s26 =	simm.s32 $execute0_lowered;
	[smem:$0x3FD2] =	sst s25  }
0xa6: {  	s5 =	sshll.u32 s26, $0x1;
	_ =	strace $0x80000049;
	[dreg:$0x1] =	wrdreg $0xFFFFFFFF  }
0xa7: {  	s28 =	simm.s32 $_size_execute0_lowered;
	s3 =	sadd.s32 s3, s5;
	[dreg:$0x0] =	wrdreg $0x0  }
0xa8: {  	s5 =	sshll.u32 s28, $0x1;
	[dreg:$0x2] =	wrdreg s3  }
0xa9: {  	[dreg:$0x3] =	wrdreg s5  }
0xaa: {  	[dreg:$0x4] =	wrdreg $0xC0  }
0xab: {  	_ =	task [dreg:s7], $0x5FFFF  }
0xac: {  	[dreg:$0x1] =	wrdreg $0xFFFFFFFF  }
0xad: {  	[dreg:$0x0] =	wrdreg $0x60  }
0xae: {  	[dreg:$0x2] =	wrdreg s24  }
0xaf: {  	[dreg:$0x3] =	wrdreg s2  }
0xb0: {  	[dreg:$0x4] =	wrdreg $0x130000  }
0xb1: {  	[dreg:$0x5] =	wrdreg $0x9  }
0xb2: {  	_ =	task.clear_ibuf [dreg:s7], $0x6FFFF;
	_ =	strace $0x90000049  }
0xb3: {  	s29 =	simm.s32 $0x9;
	_ =	strace $0x8000004B  }
0xb4: {  	_ =	swait.ge [sflag:s29], $0x1  }
0xb5: {  	[sflag:s29] =	ssyncadd.s32 $0xFFFFFFFF  }
0xb6: {  	_ =	strace $0x9000004B  }
0xb7: {  	_ =	sfence  }
0xb8: {  	s30 =	sld [smem:$0x0];
	_ =	sdelay $0x2  }
0xb9: {  	s31 =	sshll.u32 s1, $0xD;
	s1 =	sshrl.u32 s1, $0x2  }
0xba: {  	s3 =	sand.u32 $0x4000, s31;
	s1 =	sadd.s32 s1, s30  }
0xbb: {  	s0 =	sor.u32 s3, s0;
	s1 =	sshll.u32 s1, $0x11  }
0xbc: {  	s0 =	sor.u32 s1, s0  }
0xbd: {  	s0 =	sadd.s32 $0x8F2B, s0  }
0xbe: {  	[sflag:s0] =	ssyncadd.remote.s32 $0x1  }
0xbf: {  	_ =	sfence.sel $0xFFFF  }
0xc0: {  	[dreg:$0x0] =	wrdreg $0xFFFFFFFF;
	(pc) =	sbr.abs _section_cstart, $3  }
0xc1: {  	[dreg:$0x1] =	wrdreg $0xFFFFFFFF  }
0xc2: {  	_ =	task.clear_ibuf [dreg:s7], $0x2FFFF;
	_ =	strace $0x9FFFFFFF  }
0xc3: {  	(tm) =	ssettm $0x7FFFFFFF  }
tec
execute0_lowered:
.L_overlay_start_1:
0x0: {  	(tag) =	ssettag $0x1  }
0x1: {  	s0 =	rddreg [dreg:$0x0]  }
0x2: {  	s1 =	rddreg [dreg:$0x1]  }
0x3: {  	s2 =	rddreg [dreg:$0x2];
	s11 =	stileid.u32  }
0x4: {  	s4 =	srdreg.scid;
	s3 =	simm.s32 $0x0;
	s17 =	simm.s32 $0x3  }
0x5: {  	s19 =	simm.s32 $0xA000;
	s20 =	simm.s32 $0xF000;
	s6 =	smul.u32 $0xA00, s11  }
0x6: {  	s21 =	simm.s32 $0x80;
	s22 =	simm.s32 $0x10000;
	s7 =	smul.u32 $0x280, s11  }
0x7: {  	s28 =	simm.s32 $0x0;
	s5 =	sand.u32 $0x1, s4;
	s11 =	smul.u32 $0x14000, s11  }
0x8: {  	[smem:$0x7FF] =	sst s3;
	s4 =	sadd.s32 $0x54C00, s0;
	s8 =	smul.u32 $0x2800, s5  }
0x9: {  	_ =	strace $0x8000004A;
	s10 =	ssub.s32 $0x2, s5;
	s5 =	sadd.s32 $0x86C00, s0  }
0xa: {  	s9 =	sadd.s32 s6, s0;
	s12 =	sshrl.u32 s10, $0x1;
	s1 =	sadd.s32 s1, s6  }
0xb: {  	s23 =	sshrl.u32 s11, $0x2;
	s7 =	sadd.s32 s7, s8;
	s10 =	ssub.s32 s10, s12  }
0xc: {  	[dreg:$0x4] =	wrdreg s1;
	s24 =	sadd.s32 $0x7CC00, s9;
	s25 =	sadd.s32 $0xE0C00, s9  }
0xd: {  	s9 =	sadd.s32 s23, s2;
	s23 =	simm.s32 $0x1;
	[dreg:$0x5] =	wrdreg s24  }
0xe: {  	s7 =	sshll.u32 s7, $0x2;
	[dreg:$0x6] =	wrdreg s25;
	s29 =	smax.u32 s10, $0x1  }
.Ltmp0:
0xf: {  	s13 =	sadd.s32 $0x1000, s9;
	s31 =	sadd.s32 $0x2000, s9;
	(pc) =	sbr.rel .LBB2_1-.Ltmp0, $4  }
0x10: {  	s30 =	sadd.s32 $0x3000, s9;
	s16 =	sadd.s32 $0x4000, s9;
	[dreg:$0x9] =	wrdreg s29  }
0x11: {  	s0 =	sadd.s32 s7, s0;
	s26 =	sadd.s32 s5, s7;
	[dreg:$0xa] =	wrdreg s30  }
0x12: {  	s24 =	simm.s32 $0x11000;
	[dreg:$0x7] =	wrdreg s26;
	s0 =	sadd.s32 $0x68C00, s0  }
0x13: {  	v1 =	vimm.f32 $0.0e+00;
	v0 =	vmov s8;
	s25 =	simm.s32 $0x12000;
	s26 =	simm.s32 $0x2;
	[dreg:$0x8] =	wrdreg s0  }
.LBB2_29:
0x14: {  	_ =	swait.ge [sflag:s26], $0x1000  }
0x15: {  	[sflag:s26] =	ssyncset.done $0x0  }
0x16: {  	[sflag:s26] =	ssyncadd.s32 $0xFFFFF000  }
0x17: {  	_ =	swait.ge [sflag:s26], $0x1000  }
0x18: {  	[sflag:s26] =	ssyncset.done $0x0  }
0x19: {  	[sflag:s26] =	ssyncadd.s32 $0xFFFFF000  }
0x1a: {  	_ =	swait.ge [sflag:s26], $0x1000  }
0x1b: {  	[sflag:s26] =	ssyncset.done $0x0  }
0x1c: {  	[sflag:s26] =	ssyncadd.s32 $0xFFFFF000  }
0x1d: {  	[bflag:$0x0] =	sbarrier.arrive $0xFFFF  }
0x1e: {  	s0 =	rddreg [dreg:$0x8]  }
0x1f: {  	[hbm:s0], [sflag:s29] =	dma.local [spmem:s30], $0xA00  }
0x20: {  	_ =	swait.ge [sflag:s17], $0xA00  }
0x21: {  	s28 =	sadd.s32 $0x1, s28;
	s30 =	rddreg [dreg:$0x9]  }
0x22: {  	p0 =	sne.s32 s28, s30  }
.Ltmp1:
0x23: {  	_ = 	snop;
	(pc) =	sbr.rel @!p0 .LBB2_30-.Ltmp1, $3  }
0x24: {  	_ =	sdelay $0x1  }
0x25: {  	[sflag:s17] =	ssyncset.done $0x0  }
0x26: {  	s13 =	smov.u32 s14;
	s31 =	smov.u32 s15;
	[sflag:s17] =	ssyncadd.s32 $0xFFFFF600  }
.LBB2_1:
0x27: {  	s0 =	rddreg [dreg:$0x4]  }
0x28: {  	[tilespmem:s3], [sflag:$0x3] =	stream.linear.gather [hbm4b:s0+s3], $0x5000, $0x38;
	[tilespmem:$0x18000] =	vst v63  }
0x29: {  	_ =	swait.ge [sflag:s17], $0x5000  }
0x2a: {  	[sflag:s17] =	ssyncset.done $0x0  }
0x2b: {  	s1 =	simm.s32 $0x5000;
	s15 =	rddreg [dreg:$0x5];
	[sflag:s17] =	ssyncadd.s32 $0xFFFFB000  }
0x2c: {  	[tilespmem:s1], [sflag:$0x3] =	stream.linear.gather [hbm4b:s15+s3], $0x5000, $0x38;
	[tilespmem:$0x18000] =	vst v63  }
0x2d: {  	_ =	swait.ge [sflag:s17], $0x5000  }
0x2e: {  	[sflag:s17] =	ssyncset.done $0x0  }
0x2f: {  	s18 =	rddreg [dreg:$0x6];
	[sflag:s17] =	ssyncadd.s32 $0xFFFFB000  }
0x30: {  	[tilespmem:s19], [sflag:$0x3] =	stream.linear.gather [hbm4b:s18+s3], $0x5000, $0x38;
	[tilespmem:$0x18000] =	vst v63  }
0x31: {  	s29 =	sand.u32 $0x1FE00, s3;
	_ =	swait.ge [sflag:s17], $0x5000  }
0x32: {  	s30 =	sand.u32 $0x70, s3;
	s0 =	sshrl.u32 s29, $0x2;
	[sflag:s17] =	ssyncset.done $0x0  }
0x33: {  	s0 =	sor.u32 s30, s0;
	[sflag:s17] =	ssyncadd.s32 $0xFFFFB000  }
0x34: {  	v2 =	vld [tilespmem:s0+$0x0];
	_ =	sdelay $0x2  }
0x35: {  	s6 =	simm.s32 $0x40  }
0x36: {  	s7 =	sand.u32 $0x1FE00, s6;
	s6 =	simm.s32 $0x80;
	s1 =	simm.s32 $0x10  }
.LBB2_2:
0x37: {  	p0 =	sne.s32 s6, $0x13FC0;
	s8 =	sand.u32 $0x70, s1;
	s7 =	sshrl.u32 s7, $0x2;
	v2 =	vadd.s32 v0, v2  }
0x38: {  	[tilespmem:s0+$0x0] =	vst v2;
	s0 =	sor.u32 s8, s7  }
.Ltmp2:
0x39: {  	v2 =	vld [tilespmem:s0+$0x0];
	(pc) =	sbr.rel @p0 .LBB2_2-.Ltmp2, $2  }
0x3a: {  	_ =	sdelay $0x2  }
0x3b: {  	s1 =	sadd.s32 $0x10, s1;
	s7 =	sand.u32 $0x1FE00, s6;
	s6 =	sadd.s32 $0x40, s6  }
0x3c: {  	s1 =	sand.u32 $0x70, s1;
	s6 =	sshrl.u32 s7, $0x2;
	v2 =	vadd.s32 v0, v2  }
0x3d: {  	s1 =	sor.u32 s1, s6;
	[tilespmem:s0+$0x0] =	vst v2  }
0x3e: {  	v2 =	vld [tilespmem:s1+$0x0];
	_ =	sdelay $0x4  }
0x3f: {  	v2 =	vadd.s32 v0, v2  }
0x40: {  	s0 =	simm.s32 $0x80;
	[tilespmem:s1+$0x0] =	vst v2;
	s1 =	simm.s32 $0x0  }
.LBB2_4:
0x41: {  	p0 =	sne.s32 s0, $0x3F80;
	[tilespmem:s1+$0xF000] =	vst v1;
	s6 =	smov.u32 s0;
	s0 =	sadd.s32 $0x80, s0  }
.Ltmp3:
0x42: {  	[tilespmem:s1+$0xF010] =	vst v1;
	(pc) =	sbr.rel @p0 .LBB2_4-.Ltmp3, $2  }
0x43: {  	_ =	sdelay $0x2  }
0x44: {  	s1 =	sshra.s32 s6, $0x2  }
0x45: {  	[tilespmem:s1+$0xF000] =	vst v1  }
0x46: {  	[tilespmem:s1+$0xF010] =	vst v1  }
0x47: {  	[spmem:s9] =	stream.linear.scatter [tilespmem:s20], [sflag:$0x3], $0x1000, $0x38;
	[tilespmem:$0x18000] =	vst v63  }
0x48: {  	_ =	swait.ge [sflag:s17], $0x1000  }
0x49: {  	[sflag:s17] =	ssyncset.done $0x0  }
0x4a: {  	[sflag:s17] =	ssyncadd.s32 $0xFFFFF000  }
0x4b: {  	[spmem:s13] =	stream.linear.scatter [tilespmem:s20], [sflag:$0x3], $0x1000, $0x38;
	[tilespmem:$0x18000] =	vst v63  }
0x4c: {  	_ =	swait.ge [sflag:s17], $0x1000  }
0x4d: {  	[sflag:s17] =	ssyncset.done $0x0  }
0x4e: {  	[sflag:s17] =	ssyncadd.s32 $0xFFFFF000  }
0x4f: {  	[spmem:s31] =	stream.linear.scatter [tilespmem:s20], [sflag:$0x3], $0x1000, $0x38;
	[tilespmem:$0x18000] =	vst v63  }
0x50: {  	_ =	swait.ge [sflag:s17], $0x1000  }
0x51: {  	[sflag:s17] =	ssyncset.done $0x0  }
0x52: {  	s0 =	rddreg [dreg:$0xa];
	[sflag:s17] =	ssyncadd.s32 $0xFFFFF000  }
0x53: {  	[spmem:s0] =	stream.linear.scatter [tilespmem:s20], [sflag:$0x3], $0x1000, $0x38;
	[tilespmem:$0x18000] =	vst v63  }
0x54: {  	_ =	swait.ge [sflag:s17], $0x1000  }
0x55: {  	[sflag:s17] =	ssyncset.done $0x0  }
0x56: {  	[sflag:s17] =	ssyncadd.s32 $0xFFFFF000  }
0x57: {  	[spmem:s16] =	stream.linear.scatter [tilespmem:s20], [sflag:$0x3], $0x1000, $0x38;
	[tilespmem:$0x18000] =	vst v63  }
0x58: {  	_ =	swait.ge [sflag:s17], $0x1000  }
0x59: {  	[sflag:s17] =	ssyncset.done $0x0  }
0x5a: {  	[sflag:s17] =	ssyncadd.s32 $0xFFFFF000  }
0x5b: {  	s29 =	simm.s32 $0x0;
	[bflag:$0x0] =	sbarrier.arrive $0xFFFF  }
0x5c: {  	[tilespmem:s20], [sflag:$0x1] =	stream.indirect.gather [hbm4b:s4+s21], $0x20, s29, s21, $0xb8;
	[tilespmem:$0x18000] =	vst v63  }
0x5d: {  	s30 =	simm.s32 $0x0  }
0x5e: {  	[tilespmem:s22], [sflag:$0x1] =	stream.indirect.gather [hbm4b:s4+s21], $0x20, s21, s21, $0xb8;
	[tilespmem:$0x18000] =	vst v63  }
.LBB2_6:
0x5f: {  	s0 =	sshll.u32 s30, $0x9;
	v3 =	vmov s29  }
0x60: {  	v2 =	vmov s0;
	v3 =	vand.u32 $0x7F, v3  }
0x61: {  	v3 =	vor.u32 v2, v3  }
0x62: {  	v4 =	vbroadcast v3, $0x0  }
0x63: {  	_ =	swait.ge [sflag:s23], $0x1000  }
0x64: {  	[sflag:s23] =	ssyncset.done $0x0  }
0x65: {  	s0 =	simm.s32 $0xF010;
	[sflag:s23] =	ssyncadd.s32 $0xFFFFF000  }
0x66: {  	v3 =	vld [tilespmem:s0+$0xFFFFFFF0]  }
0x67: {  	s6 =	simm.s32 $0x1;
	v5 =	vld [tilespmem:s0+$0x0]  }
0x68: {  	s1 =	sshll.u32 s30, $0x2;
	s7 =	simm.s32 $0x2;
	v6 =	vmov s6;
	s6 =	simm.s32 $0xF010;
	v4 =	vld.idx.msk [tilespmem:v4+s19+$0x0], $0xffff  }
.LBB2_7:
0x69: {  	p0 =	sne.s32 s7, $0x7F;
	v6 =	vand.u32 $0x7F, v6  }
0x6a: {  	v6 =	vor.u32 v2, v6  }
0x6b: {  	v6 =	vbroadcast v6, $0x0;
	_ =	sdelay $0x1  }
0x6c: {  	v3 =	vmul.f32 v3, v4;
	v4 =	vmul.f32 v5, v4  }
.Ltmp4:
0x6d: {  	(pc) =	sbr.rel @p0 .LBB2_7-.Ltmp4, $4  }
0x6e: {  	s6 =	sadd.s32 $0x20, s6;
	[tilespmem:s0+$0xFFFFFFF0] =	vst v3  }
0x6f: {  	v3 =	vld [tilespmem:s6+$0xFFFFFFF0];
	[tilespmem:s0+$0x0] =	vst v4;
	s0 =	smov.u32 s6  }
0x70: {  	v4 =	vld.idx.msk [tilespmem:v6+s19+$0x0], $0xffff  }
0x71: {  	v6 =	vmov s7;
	s7 =	sadd.s32 $0x1, s7;
	v5 =	vld [tilespmem:s6+$0x0]  }
0x72: {  	v6 =	vand.u32 $0x7F, v6  }
0x73: {  	v2 =	vor.u32 v2, v6  }
0x74: {  	v2 =	vbroadcast v2, $0x0;
	_ =	sdelay $0x1  }
0x75: {  	v3 =	vmul.f32 v3, v4  }
0x76: {  	v4 =	vmul.f32 v5, v4  }
0x77: {  	s6 =	sadd.s32 $0x20, s6;
	[tilespmem:s0+$0xFFFFFFF0] =	vst v3  }
0x78: {  	v3 =	vld [tilespmem:s6+$0xFFFFFFF0];
	[tilespmem:s0+$0x0] =	vst v4  }
0x79: {  	v2 =	vld.idx.msk [tilespmem:v2+s19+$0x0], $0xffff  }
0x7a: {  	v4 =	vld [tilespmem:s6+$0x0];
	_ =	sdelay $0x3  }
0x7b: {  	v3 =	vmul.f32 v3, v2  }
0x7c: {  	s18 =	sshll.u32 s30, $0xB;
	p0 =	seq.s32 s30, $0x0;
	v2 =	vmul.f32 v4, v2  }
0x7d: {  	s14 =	sor.u32 $0x1, s1;
	s7 =	simm.s32 $0x0;
	s0 =	sshrl.u32 s18, $0x2;
	[tilespmem:s6+$0xFFFFFFF0] =	vst v3  }
0x7e: {  	s10 =	simm.s32 @!p0 $0x2;
	s8 =	sshll.u32 s14, $0x7;
	s12 =	sadd.s32 $0x5000, s0;
	[tilespmem:s6+$0x0] =	vst v2  }
0x7f: {  	v3 =	vmov s7;
	[spmem:s2] =	stream.indirect.scatter.add.f32 [tilespmem:s20], [sflag:$0x2], $0x20, s12, s21, $0xb8;
	[tilespmem:$0x18000] =	vst v63  }
0x80: {  	s7 =	sor.u32 $0x2, s1;
	v2 =	vmov s8;
	v3 =	vand.u32 $0x7F, v3;
	_ =	swait.ge @!p0 [sflag:s10], $0x1000  }
0x81: {  	s15 =	sshll.u32 s7, $0x9;
	v3 =	vor.u32 v2, v3;
	[sflag:s10] =	ssyncset.done @!p0 $0x0  }
0x82: {  	s6 =	sshrl.u32 s15, $0x2;
	v4 =	vbroadcast v3, $0x0;
	[sflag:s10] =	ssyncadd.s32 @!p0 $0xFFFFF000  }
0x83: {  	[tilespmem:s24], [sflag:$0x1] =	stream.indirect.gather [hbm4b:s4+s21], $0x20, s6, s21, $0xb8;
	[tilespmem:$0x18000] =	vst v63  }
0x84: {  	_ =	swait.ge [sflag:s23], $0x1000  }
0x85: {  	[sflag:s23] =	ssyncset.done $0x0  }
0x86: {  	s10 =	simm.s32 $0x10010;
	[sflag:s23] =	ssyncadd.s32 $0xFFFFF000  }
0x87: {  	v3 =	vld [tilespmem:s10+$0xFFFFFFF0]  }
0x88: {  	s11 =	simm.s32 $0x1;
	v4 =	vld.idx.msk [tilespmem:v4+s19+$0x0], $0xffff  }
0x89: {  	v6 =	vmov s11;
	s11 =	simm.s32 $0x10010;
	s12 =	simm.s32 $0x2;
	v5 =	vld [tilespmem:s10+$0x0]  }
.LBB2_9:
0x8a: {  	p1 =	sne.s32 s12, $0x7F;
	v6 =	vand.u32 $0x7F, v6  }
0x8b: {  	v6 =	vor.u32 v2, v6  }
0x8c: {  	v6 =	vbroadcast v6, $0x0;
	_ =	sdelay $0x1  }
0x8d: {  	v3 =	vmul.f32 v3, v4;
	v4 =	vmul.f32 v5, v4  }
.Ltmp5:
0x8e: {  	(pc) =	sbr.rel @p1 .LBB2_9-.Ltmp5, $4  }
0x8f: {  	s11 =	sadd.s32 $0x20, s11;
	[tilespmem:s10+$0xFFFFFFF0] =	vst v3  }
0x90: {  	v3 =	vld [tilespmem:s11+$0xFFFFFFF0];
	[tilespmem:s10+$0x0] =	vst v4;
	s10 =	smov.u32 s11  }
0x91: {  	v4 =	vld.idx.msk [tilespmem:v6+s19+$0x0], $0xffff  }
0x92: {  	v6 =	vmov s12;
	s12 =	sadd.s32 $0x1, s12;
	v5 =	vld [tilespmem:s11+$0x0]  }
0x93: {  	v6 =	vand.u32 $0x7F, v6  }
0x94: {  	v2 =	vor.u32 v2, v6  }
0x95: {  	v2 =	vbroadcast v2, $0x0;
	_ =	sdelay $0x1  }
0x96: {  	v3 =	vmul.f32 v3, v4  }
0x97: {  	v4 =	vmul.f32 v5, v4  }
0x98: {  	s11 =	sadd.s32 $0x20, s11;
	[tilespmem:s10+$0xFFFFFFF0] =	vst v3  }
0x99: {  	v3 =	vld [tilespmem:s11+$0xFFFFFFF0];
	[tilespmem:s10+$0x0] =	vst v4  }
0x9a: {  	v2 =	vld.idx.msk [tilespmem:v2+s19+$0x0], $0xffff  }
0x9b: {  	v4 =	vld [tilespmem:s11+$0x0];
	_ =	sdelay $0x3  }
0x9c: {  	v3 =	vmul.f32 v3, v2  }
0x9d: {  	v2 =	vmul.f32 v4, v2  }
0x9e: {  	s8 =	sand.u32 $0x3FFFFF80, s8;
	s12 =	simm.s32 $0x0;
	[tilespmem:s11+$0xFFFFFFF0] =	vst v3  }
0x9f: {  	s14 =	sshll.u32 s7, $0x7;
	s8 =	sadd.s32 $0x5000, s8;
	s10 =	simm.s32 @!p0 $0x2;
	[tilespmem:s11+$0x0] =	vst v2  }
0xa0: {  	v3 =	vmov s12;
	[spmem:s2] =	stream.indirect.scatter.add.f32 [tilespmem:s22], [sflag:$0x2], $0x20, s8, s21, $0xb8;
	[tilespmem:$0x18000] =	vst v63  }
0xa1: {  	s7 =	sor.u32 $0x3, s1;
	v2 =	vmov s14;
	v3 =	vand.u32 $0x7F, v3;
	_ =	swait.ge @!p0 [sflag:s10], $0x1000  }
0xa2: {  	s1 =	sshll.u32 s7, $0x9;
	v3 =	vor.u32 v2, v3;
	[sflag:s10] =	ssyncset.done @!p0 $0x0  }
0xa3: {  	s1 =	sshrl.u32 s1, $0x2;
	v4 =	vbroadcast v3, $0x0;
	[sflag:s10] =	ssyncadd.s32 @!p0 $0xFFFFF000  }
0xa4: {  	[tilespmem:s25], [sflag:$0x1] =	stream.indirect.gather [hbm4b:s4+s21], $0x20, s1, s21, $0xb8;
	[tilespmem:$0x18000] =	vst v63  }
0xa5: {  	_ =	swait.ge [sflag:s23], $0x1000  }
0xa6: {  	[sflag:s23] =	ssyncset.done $0x0  }
0xa7: {  	s8 =	simm.s32 $0x11010;
	[sflag:s23] =	ssyncadd.s32 $0xFFFFF000  }
0xa8: {  	v3 =	vld [tilespmem:s8+$0xFFFFFFF0]  }
0xa9: {  	s15 =	simm.s32 $0x1;
	v4 =	vld.idx.msk [tilespmem:v4+s19+$0x0], $0xffff  }
0xaa: {  	v6 =	vmov s15;
	s11 =	simm.s32 $0x2;
	s10 =	simm.s32 $0x11010;
	v5 =	vld [tilespmem:s8+$0x0]  }
.LBB2_11:
0xab: {  	p0 =	sne.s32 s11, $0x7F;
	v6 =	vand.u32 $0x7F, v6  }
0xac: {  	v6 =	vor.u32 v2, v6  }
0xad: {  	v6 =	vbroadcast v6, $0x0;
	_ =	sdelay $0x1  }
0xae: {  	v3 =	vmul.f32 v3, v4;
	v4 =	vmul.f32 v5, v4  }
.Ltmp6:
0xaf: {  	(pc) =	sbr.rel @p0 .LBB2_11-.Ltmp6, $4  }
0xb0: {  	s10 =	sadd.s32 $0x20, s10;
	[tilespmem:s8+$0xFFFFFFF0] =	vst v3  }
0xb1: {  	v3 =	vld [tilespmem:s10+$0xFFFFFFF0];
	[tilespmem:s8+$0x0] =	vst v4;
	s8 =	smov.u32 s10  }
0xb2: {  	v4 =	vld.idx.msk [tilespmem:v6+s19+$0x0], $0xffff  }
0xb3: {  	v6 =	vmov s11;
	s11 =	sadd.s32 $0x1, s11;
	v5 =	vld [tilespmem:s10+$0x0]  }
0xb4: {  	v6 =	vand.u32 $0x7F, v6  }
0xb5: {  	v2 =	vor.u32 v2, v6  }
0xb6: {  	v2 =	vbroadcast v2, $0x0;
	_ =	sdelay $0x1  }
0xb7: {  	v3 =	vmul.f32 v3, v4  }
0xb8: {  	v4 =	vmul.f32 v5, v4  }
0xb9: {  	s10 =	sadd.s32 $0x20, s10;
	[tilespmem:s8+$0xFFFFFFF0] =	vst v3  }
0xba: {  	v3 =	vld [tilespmem:s10+$0xFFFFFFF0];
	[tilespmem:s8+$0x0] =	vst v4  }
0xbb: {  	v2 =	vld.idx.msk [tilespmem:v2+s19+$0x0], $0xffff  }
0xbc: {  	v4 =	vld [tilespmem:s10+$0x0];
	_ =	sdelay $0x3  }
0xbd: {  	v3 =	vmul.f32 v3, v2  }
0xbe: {  	v2 =	vmul.f32 v4, v2  }
0xbf: {  	[tilespmem:s10+$0xFFFFFFF0] =	vst v3  }
0xc0: {  	s6 =	sadd.s32 $0x5000, s6;
	p0 =	seq.s32 s30, $0x27;
	[tilespmem:s10+$0x0] =	vst v2  }
0xc1: {  	[spmem:s2] =	stream.indirect.scatter.add.f32 [tilespmem:s24], [sflag:$0x2], $0x20, s6, s21, $0xb8;
	[tilespmem:$0x18000] =	vst v63  }
0xc2: {  	s15 =	simm.s32 $0x0;
	s6 =	simm.s32 @!p0 $0x2  }
0xc3: {  	s7 =	sshll.u32 s7, $0x7;
	v3 =	vmov s15;
	_ =	swait.ge @!p0 [sflag:s6], $0x1000  }
0xc4: {  	v2 =	vmov s7;
	v3 =	vand.u32 $0x7F, v3;
	[sflag:s6] =	ssyncset.done @!p0 $0x0  }
0xc5: {  	v3 =	vor.u32 v2, v3;
	[sflag:s6] =	ssyncadd.s32 @!p0 $0xFFFFF000;
	s6 =	sshrl.u32 @!p0 s18, $0x2  }
0xc6: {  	s8 =	simm.s32 @!p0 $0xF000;
	s7 =	simm.s32 @!p0 $0x80;
	v4 =	vbroadcast v3, $0x0;
	s6 =	sadd.s32 @!p0 $0x200, s6  }
0xc7: {  	[tilespmem:s8], [sflag:$0x1] =	stream.indirect.gather @!p0 [hbm4b:s4+s7], $0x20, s6, s7, $0xb8;
	[tilespmem:$0x18000] =	vst v63  }
0xc8: {  	_ =	swait.ge [sflag:s23], $0x1000  }
0xc9: {  	[sflag:s23] =	ssyncset.done $0x0  }
0xca: {  	s6 =	simm.s32 $0x12010;
	[sflag:s23] =	ssyncadd.s32 $0xFFFFF000  }
0xcb: {  	v3 =	vld [tilespmem:s6+$0xFFFFFFF0]  }
0xcc: {  	s18 =	simm.s32 $0x1;
	v4 =	vld.idx.msk [tilespmem:v4+s19+$0x0], $0xffff  }
0xcd: {  	v6 =	vmov s18;
	s8 =	simm.s32 $0x2;
	s7 =	simm.s32 $0x12010;
	v5 =	vld [tilespmem:s6+$0x0]  }
.LBB2_13:
0xce: {  	p1 =	sne.s32 s8, $0x7F;
	v6 =	vand.u32 $0x7F, v6  }
0xcf: {  	v6 =	vor.u32 v2, v6  }
0xd0: {  	v6 =	vbroadcast v6, $0x0;
	_ =	sdelay $0x1  }
0xd1: {  	v3 =	vmul.f32 v3, v4;
	v4 =	vmul.f32 v5, v4  }
.Ltmp7:
0xd2: {  	(pc) =	sbr.rel @p1 .LBB2_13-.Ltmp7, $4  }
0xd3: {  	s7 =	sadd.s32 $0x20, s7;
	[tilespmem:s6+$0xFFFFFFF0] =	vst v3  }
0xd4: {  	v3 =	vld [tilespmem:s7+$0xFFFFFFF0];
	[tilespmem:s6+$0x0] =	vst v4;
	s6 =	smov.u32 s7  }
0xd5: {  	v4 =	vld.idx.msk [tilespmem:v6+s19+$0x0], $0xffff  }
0xd6: {  	v6 =	vmov s8;
	s8 =	sadd.s32 $0x1, s8;
	v5 =	vld [tilespmem:s7+$0x0]  }
0xd7: {  	v6 =	vand.u32 $0x7F, v6  }
0xd8: {  	v2 =	vor.u32 v2, v6  }
0xd9: {  	v2 =	vbroadcast v2, $0x0;
	_ =	sdelay $0x1  }
0xda: {  	v3 =	vmul.f32 v3, v4  }
0xdb: {  	v63 =	vmul.f32 v5, v4  }
0xdc: {  	s7 =	sadd.s32 $0x20, s7;
	[tilespmem:s6+$0xFFFFFFF0] =	vst v3  }
0xdd: {  	v3 =	vld [tilespmem:s7+$0xFFFFFFF0];
	[tilespmem:s6+$0x0] =	vst v63  }
0xde: {  	v2 =	vld.idx.msk [tilespmem:v2+s19+$0x0], $0xffff  }
0xdf: {  	v4 =	vld [tilespmem:s7+$0x0];
	_ =	sdelay $0x3  }
0xe0: {  	v3 =	vmul.f32 v3, v2  }
0xe1: {  	v2 =	vmul.f32 v4, v2  }
0xe2: {  	[tilespmem:s7+$0xFFFFFFF0] =	vst v3  }
.Ltmp8:
0xe3: {  	s1 =	sadd.s32 $0x5000, s1;
	[tilespmem:s7+$0x0] =	vst v2;
	(pc) =	sbr.rel @p0 .LBB2_16-.Ltmp8, $4  }
0xe4: {  	[spmem:s2] =	stream.indirect.scatter.add.f32 [tilespmem:s25], [sflag:$0x2], $0x20, s1, s21, $0xb8;
	[tilespmem:$0x18000] =	vst v63  }
0xe5: {  	_ =	swait.ge [sflag:s26], $0x1000  }
0xe6: {  	[sflag:s26] =	ssyncset.done $0x0  }
0xe7: {  	[sflag:s26] =	ssyncadd.s32 $0xFFFFF000  }
.Ltmp9:
0xe8: {  	(pc) =	sbr.rel .LBB2_6-.Ltmp9, $3  }
0xe9: {  	_ =	sdelay $0x1  }
0xea: {  	s0 =	sadd.s32 $0x280, s0;
	s30 =	sadd.s32 $0x1, s30  }
0xeb: {  	[tilespmem:s22], [sflag:$0x1] =	stream.indirect.gather [hbm4b:s4+s21], $0x20, s0, s21, $0xb8;
	[tilespmem:$0x18000] =	vst v63  }
.LBB2_16:
0xec: {  	_ =	swait.ge [sflag:s26], $0x1000  }
0xed: {  	[sflag:s26] =	ssyncset.done $0x0  }
0xee: {  	[sflag:s26] =	ssyncadd.s32 $0xFFFFF000  }
0xef: {  	_ =	swait.ge [sflag:s26], $0x1000  }
0xf0: {  	[sflag:s26] =	ssyncset.done $0x0  }
0xf1: {  	[sflag:s26] =	ssyncadd.s32 $0xFFFFF000  }
0xf2: {  	_ =	swait.ge [sflag:s26], $0x1000  }
0xf3: {  	[sflag:s26] =	ssyncset.done $0x0  }
0xf4: {  	s0 =	stileid.u32;
	[sflag:s26] =	ssyncadd.s32 $0xFFFFF000  }
0xf5: {  	s0 =	sshll.u32 s0, $0x6;
	[bflag:$0x0] =	sbarrier.arrive $0xFFFF  }
0xf6: {  	s30 =	sshrl.u32 s9, $0x3;
	s29 =	sor.u32 $0x1C03, s0;
	s18 =	rddreg [dreg:$0x7]  }
0xf7: {  	[hbm:s18], [sflag:s29] =	dma.local [spmem:s30], $0xA00  }
0xf8: {  	_ =	swait.ge [sflag:s17], $0xA00  }
0xf9: {  	[sflag:s17] =	ssyncset.done $0x0  }
0xfa: {  	s1 =	simm.s32 $0x0;
	s0 =	simm.s32 $0x80;
	[sflag:s17] =	ssyncadd.s32 $0xFFFFF600  }
.LBB2_17:
0xfb: {  	p0 =	sne.s32 s0, $0x3F80;
	[tilespmem:s1+$0xF000] =	vst v1;
	s6 =	smov.u32 s0;
	s0 =	sadd.s32 $0x80, s0  }
.Ltmp10:
0xfc: {  	[tilespmem:s1+$0xF010] =	vst v1;
	(pc) =	sbr.rel @p0 .LBB2_17-.Ltmp10, $2  }
0xfd: {  	_ =	sdelay $0x2  }
0xfe: {  	s1 =	sshra.s32 s6, $0x2  }
0xff: {  	[tilespmem:s1+$0xF000] =	vst v1  }
0x100: {  	[tilespmem:s1+$0xF010] =	vst v1  }
0x101: {  	[spmem:s9] =	stream.linear.scatter [tilespmem:s20], [sflag:$0x3], $0x1000, $0x38;
	[tilespmem:$0x18000] =	vst v63  }
0x102: {  	_ =	swait.ge [sflag:s17], $0x1000  }
0x103: {  	[sflag:s17] =	ssyncset.done $0x0  }
0x104: {  	[sflag:s17] =	ssyncadd.s32 $0xFFFFF000  }
0x105: {  	[spmem:s13] =	stream.linear.scatter [tilespmem:s20], [sflag:$0x3], $0x1000, $0x38;
	[tilespmem:$0x18000] =	vst v63  }
0x106: {  	_ =	swait.ge [sflag:s17], $0x1000  }
0x107: {  	[sflag:s17] =	ssyncset.done $0x0  }
0x108: {  	[sflag:s17] =	ssyncadd.s32 $0xFFFFF000  }
0x109: {  	[spmem:s31] =	stream.linear.scatter [tilespmem:s20], [sflag:$0x3], $0x1000, $0x38;
	[tilespmem:$0x18000] =	vst v63  }
0x10a: {  	_ =	swait.ge [sflag:s17], $0x1000  }
0x10b: {  	[sflag:s17] =	ssyncset.done $0x0  }
0x10c: {  	s0 =	rddreg [dreg:$0xa];
	[sflag:s17] =	ssyncadd.s32 $0xFFFFF000  }
0x10d: {  	[spmem:s0] =	stream.linear.scatter [tilespmem:s20], [sflag:$0x3], $0x1000, $0x38;
	[tilespmem:$0x18000] =	vst v63  }
0x10e: {  	_ =	swait.ge [sflag:s17], $0x1000  }
0x10f: {  	[sflag:s17] =	ssyncset.done $0x0  }
0x110: {  	[sflag:s17] =	ssyncadd.s32 $0xFFFFF000  }
0x111: {  	[spmem:s16] =	stream.linear.scatter [tilespmem:s20], [sflag:$0x3], $0x1000, $0x38;
	[tilespmem:$0x18000] =	vst v63  }
0x112: {  	_ =	swait.ge [sflag:s17], $0x1000  }
0x113: {  	[sflag:s17] =	ssyncset.done $0x0  }
0x114: {  	[sflag:s17] =	ssyncadd.s32 $0xFFFFF000  }
0x115: {  	s15 =	smov.u32 s31;
	s31 =	simm.s32 $0x0;
	[bflag:$0x0] =	sbarrier.arrive $0xFFFF  }
0x116: {  	[tilespmem:s20], [sflag:$0x1] =	stream.indirect.gather [hbm4b:s5+s21], $0x20, s31, s21, $0xb8;
	[tilespmem:$0x18000] =	vst v63  }
0x117: {  	s14 =	smov.u32 s13;
	s0 =	simm.s32 $0x0  }
0x118: {  	[tilespmem:s22], [sflag:$0x1] =	stream.indirect.gather [hbm4b:s5+s21], $0x20, s21, s21, $0xb8;
	[tilespmem:$0x18000] =	vst v63  }
.LBB2_19:
0x119: {  	s1 =	sshll.u32 s0, $0x9;
	v3 =	vmov s31  }
0x11a: {  	v2 =	vmov s1;
	v3 =	vand.u32 $0x7F, v3  }
0x11b: {  	v3 =	vor.u32 v2, v3  }
0x11c: {  	v4 =	vbroadcast v3, $0x0  }
0x11d: {  	_ =	swait.ge [sflag:s23], $0x1000  }
0x11e: {  	[sflag:s23] =	ssyncset.done $0x0  }
0x11f: {  	s1 =	simm.s32 $0xF010;
	[sflag:s23] =	ssyncadd.s32 $0xFFFFF000  }
0x120: {  	v3 =	vld [tilespmem:s1+$0xFFFFFFF0]  }
0x121: {  	s7 =	simm.s32 $0x1;
	v5 =	vld [tilespmem:s1+$0x0]  }
0x122: {  	s6 =	sshll.u32 s0, $0x2;
	s8 =	simm.s32 $0x2;
	v6 =	vmov s7;
	s7 =	simm.s32 $0xF010;
	v4 =	vld.idx.msk [tilespmem:v4+s19+$0x0], $0xffff  }
.LBB2_20:
0x123: {  	p0 =	sne.s32 s8, $0x7F;
	v6 =	vand.u32 $0x7F, v6  }
0x124: {  	v6 =	vor.u32 v2, v6  }
0x125: {  	v6 =	vbroadcast v6, $0x0;
	_ =	sdelay $0x1  }
0x126: {  	v3 =	vmul.f32 v3, v4;
	v4 =	vmul.f32 v5, v4  }
.Ltmp11:
0x127: {  	(pc) =	sbr.rel @p0 .LBB2_20-.Ltmp11, $4  }
0x128: {  	s7 =	sadd.s32 $0x20, s7;
	[tilespmem:s1+$0xFFFFFFF0] =	vst v3  }
0x129: {  	v3 =	vld [tilespmem:s7+$0xFFFFFFF0];
	[tilespmem:s1+$0x0] =	vst v4;
	s1 =	smov.u32 s7  }
0x12a: {  	v4 =	vld.idx.msk [tilespmem:v6+s19+$0x0], $0xffff  }
0x12b: {  	v6 =	vmov s8;
	s8 =	sadd.s32 $0x1, s8;
	v5 =	vld [tilespmem:s7+$0x0]  }
0x12c: {  	v6 =	vand.u32 $0x7F, v6  }
0x12d: {  	v2 =	vor.u32 v2, v6  }
0x12e: {  	v2 =	vbroadcast v2, $0x0;
	_ =	sdelay $0x1  }
0x12f: {  	v3 =	vmul.f32 v3, v4  }
0x130: {  	v4 =	vmul.f32 v5, v4  }
0x131: {  	s7 =	sadd.s32 $0x20, s7;
	[tilespmem:s1+$0xFFFFFFF0] =	vst v3  }
0x132: {  	v3 =	vld [tilespmem:s7+$0xFFFFFFF0];
	[tilespmem:s1+$0x0] =	vst v4  }
0x133: {  	v2 =	vld.idx.msk [tilespmem:v2+s19+$0x0], $0xffff  }
0x134: {  	v4 =	vld [tilespmem:s7+$0x0];
	_ =	sdelay $0x3  }
0x135: {  	v3 =	vmul.f32 v3, v2  }
0x136: {  	s1 =	sshll.u32 s0, $0xB;
	v2 =	vmul.f32 v4, v2  }
0x137: {  	p0 =	seq.s32 s0, $0x0;
	s18 =	sshrl.u32 s1, $0x2;
	[tilespmem:s7+$0xFFFFFFF0] =	vst v3  }
0x138: {  	s12 =	sor.u32 $0x1, s6;
	s8 =	simm.s32 $0x0;
	s11 =	sadd.s32 $0x5000, s18;
	[tilespmem:s7+$0x0] =	vst v2  }
0x139: {  	[spmem:s2] =	stream.indirect.scatter.add.f32 [tilespmem:s20], [sflag:$0x2], $0x20, s11, s21, $0xb8;
	[tilespmem:$0x18000] =	vst v63  }
0x13a: {  	s10 =	sshll.u32 s12, $0x7;
	v3 =	vmov s8;
	s11 =	simm.s32 @!p0 $0x2  }
0x13b: {  	s8 =	sor.u32 $0x2, s6;
	v2 =	vmov s10;
	v3 =	vand.u32 $0x7F, v3;
	_ =	swait.ge @!p0 [sflag:s11], $0x1000  }
0x13c: {  	s13 =	sshll.u32 s8, $0x9;
	v3 =	vor.u32 v2, v3;
	[sflag:s11] =	ssyncset.done @!p0 $0x0  }
0x13d: {  	s7 =	sshrl.u32 s13, $0x2;
	v4 =	vbroadcast v3, $0x0;
	[sflag:s11] =	ssyncadd.s32 @!p0 $0xFFFFF000  }
0x13e: {  	[tilespmem:s24], [sflag:$0x1] =	stream.indirect.gather [hbm4b:s5+s21], $0x20, s7, s21, $0xb8;
	[tilespmem:$0x18000] =	vst v63  }
0x13f: {  	_ =	swait.ge [sflag:s23], $0x1000  }
0x140: {  	[sflag:s23] =	ssyncset.done $0x0  }
0x141: {  	s11 =	simm.s32 $0x10010;
	[sflag:s23] =	ssyncadd.s32 $0xFFFFF000  }
0x142: {  	v3 =	vld [tilespmem:s11+$0xFFFFFFF0]  }
0x143: {  	s12 =	simm.s32 $0x1;
	v4 =	vld.idx.msk [tilespmem:v4+s19+$0x0], $0xffff  }
0x144: {  	v6 =	vmov s12;
	s12 =	simm.s32 $0x10010;
	s13 =	simm.s32 $0x2;
	v5 =	vld [tilespmem:s11+$0x0]  }
.LBB2_22:
0x145: {  	p1 =	sne.s32 s13, $0x7F;
	v6 =	vand.u32 $0x7F, v6  }
0x146: {  	v6 =	vor.u32 v2, v6  }
0x147: {  	v6 =	vbroadcast v6, $0x0;
	_ =	sdelay $0x1  }
0x148: {  	v3 =	vmul.f32 v3, v4;
	v4 =	vmul.f32 v5, v4  }
.Ltmp12:
0x149: {  	(pc) =	sbr.rel @p1 .LBB2_22-.Ltmp12, $4  }
0x14a: {  	s12 =	sadd.s32 $0x20, s12;
	[tilespmem:s11+$0xFFFFFFF0] =	vst v3  }
0x14b: {  	v3 =	vld [tilespmem:s12+$0xFFFFFFF0];
	[tilespmem:s11+$0x0] =	vst v4;
	s11 =	smov.u32 s12  }
0x14c: {  	v4 =	vld.idx.msk [tilespmem:v6+s19+$0x0], $0xffff  }
0x14d: {  	v6 =	vmov s13;
	s13 =	sadd.s32 $0x1, s13;
	v5 =	vld [tilespmem:s12+$0x0]  }
0x14e: {  	v6 =	vand.u32 $0x7F, v6  }
0x14f: {  	v2 =	vor.u32 v2, v6  }
0x150: {  	v2 =	vbroadcast v2, $0x0;
	_ =	sdelay $0x1  }
0x151: {  	v3 =	vmul.f32 v3, v4  }
0x152: {  	v4 =	vmul.f32 v5, v4  }
0x153: {  	s12 =	sadd.s32 $0x20, s12;
	[tilespmem:s11+$0xFFFFFFF0] =	vst v3  }
0x154: {  	v3 =	vld [tilespmem:s12+$0xFFFFFFF0];
	[tilespmem:s11+$0x0] =	vst v4  }
0x155: {  	v2 =	vld.idx.msk [tilespmem:v2+s19+$0x0], $0xffff  }
0x156: {  	v4 =	vld [tilespmem:s12+$0x0];
	_ =	sdelay $0x3  }
0x157: {  	v3 =	vmul.f32 v3, v2  }
0x158: {  	v2 =	vmul.f32 v4, v2  }
0x159: {  	s10 =	sand.u32 $0x3FFFFF80, s10;
	[tilespmem:s12+$0xFFFFFFF0] =	vst v3  }
0x15a: {  	s10 =	sadd.s32 $0x5000, s10;
	s11 =	simm.s32 @!p0 $0x2;
	[tilespmem:s12+$0x0] =	vst v2;
	s12 =	simm.s32 $0x0  }
0x15b: {  	[spmem:s2] =	stream.indirect.scatter.add.f32 [tilespmem:s22], [sflag:$0x2], $0x20, s10, s21, $0xb8;
	[tilespmem:$0x18000] =	vst v63  }
0x15c: {  	s13 =	sshll.u32 s8, $0x7;
	s8 =	sor.u32 $0x3, s6;
	v3 =	vmov s12;
	_ =	swait.ge @!p0 [sflag:s11], $0x1000  }
0x15d: {  	s6 =	sshll.u32 s8, $0x9;
	v2 =	vmov s13;
	v3 =	vand.u32 $0x7F, v3;
	[sflag:s11] =	ssyncset.done @!p0 $0x0  }
0x15e: {  	s6 =	sshrl.u32 s6, $0x2;
	v3 =	vor.u32 v2, v3;
	[sflag:s11] =	ssyncadd.s32 @!p0 $0xFFFFF000  }
0x15f: {  	v4 =	vbroadcast v3, $0x0;
	[tilespmem:s25], [sflag:$0x1] =	stream.indirect.gather [hbm4b:s5+s21], $0x20, s6, s21, $0xb8;
	[tilespmem:$0x18000] =	vst v63  }
0x160: {  	_ =	swait.ge [sflag:s23], $0x1000  }
0x161: {  	[sflag:s23] =	ssyncset.done $0x0  }
0x162: {  	s10 =	simm.s32 $0x11010;
	[sflag:s23] =	ssyncadd.s32 $0xFFFFF000  }
0x163: {  	v3 =	vld [tilespmem:s10+$0xFFFFFFF0]  }
0x164: {  	s13 =	simm.s32 $0x1;
	v5 =	vld [tilespmem:s10+$0x0]  }
0x165: {  	v6 =	vmov s13;
	s12 =	simm.s32 $0x2;
	s11 =	simm.s32 $0x11010;
	v4 =	vld.idx.msk [tilespmem:v4+s19+$0x0], $0xffff  }
.LBB2_24:
0x166: {  	p0 =	sne.s32 s12, $0x7F;
	v6 =	vand.u32 $0x7F, v6  }
0x167: {  	v6 =	vor.u32 v2, v6  }
0x168: {  	v6 =	vbroadcast v6, $0x0;
	_ =	sdelay $0x1  }
0x169: {  	v3 =	vmul.f32 v3, v4;
	v4 =	vmul.f32 v5, v4  }
.Ltmp13:
0x16a: {  	(pc) =	sbr.rel @p0 .LBB2_24-.Ltmp13, $4  }
0x16b: {  	s11 =	sadd.s32 $0x20, s11;
	[tilespmem:s10+$0xFFFFFFF0] =	vst v3  }
0x16c: {  	v3 =	vld [tilespmem:s11+$0xFFFFFFF0];
	[tilespmem:s10+$0x0] =	vst v4;
	s10 =	smov.u32 s11  }
0x16d: {  	v4 =	vld.idx.msk [tilespmem:v6+s19+$0x0], $0xffff  }
0x16e: {  	v6 =	vmov s12;
	s12 =	sadd.s32 $0x1, s12;
	v5 =	vld [tilespmem:s11+$0x0]  }
0x16f: {  	v6 =	vand.u32 $0x7F, v6  }
0x170: {  	v2 =	vor.u32 v2, v6  }
0x171: {  	v2 =	vbroadcast v2, $0x0;
	_ =	sdelay $0x1  }
0x172: {  	v3 =	vmul.f32 v3, v4  }
0x173: {  	v4 =	vmul.f32 v5, v4  }
0x174: {  	s11 =	sadd.s32 $0x20, s11;
	[tilespmem:s10+$0xFFFFFFF0] =	vst v3  }
0x175: {  	v3 =	vld [tilespmem:s11+$0xFFFFFFF0];
	[tilespmem:s10+$0x0] =	vst v4  }
0x176: {  	v2 =	vld.idx.msk [tilespmem:v2+s19+$0x0], $0xffff  }
0x177: {  	v4 =	vld [tilespmem:s11+$0x0];
	_ =	sdelay $0x3  }
0x178: {  	v3 =	vmul.f32 v3, v2  }
0x179: {  	v2 =	vmul.f32 v4, v2  }
0x17a: {  	[tilespmem:s11+$0xFFFFFFF0] =	vst v3  }
0x17b: {  	s7 =	sadd.s32 $0x5000, s7;
	p0 =	seq.s32 s0, $0x27;
	s12 =	simm.s32 $0x0;
	[tilespmem:s11+$0x0] =	vst v2  }
0x17c: {  	[spmem:s2] =	stream.indirect.scatter.add.f32 [tilespmem:s24], [sflag:$0x2], $0x20, s7, s21, $0xb8;
	[tilespmem:$0x18000] =	vst v63  }
0x17d: {  	s8 =	sshll.u32 s8, $0x7;
	v3 =	vmov s12;
	s7 =	simm.s32 @!p0 $0x2  }
0x17e: {  	s1 =	sshrl.u32 @!p0 s1, $0x2;
	v2 =	vmov s8;
	v3 =	vand.u32 $0x7F, v3;
	_ =	swait.ge @!p0 [sflag:s7], $0x1000  }
0x17f: {  	s1 =	sadd.s32 @!p0 $0x200, s1;
	v3 =	vor.u32 v2, v3;
	[sflag:s7] =	ssyncset.done @!p0 $0x0  }
0x180: {  	s8 =	simm.s32 @!p0 $0xF000;
	v4 =	vbroadcast v3, $0x0;
	[sflag:s7] =	ssyncadd.s32 @!p0 $0xFFFFF000;
	s7 =	simm.s32 @!p0 $0x80  }
0x181: {  	[tilespmem:s8], [sflag:$0x1] =	stream.indirect.gather @!p0 [hbm4b:s5+s7], $0x20, s1, s7, $0xb8;
	[tilespmem:$0x18000] =	vst v63  }
0x182: {  	_ =	swait.ge [sflag:s23], $0x1000  }
0x183: {  	[sflag:s23] =	ssyncset.done $0x0  }
0x184: {  	s1 =	simm.s32 $0x12010;
	[sflag:s23] =	ssyncadd.s32 $0xFFFFF000  }
0x185: {  	v3 =	vld [tilespmem:s1+$0xFFFFFFF0]  }
0x186: {  	s13 =	simm.s32 $0x1;
	v4 =	vld.idx.msk [tilespmem:v4+s19+$0x0], $0xffff  }
0x187: {  	v6 =	vmov s13;
	s8 =	simm.s32 $0x2;
	s7 =	simm.s32 $0x12010;
	v5 =	vld [tilespmem:s1+$0x0]  }
.LBB2_26:
0x188: {  	p1 =	sne.s32 s8, $0x7F;
	v6 =	vand.u32 $0x7F, v6  }
0x189: {  	v6 =	vor.u32 v2, v6  }
0x18a: {  	v6 =	vbroadcast v6, $0x0;
	_ =	sdelay $0x1  }
0x18b: {  	v3 =	vmul.f32 v3, v4;
	v4 =	vmul.f32 v5, v4  }
.Ltmp14:
0x18c: {  	(pc) =	sbr.rel @p1 .LBB2_26-.Ltmp14, $4  }
0x18d: {  	s7 =	sadd.s32 $0x20, s7;
	[tilespmem:s1+$0xFFFFFFF0] =	vst v3  }
0x18e: {  	v3 =	vld [tilespmem:s7+$0xFFFFFFF0];
	[tilespmem:s1+$0x0] =	vst v4;
	s1 =	smov.u32 s7  }
0x18f: {  	v4 =	vld.idx.msk [tilespmem:v6+s19+$0x0], $0xffff  }
0x190: {  	v6 =	vmov s8;
	s8 =	sadd.s32 $0x1, s8;
	v5 =	vld [tilespmem:s7+$0x0]  }
0x191: {  	v6 =	vand.u32 $0x7F, v6  }
0x192: {  	v2 =	vor.u32 v2, v6  }
0x193: {  	v2 =	vbroadcast v2, $0x0;
	_ =	sdelay $0x1  }
0x194: {  	v3 =	vmul.f32 v3, v4  }
0x195: {  	v63 =	vmul.f32 v5, v4  }
0x196: {  	s7 =	sadd.s32 $0x20, s7;
	[tilespmem:s1+$0xFFFFFFF0] =	vst v3  }
0x197: {  	v3 =	vld [tilespmem:s7+$0xFFFFFFF0];
	[tilespmem:s1+$0x0] =	vst v63  }
0x198: {  	v2 =	vld.idx.msk [tilespmem:v2+s19+$0x0], $0xffff  }
0x199: {  	v4 =	vld [tilespmem:s7+$0x0];
	_ =	sdelay $0x3  }
0x19a: {  	v3 =	vmul.f32 v3, v2  }
0x19b: {  	v2 =	vmul.f32 v4, v2  }
0x19c: {  	[tilespmem:s7+$0xFFFFFFF0] =	vst v3  }
.Ltmp15:
0x19d: {  	s13 =	sadd.s32 $0x5000, s6;
	[tilespmem:s7+$0x0] =	vst v2;
	(pc) =	sbr.rel @p0 .LBB2_29-.Ltmp15, $4  }
0x19e: {  	[spmem:s2] =	stream.indirect.scatter.add.f32 [tilespmem:s25], [sflag:$0x2], $0x20, s13, s21, $0xb8;
	[tilespmem:$0x18000] =	vst v63  }
0x19f: {  	_ =	swait.ge [sflag:s26], $0x1000  }
0x1a0: {  	[sflag:s26] =	ssyncset.done $0x0  }
0x1a1: {  	[sflag:s26] =	ssyncadd.s32 $0xFFFFF000  }
.Ltmp16:
0x1a2: {  	(pc) =	sbr.rel .LBB2_19-.Ltmp16, $3  }
0x1a3: {  	_ =	sdelay $0x1  }
0x1a4: {  	s1 =	sadd.s32 $0x280, s18;
	s0 =	sadd.s32 $0x1, s0  }
0x1a5: {  	[tilespmem:s22], [sflag:$0x1] =	stream.indirect.gather [hbm4b:s5+s21], $0x20, s1, s21, $0xb8;
	[tilespmem:$0x18000] =	vst v63  }
.LBB2_30:
0x1a6: {  	_ =	sfence.sel $0x180000  }
0x1a7: {  	[bflag:$0x0] =	sbarrier.arrive $0xFFFF  }
0x1a8: {  	_ =	strace $0x9000004A  }
0x1a9: {  	s0 =	stileid.u32;
	[bflag:$0x2] =	sbarrier.arrive $0xFFFF  }
0x1aa: {  	p0 =	sne.s32 s0, $0x0;
	s0 =	rddreg [dreg:$0x3]  }
0x1ab: {  	s0 =	sadd.s32 @!p0 $0x100000, s0  }
0x1ac: {  	[sflag:s0] =	ssyncadd.tile.s32 @!p0 $0x1;
	_ =	shalt  }
.Lfunc_end2:
_tile_overlayer_lowered:
.L_overlay_start_2:
0x1ad: {  	(tag) =	ssettag $0x2  }
0x1ae: {  	s0 =	rddreg [dreg:$0x0];
	s2 =	stileid.u32  }
0x1af: {  	s1 =	rddreg [dreg:$0x1];
	p0 =	sne.s32 s2, $0x0  }
0x1b0: {  	s3 =	rddreg [dreg:$0x2];
	[bflag:$0x3] =	sbarrier.arrive $0xFFFF;
	s2 =	simm.s32 @!p0 $0x1C03  }
0x1b1: {  	[timem:s3], [sflag:s2] =	dma.local @!p0 [hbm:s0], s1  }
0x1b2: {  	s0 =	simm.s32 @!p0 $0x3  }
0x1b3: {  	_ =	swait.ge @!p0 [sflag:s0], s1  }
0x1b4: {  	s1 =	ssub.s32 @!p0 $0x0, s1;
	[sflag:s0] =	ssyncset.done @!p0 $0x0  }
0x1b5: {  	[sflag:s0] =	ssyncadd.s32 @!p0 s1  }
0x1b6: {  	[bflag:$0x3] =	sbarrier.arrive $0xFFFF  }
0x1b7: {  	_ =	shalt  }

</sc_bundles>
